<compile_context>
chip_gen: v7x
topology: tpu7x:2x2x1
jax: 0.10.2.dev20260603
libtpu: 0.0.44.dev20260713+nightly
codegen_flags: <defaults>
</compile_context>

<pallas_src>
import functools
import math

import jax
import jax.numpy as jnp
import numpy as np
from jax import lax
from jax.experimental import pallas as pl
from jax.experimental.pallas import tpu as pltpu
from jax.experimental.pallas import tpu_sc as plsc

VOCAB = 1000000
D = 64
L = 200
B = 4096
N = B * L

NC = 2
NS = 16
NW = NC * NS
S = N // NW
C = 128
NCH = S // C
NBUF = 4
SCALE = math.sqrt(float(D))


def _sinusoidal_pe_np(max_len, d):
    pos = np.arange(max_len, dtype=np.float32)[:, None]
    div = np.exp(np.arange(0, d, 2, dtype=np.float32) * (-np.log(10000.0) / d))
    pe = np.zeros((max_len, d), dtype=np.float32)
    pe[:, 0::2] = np.sin(pos * div)
    pe[:, 1::2] = np.cos(pos * div)
    return pe


_PE2 = np.tile(_sinusoidal_pe_np(L, D), (2, 1)).reshape(L, 2 * D)


def _sc_body(table_hbm, idx_hbm, pe_hbm, out_hbm,
             idx_v, pe_v, in_v, out_v,
             g0, g1, g2, g3, s0, s1, s2, s3):
    gsem = [g0, g1, g2, g3]
    ssem = [s0, s1, s2, s3]
    wid = lax.axis_index("s") * NC + lax.axis_index("c")
    base = wid * S

    pltpu.sync_copy(idx_hbm.at[wid], idx_v)
    pltpu.sync_copy(pe_hbm, pe_v)

    for j in range(NBUF):
        pltpu.make_async_copy(
            table_hbm.at[idx_v.at[j]], in_v.at[j], gsem[j]).start()

    def outer(o, carry):
        for j in range(NBUF):
            k = o * NBUF + j
            pltpu.make_async_copy(
                table_hbm.at[idx_v.at[k]], in_v.at[j], gsem[j]).wait()
            @pl.when(k >= NBUF)
            def _():
                pltpu.make_async_copy(
                    out_v.at[j], out_hbm.at[pl.ds(base // 2, C // 2)],
                    ssem[j]).wait()

            pq = lax.rem(k * C, L) // 2

            @plsc.parallel_loop(0, C // 2, step=1, unroll=4)
            def fma_pairs(q):
                r0 = 2 * q
                for s in range(8):
                    row = in_v[j, r0 + s // 4, pl.ds((s % 4) * 16, 16)]
                    pev = pe_v[pq + q, pl.ds(s * 16, 16)]
                    out_v[j, q, pl.ds(s * 16, 16)] = row * SCALE + pev

            @pl.when(k + NBUF < NCH)
            def _():
                pltpu.make_async_copy(
                    table_hbm.at[idx_v.at[k + NBUF]], in_v.at[j],
                    gsem[j]).start()

            pltpu.make_async_copy(
                out_v.at[j], out_hbm.at[pl.ds((base + k * C) // 2, C // 2)],
                ssem[j]).start()
        return carry

    lax.fori_loop(0, NCH // NBUF, outer, 0, unroll=False)

    for j in range(NBUF):
        pltpu.make_async_copy(
            out_v.at[j], out_hbm.at[pl.ds(base // 2, C // 2)], ssem[j]).wait()


def kernel(tokens, table):
    idx = tokens.astype(jnp.int32).reshape(NW, NCH, C)
    pe2 = jnp.asarray(_PE2)

    mesh = plsc.VectorSubcoreMesh(core_axis_name="c", subcore_axis_name="s")
    run = functools.partial(
        pl.kernel,
        mesh=mesh,
        compiler_params=pltpu.CompilerParams(use_tc_tiling_on_sc=False),
        out_type=jax.ShapeDtypeStruct((N // 2, 2 * D), jnp.float32),
        scratch_types=[
            pltpu.VMEM((NCH, C), jnp.int32),
            pltpu.VMEM((L, 2 * D), jnp.float32),
            pltpu.VMEM((NBUF, C, D), jnp.float32),
            pltpu.VMEM((NBUF, C // 2, 2 * D), jnp.float32),
        ] + [pltpu.SemaphoreType.DMA] * (2 * NBUF),
    )(_sc_body)

    out = run(table, idx, pe2)
    return out.reshape(B, L, D)

# --- scband reference (transcript-rebuilt; emitter-appended) ---
"""Pipeline reference for scband-encoder-42202348651025 (READ-ONLY COPY).

The authoritative reference and input builder live on the scoring server;
editing this copy changes nothing except your own understanding.
"""

import jax, jax.numpy as jnp
import numpy as np

VOCAB = 1000000
EMBED_DIM = 64
MAX_SEQ_LEN = 200
BATCH = 4096

def _sinusoidal_pe(max_len, d):
    pos = np.arange(max_len, dtype=np.float32)[:, None]
    div = np.exp(np.arange(0, d, 2, dtype=np.float32) * (-np.log(10000.0) / d))
    pe = np.zeros((max_len, d), dtype=np.float32)
    pe[:, 0::2] = np.sin(pos * div)
    pe[:, 1::2] = np.cos(pos * div)
    return jnp.asarray(pe)

def setup_inputs(seed: int = 0) -> dict:
    key = jax.random.key(seed)
    k1, k2 = jax.random.split(key)
    tokens = jax.random.randint(k1, (BATCH, MAX_SEQ_LEN), 0, VOCAB, dtype=jnp.int64 if jax.config.jax_enable_x64 else jnp.int32)
    table = jax.random.normal(k2, (VOCAB, EMBED_DIM), dtype=jnp.float32) * 0.02
    return {"tokens": tokens, "table": table}

def reference(tokens, table):
    # TokenEmbedding: embedding lookup scaled by sqrt(d_model)
    emb = jnp.take(table, tokens, axis=0) * jnp.sqrt(jnp.float32(EMBED_DIM))
    # PositionalEncoder: fixed sinusoidal positional encoding added
    pe = _sinusoidal_pe(MAX_SEQ_LEN, EMBED_DIM)
    L = tokens.shape[1]
    return emb + pe[None, :L, :]

if __name__ == "__main__":
    import jax
    _d = setup_inputs()
    print(jax.jit(kernel)(*tuple(_d.values())))

</pallas_src>

<mosaic_0001>
#map = affine_map<(d0, d1) -> (0, 0)>
#map1 = affine_map<(d0, d1) -> (0, 0, 0)>
module attributes {stable_mosaic.version = 14 : i64} {
  func.func @_sc_body(%arg0: i32, %arg1: i32, %arg2: memref<1000000x64xf32, #tpu.memory_space<hbm>>, %arg3: memref<32x200x128xi32, #tpu.memory_space<hbm>>, %arg4: memref<200x128xf32, #tpu.memory_space<hbm>>, %arg5: memref<409600x128xf32, #tpu.memory_space<hbm>>, %arg6: memref<200x128xi32, #tpu.memory_space<vmem>>, %arg7: memref<200x128xf32, #tpu.memory_space<vmem>>, %arg8: memref<4x128x64xf32, #tpu.memory_space<vmem>>, %arg9: memref<4x64x128xf32, #tpu.memory_space<vmem>>, %arg10: memref<!tpu.dma_semaphore, #tpu.memory_space<semaphore_mem>>, %arg11: memref<!tpu.dma_semaphore, #tpu.memory_space<semaphore_mem>>, %arg12: memref<!tpu.dma_semaphore, #tpu.memory_space<semaphore_mem>>, %arg13: memref<!tpu.dma_semaphore, #tpu.memory_space<semaphore_mem>>, %arg14: memref<!tpu.dma_semaphore, #tpu.memory_space<semaphore_mem>>, %arg15: memref<!tpu.dma_semaphore, #tpu.memory_space<semaphore_mem>>, %arg16: memref<!tpu.dma_semaphore, #tpu.memory_space<semaphore_mem>>, %arg17: memref<!tpu.dma_semaphore, #tpu.memory_space<semaphore_mem>>) attributes {dimension_semantics = [#tpu.dimension_semantics<core_parallel>, #tpu.dimension_semantics<subcore_parallel>], iteration_bounds = array<i64: 2, 16>, scalar_prefetch = 0 : i64, scratch_operands = 12 : i64, tpu.core_type = #tpu.core_type<sc_vector_subcore>, window_params = [{transform_indices = #map}, {transform_indices = #map1}, {transform_indices = #map}, {transform_indices = #map}]} {
    %mul3A = arith.constant 2 : i32
    %mul3A_0 = arith.muli %arg1, %mul3A : i32
    %add3A = arith.addi %mul3A_0, %arg0 : i32
    %mul3A_1 = arith.constant 25600 : i32
    %mul3A_2 = arith.muli %add3A, %mul3A_1 : i32
    "tpu.region"() ({
      %run_scoped3A = tpu.sem_alloc : memref<!tpu.dma_semaphore, #tpu.memory_space<semaphore_mem>>
      %dma_start3A_194 = arith.constant 0 : i32
      %dma_start3A_195 = arith.constant 0 : i32
      %dma_start3A_196 = tpu.memref_slice %arg3[%add3A, %dma_start3A_194, %dma_start3A_195] : memref<32x200x128xi32, #tpu.memory_space<hbm>> -> memref<1x200x128xi32, #tpu.memory_space<hbm>>
      %dma_start3A_197 = tpu.memref_squeeze %dma_start3A_196 : memref<1x200x128xi32, #tpu.memory_space<hbm>> -> memref<200x128xi32, #tpu.memory_space<hbm>>
      %dma_start3A_198 = arith.constant 0 : i32
      %dma_start3A_199 = arith.constant 0 : i32
      %dma_start3A_200 = tpu.memref_slice %arg3[%add3A, %dma_start3A_198, %dma_start3A_199] : memref<32x200x128xi32, #tpu.memory_space<hbm>> -> memref<1x200x128xi32, #tpu.memory_space<hbm>>
      %dma_start3A_201 = tpu.memref_squeeze %dma_start3A_200 : memref<1x200x128xi32, #tpu.memory_space<hbm>> -> memref<200x128xi32, #tpu.memory_space<hbm>>
      tpu.enqueue_dma source(%dma_start3A_201 : memref<200x128xi32, #tpu.memory_space<hbm>>) target(%arg6 : memref<200x128xi32, #tpu.memory_space<vmem>>) target_semaphore(%run_scoped3A : memref<!tpu.dma_semaphore, #tpu.memory_space<semaphore_mem>>)
      %dma_wait3A_202 = arith.constant 0 : i32
      %dma_wait3A_203 = arith.constant 0 : i32
      %dma_wait3A_204 = tpu.memref_slice %arg3[%add3A, %dma_wait3A_202, %dma_wait3A_203] : memref<32x200x128xi32, #tpu.memory_space<hbm>> -> memref<1x200x128xi32, #tpu.memory_space<hbm>>
      %dma_wait3A_205 = tpu.memref_squeeze %dma_wait3A_204 : memref<1x200x128xi32, #tpu.memory_space<hbm>> -> memref<200x128xi32, #tpu.memory_space<hbm>>
      %dma_wait3A_206 = arith.constant 0 : i32
      %dma_wait3A_207 = arith.constant 0 : i32
      %dma_wait3A_208 = tpu.memref_slice %arg3[%add3A, %dma_wait3A_206, %dma_wait3A_207] : memref<32x200x128xi32, #tpu.memory_space<hbm>> -> memref<1x200x128xi32, #tpu.memory_space<hbm>>
      %dma_wait3A_209 = tpu.memref_squeeze %dma_wait3A_208 : memref<1x200x128xi32, #tpu.memory_space<hbm>> -> memref<200x128xi32, #tpu.memory_space<hbm>>
      tpu.wait_dma2 semaphore(%run_scoped3A : memref<!tpu.dma_semaphore, #tpu.memory_space<semaphore_mem>>) src(%dma_wait3A_209 : memref<200x128xi32, #tpu.memory_space<hbm>>) dst(%arg6 : memref<200x128xi32, #tpu.memory_space<vmem>>)
      tpu.yield
    }) : () -> ()
    "tpu.region"() ({
      %run_scoped3A = tpu.sem_alloc : memref<!tpu.dma_semaphore, #tpu.memory_space<semaphore_mem>>
      tpu.enqueue_dma source(%arg4 : memref<200x128xf32, #tpu.memory_space<hbm>>) target(%arg7 : memref<200x128xf32, #tpu.memory_space<vmem>>) target_semaphore(%run_scoped3A : memref<!tpu.dma_semaphore, #tpu.memory_space<semaphore_mem>>)
      tpu.wait_dma2 semaphore(%run_scoped3A : memref<!tpu.dma_semaphore, #tpu.memory_space<semaphore_mem>>) src(%arg4 : memref<200x128xf32, #tpu.memory_space<hbm>>) dst(%arg7 : memref<200x128xf32, #tpu.memory_space<vmem>>)
      tpu.yield
    }) : () -> ()
    %dma_start3A = arith.constant 0 : i32
    %dma_start3A_3 = arith.constant 0 : i32
    %dma_start3A_4 = arith.constant 0 : i32
    %dma_start3A_5 = arith.constant 0 : i32
    %dma_start3A_6 = tpu.memref_slice %arg8[%dma_start3A_3, %dma_start3A_4, %dma_start3A_5] : memref<4x128x64xf32, #tpu.memory_space<vmem>> -> memref<1x128x64xf32, #tpu.memory_space<vmem>>
    %dma_start3A_7 = tpu.memref_squeeze %dma_start3A_6 : memref<1x128x64xf32, #tpu.memory_space<vmem>> -> memref<128x64xf32, #tpu.memory_space<vmem>>
    %dma_start3A_8 = arith.constant 0 : i32
    %dma_start3A_9 = tpu.memref_slice %arg6[%dma_start3A, %dma_start3A_8] : memref<200x128xi32, #tpu.memory_space<vmem>> -> memref<1x128xi32, #tpu.memory_space<vmem>>
    %dma_start3A_10 = tpu.memref_squeeze %dma_start3A_9 : memref<1x128xi32, #tpu.memory_space<vmem>> -> memref<128xi32, #tpu.memory_space<vmem>>
    %dma_start3A_11 = arith.constant 0 : i32
    %dma_start3A_12 = arith.constant 0 : i32
    %dma_start3A_13 = tpu.memref_slice %arg2[%dma_start3A_11, %dma_start3A_12] : memref<1000000x64xf32, #tpu.memory_space<hbm>> -> memref<1000000x64xf32, #tpu.memory_space<hbm>>
    tpu.enqueue_indirect_dma source(%dma_start3A_13 : memref<1000000x64xf32, #tpu.memory_space<hbm>>) target(%dma_start3A_7 : memref<128x64xf32, #tpu.memory_space<vmem>>) offsets(%dma_start3A_10 : memref<128xi32, #tpu.memory_space<vmem>>) semaphore(%arg10 : memref<!tpu.dma_semaphore, #tpu.memory_space<semaphore_mem>>)
    %dma_start3A_14 = arith.constant 1 : i32
    %dma_start3A_15 = arith.constant 1 : i32
    %dma_start3A_16 = arith.constant 0 : i32
    %dma_start3A_17 = arith.constant 0 : i32
    %dma_start3A_18 = tpu.memref_slice %arg8[%dma_start3A_15, %dma_start3A_16, %dma_start3A_17] : memref<4x128x64xf32, #tpu.memory_space<vmem>> -> memref<1x128x64xf32, #tpu.memory_space<vmem>>
    %dma_start3A_19 = tpu.memref_squeeze %dma_start3A_18 : memref<1x128x64xf32, #tpu.memory_space<vmem>> -> memref<128x64xf32, #tpu.memory_space<vmem>>
    %dma_start3A_20 = arith.constant 0 : i32
    %dma_start3A_21 = tpu.memref_slice %arg6[%dma_start3A_14, %dma_start3A_20] : memref<200x128xi32, #tpu.memory_space<vmem>> -> memref<1x128xi32, #tpu.memory_space<vmem>>
    %dma_start3A_22 = tpu.memref_squeeze %dma_start3A_21 : memref<1x128xi32, #tpu.memory_space<vmem>> -> memref<128xi32, #tpu.memory_space<vmem>>
    %dma_start3A_23 = arith.constant 0 : i32
    %dma_start3A_24 = arith.constant 0 : i32
    %dma_start3A_25 = tpu.memref_slice %arg2[%dma_start3A_23, %dma_start3A_24] : memref<1000000x64xf32, #tpu.memory_space<hbm>> -> memref<1000000x64xf32, #tpu.memory_space<hbm>>
    tpu.enqueue_indirect_dma source(%dma_start3A_25 : memref<1000000x64xf32, #tpu.memory_space<hbm>>) target(%dma_start3A_19 : memref<128x64xf32, #tpu.memory_space<vmem>>) offsets(%dma_start3A_22 : memref<128xi32, #tpu.memory_space<vmem>>) semaphore(%arg11 : memref<!tpu.dma_semaphore, #tpu.memory_space<semaphore_mem>>)
    %dma_start3A_26 = arith.constant 2 : i32
    %dma_start3A_27 = arith.constant 2 : i32
    %dma_start3A_28 = arith.constant 0 : i32
    %dma_start3A_29 = arith.constant 0 : i32
    %dma_start3A_30 = tpu.memref_slice %arg8[%dma_start3A_27, %dma_start3A_28, %dma_start3A_29] : memref<4x128x64xf32, #tpu.memory_space<vmem>> -> memref<1x128x64xf32, #tpu.memory_space<vmem>>
    %dma_start3A_31 = tpu.memref_squeeze %dma_start3A_30 : memref<1x128x64xf32, #tpu.memory_space<vmem>> -> memref<128x64xf32, #tpu.memory_space<vmem>>
    %dma_start3A_32 = arith.constant 0 : i32
    %dma_start3A_33 = tpu.memref_slice %arg6[%dma_start3A_26, %dma_start3A_32] : memref<200x128xi32, #tpu.memory_space<vmem>> -> memref<1x128xi32, #tpu.memory_space<vmem>>
    %dma_start3A_34 = tpu.memref_squeeze %dma_start3A_33 : memref<1x128xi32, #tpu.memory_space<vmem>> -> memref<128xi32, #tpu.memory_space<vmem>>
    %dma_start3A_35 = arith.constant 0 : i32
    %dma_start3A_36 = arith.constant 0 : i32
    %dma_start3A_37 = tpu.memref_slice %arg2[%dma_start3A_35, %dma_start3A_36] : memref<1000000x64xf32, #tpu.memory_space<hbm>> -> memref<1000000x64xf32, #tpu.memory_space<hbm>>
    tpu.enqueue_indirect_dma source(%dma_start3A_37 : memref<1000000x64xf32, #tpu.memory_space<hbm>>) target(%dma_start3A_31 : memref<128x64xf32, #tpu.memory_space<vmem>>) offsets(%dma_start3A_34 : memref<128xi32, #tpu.memory_space<vmem>>) semaphore(%arg12 : memref<!tpu.dma_semaphore, #tpu.memory_space<semaphore_mem>>)
    %dma_start3A_38 = arith.constant 3 : i32
    %dma_start3A_39 = arith.constant 3 : i32
    %dma_start3A_40 = arith.constant 0 : i32
    %dma_start3A_41 = arith.constant 0 : i32
    %dma_start3A_42 = tpu.memref_slice %arg8[%dma_start3A_39, %dma_start3A_40, %dma_start3A_41] : memref<4x128x64xf32, #tpu.memory_space<vmem>> -> memref<1x128x64xf32, #tpu.memory_space<vmem>>
    %dma_start3A_43 = tpu.memref_squeeze %dma_start3A_42 : memref<1x128x64xf32, #tpu.memory_space<vmem>> -> memref<128x64xf32, #tpu.memory_space<vmem>>
    %dma_start3A_44 = arith.constant 0 : i32
    %dma_start3A_45 = tpu.memref_slice %arg6[%dma_start3A_38, %dma_start3A_44] : memref<200x128xi32, #tpu.memory_space<vmem>> -> memref<1x128xi32, #tpu.memory_space<vmem>>
    %dma_start3A_46 = tpu.memref_squeeze %dma_start3A_45 : memref<1x128xi32, #tpu.memory_space<vmem>> -> memref<128xi32, #tpu.memory_space<vmem>>
    %dma_start3A_47 = arith.constant 0 : i32
    %dma_start3A_48 = arith.constant 0 : i32
    %dma_start3A_49 = tpu.memref_slice %arg2[%dma_start3A_47, %dma_start3A_48] : memref<1000000x64xf32, #tpu.memory_space<hbm>> -> memref<1000000x64xf32, #tpu.memory_space<hbm>>
    tpu.enqueue_indirect_dma source(%dma_start3A_49 : memref<1000000x64xf32, #tpu.memory_space<hbm>>) target(%dma_start3A_43 : memref<128x64xf32, #tpu.memory_space<vmem>>) offsets(%dma_start3A_46 : memref<128xi32, #tpu.memory_space<vmem>>) semaphore(%arg13 : memref<!tpu.dma_semaphore, #tpu.memory_space<semaphore_mem>>)
    %scan3A = arith.constant 0 : i32
    %scan3A_50 = arith.constant 0 : i32
    %scan3A_51 = arith.constant 50 : i32
    %scan3A_52 = arith.addi %scan3A_50, %scan3A_51 : i32
    %scan3A_53 = arith.constant 1 : i32
    scf.for %scan3A_194 = %scan3A_50 to %scan3A_52 step %scan3A_53  : i32 {
      %mul3A_195 = arith.constant 4 : i32
      %mul3A_196 = arith.muli %scan3A_194, %mul3A_195 : i32
      %add3A_197 = arith.constant 0 : i32
      %add3A_198 = arith.addi %mul3A_196, %add3A_197 : i32
      %dma_wait3A_199 = arith.constant 0 : i32
      %dma_wait3A_200 = arith.constant 0 : i32
      %dma_wait3A_201 = arith.constant 0 : i32
      %dma_wait3A_202 = tpu.memref_slice %arg8[%dma_wait3A_199, %dma_wait3A_200, %dma_wait3A_201] : memref<4x128x64xf32, #tpu.memory_space<vmem>> -> memref<1x128x64xf32, #tpu.memory_space<vmem>>
      %dma_wait3A_203 = tpu.memref_squeeze %dma_wait3A_202 : memref<1x128x64xf32, #tpu.memory_space<vmem>> -> memref<128x64xf32, #tpu.memory_space<vmem>>
      %dma_wait3A_204 = arith.constant 0 : i32
      %dma_wait3A_205 = tpu.memref_slice %arg6[%add3A_198, %dma_wait3A_204] : memref<200x128xi32, #tpu.memory_space<vmem>> -> memref<1x128xi32, #tpu.memory_space<vmem>>
      %dma_wait3A_206 = tpu.memref_squeeze %dma_wait3A_205 : memref<1x128xi32, #tpu.memory_space<vmem>> -> memref<128xi32, #tpu.memory_space<vmem>>
      %dma_wait3A_207 = arith.constant 0 : i32
      %dma_wait3A_208 = arith.constant 0 : i32
      %dma_wait3A_209 = tpu.memref_slice %arg2[%dma_wait3A_207, %dma_wait3A_208] : memref<1000000x64xf32, #tpu.memory_space<hbm>> -> memref<1000000x64xf32, #tpu.memory_space<hbm>>
      tpu.wait_indirect_dma semaphore(%arg10 : memref<!tpu.dma_semaphore, #tpu.memory_space<semaphore_mem>>) src(%dma_wait3A_209 : memref<1000000x64xf32, #tpu.memory_space<hbm>>) dst(%dma_wait3A_203 : memref<128x64xf32, #tpu.memory_space<vmem>>)
      %ge3A = arith.constant 4 : i32
      %ge3A_210 = arith.cmpi sge, %add3A_198, %ge3A : i32
      %convert_element_type3A = arith.extui %ge3A_210 : i1 to i32
      %cond3A = arith.constant 0 : i32
      %cond3A_211 = arith.cmpi ne, %convert_element_type3A, %cond3A : i32
      scf.if %cond3A_211 {
        %jit3A_582 = arith.constant 2 : i32
        %div3A_583 = arith.divsi %mul3A_2, %jit3A_582 : i32
        %sign3A_584 = arith.constant 0 : i32
        %sign3A_585 = arith.cmpi sgt, %mul3A_2, %sign3A_584 : i32
        %sign3A_586 = arith.extui %sign3A_585 : i1 to i32
        %sign3A_587 = arith.constant 0 : i32
        %sign3A_588 = arith.cmpi slt, %mul3A_2, %sign3A_587 : i32
        %sign3A_589 = arith.extui %sign3A_588 : i1 to i32
        %sign3A_590 = arith.subi %sign3A_586, %sign3A_589 : i32
        %sign3A_591 = arith.constant 0 : i32
        %sign3A_592 = arith.cmpi sgt, %jit3A_582, %sign3A_591 : i32
        %sign3A_593 = arith.extui %sign3A_592 : i1 to i32
        %sign3A_594 = arith.constant 0 : i32
        %sign3A_595 = arith.cmpi slt, %jit3A_582, %sign3A_594 : i32
        %sign3A_596 = arith.extui %sign3A_595 : i1 to i32
        %sign3A_597 = arith.subi %sign3A_593, %sign3A_596 : i32
        %ne3A_598 = arith.cmpi ne, %sign3A_590, %sign3A_597 : i32
        %rem3A_599 = arith.remsi %mul3A_2, %jit3A_582 : i32
        %ne3A_600 = arith.constant 0 : i32
        %ne3A_601 = arith.cmpi ne, %rem3A_599, %ne3A_600 : i32
        %and3A_602 = arith.andi %ne3A_598, %ne3A_601 : i1
        %sub3A_603 = arith.constant 1 : i32
        %sub3A_604 = arith.subi %div3A_583, %sub3A_603 : i32
        %select_n3A_605 = arith.select %and3A_602, %sub3A_604, %div3A_583 : i32
        %dma_wait3A_606 = arith.constant 0 : i32
        %dma_wait3A_607 = arith.constant 0 : i32
        %dma_wait3A_608 = arith.constant 0 : i32
        %dma_wait3A_609 = tpu.memref_slice %arg9[%dma_wait3A_606, %dma_wait3A_607, %dma_wait3A_608] : memref<4x64x128xf32, #tpu.memory_space<vmem>> -> memref<1x64x128xf32, #tpu.memory_space<vmem>>
        %dma_wait3A_610 = tpu.memref_squeeze %dma_wait3A_609 : memref<1x64x128xf32, #tpu.memory_space<vmem>> -> memref<64x128xf32, #tpu.memory_space<vmem>>
        %dma_wait3A_611 = arith.constant 0 : i32
        %dma_wait3A_612 = tpu.memref_slice %arg5[%select_n3A_605, %dma_wait3A_611] : memref<409600x128xf32, #tpu.memory_space<hbm>> -> memref<64x128xf32, #tpu.memory_space<hbm>>
        %dma_wait3A_613 = arith.constant 0 : i32
        %dma_wait3A_614 = tpu.memref_slice %arg5[%select_n3A_605, %dma_wait3A_613] : memref<409600x128xf32, #tpu.memory_space<hbm>> -> memref<64x128xf32, #tpu.memory_space<hbm>>
        %dma_wait3A_615 = arith.constant 0 : i32
        %dma_wait3A_616 = arith.constant 0 : i32
        %dma_wait3A_617 = tpu.memref_slice %arg9[%dma_wait3A_606, %dma_wait3A_615, %dma_wait3A_616] : memref<4x64x128xf32, #tpu.memory_space<vmem>> -> memref<1x64x128xf32, #tpu.memory_space<vmem>>
        %dma_wait3A_618 = tpu.memref_squeeze %dma_wait3A_617 : memref<1x64x128xf32, #tpu.memory_space<vmem>> -> memref<64x128xf32, #tpu.memory_space<vmem>>
        tpu.wait_dma2 semaphore(%arg14 : memref<!tpu.dma_semaphore, #tpu.memory_space<semaphore_mem>>) src(%dma_wait3A_618 : memref<64x128xf32, #tpu.memory_space<vmem>>) dst(%dma_wait3A_614 : memref<64x128xf32, #tpu.memory_space<hbm>>)
      } else {
      }
      %mul3A_212 = arith.constant 128 : i32
      %mul3A_213 = arith.muli %add3A_198, %mul3A_212 : i32
      %rem3A_214 = arith.constant 200 : i32
      %rem3A_215 = arith.remsi %mul3A_213, %rem3A_214 : i32
      %jit3A_216 = arith.constant 2 : i32
      %div3A_217 = arith.divsi %rem3A_215, %jit3A_216 : i32
      %sign3A_218 = arith.constant 0 : i32
      %sign3A_219 = arith.cmpi sgt, %rem3A_215, %sign3A_218 : i32
      %sign3A_220 = arith.extui %sign3A_219 : i1 to i32
      %sign3A_221 = arith.constant 0 : i32
      %sign3A_222 = arith.cmpi slt, %rem3A_215, %sign3A_221 : i32
      %sign3A_223 = arith.extui %sign3A_222 : i1 to i32
      %sign3A_224 = arith.subi %sign3A_220, %sign3A_223 : i32
      %sign3A_225 = arith.constant 0 : i32
      %sign3A_226 = arith.cmpi sgt, %jit3A_216, %sign3A_225 : i32
      %sign3A_227 = arith.extui %sign3A_226 : i1 to i32
      %sign3A_228 = arith.constant 0 : i32
      %sign3A_229 = arith.cmpi slt, %jit3A_216, %sign3A_228 : i32
      %sign3A_230 = arith.extui %sign3A_229 : i1 to i32
      %sign3A_231 = arith.subi %sign3A_227, %sign3A_230 : i32
      %ne3A_232 = arith.cmpi ne, %sign3A_224, %sign3A_231 : i32
      %rem3A_233 = arith.remsi %rem3A_215, %jit3A_216 : i32
      %ne3A_234 = arith.constant 0 : i32
      %ne3A_235 = arith.cmpi ne, %rem3A_233, %ne3A_234 : i32
      %and3A_236 = arith.andi %ne3A_232, %ne3A_235 : i1
      %sub3A_237 = arith.constant 1 : i32
      %sub3A_238 = arith.subi %div3A_217, %sub3A_237 : i32
      %select_n3A_239 = arith.select %and3A_236, %sub3A_238, %div3A_217 : i32
      %parallel_loop3A = arith.constant 0 : i32
      %parallel_loop3A_240 = arith.constant 64 : i32
      %parallel_loop3A_241 = arith.constant 1 : i32
      scf.for %parallel_loop3A_582 = %parallel_loop3A to %parallel_loop3A_240 step %parallel_loop3A_241  : i32 {
        %parallel_loop3A_583 = arith.constant 2 : i32
        %parallel_loop3A_584 = arith.muli %parallel_loop3A_583, %parallel_loop3A_582 : i32
        %parallel_loop3A_585 = arith.constant 0 : i32
        %parallel_loop3A_586 = arith.addi %parallel_loop3A_584, %parallel_loop3A_585 : i32
        %parallel_loop3A_587 = arith.constant 0 : i32
        %parallel_loop3A_588 = arith.index_cast %parallel_loop3A_587 : i32 to index
        %parallel_loop3A_589 = arith.index_cast %parallel_loop3A_586 : i32 to index
        %parallel_loop3A_590 = arith.constant 0 : index
        %parallel_loop3A_591 = tpu.vector_load %arg8[%parallel_loop3A_588, %parallel_loop3A_589, %parallel_loop3A_590] {strides = array<i32>} : memref<4x128x64xf32, #tpu.memory_space<vmem>>, vector<1x1x16xf32>,
        %parallel_loop3A_592 = vector.shape_cast %parallel_loop3A_591 : vector<1x1x16xf32> to vector<16xf32>
        %parallel_loop3A_593 = arith.addi %select_n3A_239, %parallel_loop3A_582 : i32
        %parallel_loop3A_594 = arith.index_cast %parallel_loop3A_593 : i32 to index
        %parallel_loop3A_595 = arith.constant 0 : index
        %parallel_loop3A_596 = tpu.vector_load %arg7[%parallel_loop3A_594, %parallel_loop3A_595] {strides = array<i32>} : memref<200x128xf32, #tpu.memory_space<vmem>>, vector<1x16xf32>,
        %parallel_loop3A_597 = vector.shape_cast %parallel_loop3A_596 : vector<1x16xf32> to vector<16xf32>
        %parallel_loop3A_598 = arith.constant 8.000000e+00 : f32
        %parallel_loop3A_599 = vector.broadcast %parallel_loop3A_598 : f32 to vector<16xf32>
        %parallel_loop3A_600 = arith.mulf %parallel_loop3A_592, %parallel_loop3A_599 : vector<16xf32>
        %parallel_loop3A_601 = arith.addf %parallel_loop3A_600, %parallel_loop3A_597 : vector<16xf32>
        %parallel_loop3A_602 = arith.constant 0 : i32
        %parallel_loop3A_603 = arith.index_cast %parallel_loop3A_602 : i32 to index
        %parallel_loop3A_604 = arith.index_cast %parallel_loop3A_582 : i32 to index
        %parallel_loop3A_605 = arith.constant 0 : index
        %parallel_loop3A_606 = tpu.vector_load %arg9[%parallel_loop3A_603, %parallel_loop3A_604, %parallel_loop3A_605] {strides = array<i32>} : memref<4x64x128xf32, #tpu.memory_space<vmem>>, vector<1x1x16xf32>,
        %parallel_loop3A_607 = vector.shape_cast %parallel_loop3A_606 : vector<1x1x16xf32> to vector<16xf32>
        %parallel_loop3A_608 = vector.shape_cast %parallel_loop3A_601 : vector<16xf32> to vector<1x1x16xf32>
        tpu.vector_store %arg9[%parallel_loop3A_603, %parallel_loop3A_604, %parallel_loop3A_605], %parallel_loop3A_608 {strides = array<i32>} : memref<4x64x128xf32, #tpu.memory_space<vmem>>, vector<1x1x16xf32>,
        %parallel_loop3A_609 = arith.constant 0 : i32
        %parallel_loop3A_610 = arith.addi %parallel_loop3A_584, %parallel_loop3A_609 : i32
        %parallel_loop3A_611 = arith.constant 0 : i32
        %parallel_loop3A_612 = arith.index_cast %parallel_loop3A_611 : i32 to index
        %parallel_loop3A_613 = arith.index_cast %parallel_loop3A_610 : i32 to index
        %parallel_loop3A_614 = arith.constant 16 : index
        %parallel_loop3A_615 = tpu.vector_load %arg8[%parallel_loop3A_612, %parallel_loop3A_613, %parallel_loop3A_614] {strides = array<i32>} : memref<4x128x64xf32, #tpu.memory_space<vmem>>, vector<1x1x16xf32>,
        %parallel_loop3A_616 = vector.shape_cast %parallel_loop3A_615 : vector<1x1x16xf32> to vector<16xf32>
        %parallel_loop3A_617 = arith.addi %select_n3A_239, %parallel_loop3A_582 : i32
        %parallel_loop3A_618 = arith.index_cast %parallel_loop3A_617 : i32 to index
        %parallel_loop3A_619 = arith.constant 16 : index
        %parallel_loop3A_620 = tpu.vector_load %arg7[%parallel_loop3A_618, %parallel_loop3A_619] {strides = array<i32>} : memref<200x128xf32, #tpu.memory_space<vmem>>, vector<1x16xf32>,
        %parallel_loop3A_621 = vector.shape_cast %parallel_loop3A_620 : vector<1x16xf32> to vector<16xf32>
        %parallel_loop3A_622 = arith.constant 8.000000e+00 : f32
        %parallel_loop3A_623 = vector.broadcast %parallel_loop3A_622 : f32 to vector<16xf32>
        %parallel_loop3A_624 = arith.mulf %parallel_loop3A_616, %parallel_loop3A_623 : vector<16xf32>
        %parallel_loop3A_625 = arith.addf %parallel_loop3A_624, %parallel_loop3A_621 : vector<16xf32>
        %parallel_loop3A_626 = arith.constant 0 : i32
        %parallel_loop3A_627 = arith.index_cast %parallel_loop3A_626 : i32 to index
        %parallel_loop3A_628 = arith.index_cast %parallel_loop3A_582 : i32 to index
        %parallel_loop3A_629 = arith.constant 16 : index
        %parallel_loop3A_630 = tpu.vector_load %arg9[%parallel_loop3A_627, %parallel_loop3A_628, %parallel_loop3A_629] {strides = array<i32>} : memref<4x64x128xf32, #tpu.memory_space<vmem>>, vector<1x1x16xf32>,
        %parallel_loop3A_631 = vector.shape_cast %parallel_loop3A_630 : vector<1x1x16xf32> to vector<16xf32>
        %parallel_loop3A_632 = vector.shape_cast %parallel_loop3A_625 : vector<16xf32> to vector<1x1x16xf32>
        tpu.vector_store %arg9[%parallel_loop3A_627, %parallel_loop3A_628, %parallel_loop3A_629], %parallel_loop3A_632 {strides = array<i32>} : memref<4x64x128xf32, #tpu.memory_space<vmem>>, vector<1x1x16xf32>,
        %parallel_loop3A_633 = arith.constant 0 : i32
        %parallel_loop3A_634 = arith.addi %parallel_loop3A_584, %parallel_loop3A_633 : i32
        %parallel_loop3A_635 = arith.constant 0 : i32
        %parallel_loop3A_636 = arith.index_cast %parallel_loop3A_635 : i32 to index
        %parallel_loop3A_637 = arith.index_cast %parallel_loop3A_634 : i32 to index
        %parallel_loop3A_638 = arith.constant 32 : index
        %parallel_loop3A_639 = tpu.vector_load %arg8[%parallel_loop3A_636, %parallel_loop3A_637, %parallel_loop3A_638] {strides = array<i32>} : memref<4x128x64xf32, #tpu.memory_space<vmem>>, vector<1x1x16xf32>,
        %parallel_loop3A_640 = vector.shape_cast %parallel_loop3A_639 : vector<1x1x16xf32> to vector<16xf32>
        %parallel_loop3A_641 = arith.addi %select_n3A_239, %parallel_loop3A_582 : i32
        %parallel_loop3A_642 = arith.index_cast %parallel_loop3A_641 : i32 to index
        %parallel_loop3A_643 = arith.constant 32 : index
        %parallel_loop3A_644 = tpu.vector_load %arg7[%parallel_loop3A_642, %parallel_loop3A_643] {strides = array<i32>} : memref<200x128xf32, #tpu.memory_space<vmem>>, vector<1x16xf32>,
        %parallel_loop3A_645 = vector.shape_cast %parallel_loop3A_644 : vector<1x16xf32> to vector<16xf32>
        %parallel_loop3A_646 = arith.constant 8.000000e+00 : f32
        %parallel_loop3A_647 = vector.broadcast %parallel_loop3A_646 : f32 to vector<16xf32>
        %parallel_loop3A_648 = arith.mulf %parallel_loop3A_640, %parallel_loop3A_647 : vector<16xf32>
        %parallel_loop3A_649 = arith.addf %parallel_loop3A_648, %parallel_loop3A_645 : vector<16xf32>
        %parallel_loop3A_650 = arith.constant 0 : i32
        %parallel_loop3A_651 = arith.index_cast %parallel_loop3A_650 : i32 to index
        %parallel_loop3A_652 = arith.index_cast %parallel_loop3A_582 : i32 to index
        %parallel_loop3A_653 = arith.constant 32 : index
        %parallel_loop3A_654 = tpu.vector_load %arg9[%parallel_loop3A_651, %parallel_loop3A_652, %parallel_loop3A_653] {strides = array<i32>} : memref<4x64x128xf32, #tpu.memory_space<vmem>>, vector<1x1x16xf32>,
        %parallel_loop3A_655 = vector.shape_cast %parallel_loop3A_654 : vector<1x1x16xf32> to vector<16xf32>
        %parallel_loop3A_656 = vector.shape_cast %parallel_loop3A_649 : vector<16xf32> to vector<1x1x16xf32>
        tpu.vector_store %arg9[%parallel_loop3A_651, %parallel_loop3A_652, %parallel_loop3A_653], %parallel_loop3A_656 {strides = array<i32>} : memref<4x64x128xf32, #tpu.memory_space<vmem>>, vector<1x1x16xf32>,
        %parallel_loop3A_657 = arith.constant 0 : i32
        %parallel_loop3A_658 = arith.addi %parallel_loop3A_584, %parallel_loop3A_657 : i32
        %parallel_loop3A_659 = arith.constant 0 : i32
        %parallel_loop3A_660 = arith.index_cast %parallel_loop3A_659 : i32 to index
        %parallel_loop3A_661 = arith.index_cast %parallel_loop3A_658 : i32 to index
        %parallel_loop3A_662 = arith.constant 48 : index
        %parallel_loop3A_663 = tpu.vector_load %arg8[%parallel_loop3A_660, %parallel_loop3A_661, %parallel_loop3A_662] {strides = array<i32>} : memref<4x128x64xf32, #tpu.memory_space<vmem>>, vector<1x1x16xf32>,
        %parallel_loop3A_664 = vector.shape_cast %parallel_loop3A_663 : vector<1x1x16xf32> to vector<16xf32>
        %parallel_loop3A_665 = arith.addi %select_n3A_239, %parallel_loop3A_582 : i32
        %parallel_loop3A_666 = arith.index_cast %parallel_loop3A_665 : i32 to index
        %parallel_loop3A_667 = arith.constant 48 : index
        %parallel_loop3A_668 = tpu.vector_load %arg7[%parallel_loop3A_666, %parallel_loop3A_667] {strides = array<i32>} : memref<200x128xf32, #tpu.memory_space<vmem>>, vector<1x16xf32>,
        %parallel_loop3A_669 = vector.shape_cast %parallel_loop3A_668 : vector<1x16xf32> to vector<16xf32>
        %parallel_loop3A_670 = arith.constant 8.000000e+00 : f32
        %parallel_loop3A_671 = vector.broadcast %parallel_loop3A_670 : f32 to vector<16xf32>
        %parallel_loop3A_672 = arith.mulf %parallel_loop3A_664, %parallel_loop3A_671 : vector<16xf32>
        %parallel_loop3A_673 = arith.addf %parallel_loop3A_672, %parallel_loop3A_669 : vector<16xf32>
        %parallel_loop3A_674 = arith.constant 0 : i32
        %parallel_loop3A_675 = arith.index_cast %parallel_loop3A_674 : i32 to index
        %parallel_loop3A_676 = arith.index_cast %parallel_loop3A_582 : i32 to index
        %parallel_loop3A_677 = arith.constant 48 : index
        %parallel_loop3A_678 = tpu.vector_load %arg9[%parallel_loop3A_675, %parallel_loop3A_676, %parallel_loop3A_677] {strides = array<i32>} : memref<4x64x128xf32, #tpu.memory_space<vmem>>, vector<1x1x16xf32>,
        %parallel_loop3A_679 = vector.shape_cast %parallel_loop3A_678 : vector<1x1x16xf32> to vector<16xf32>
        %parallel_loop3A_680 = vector.shape_cast %parallel_loop3A_673 : vector<16xf32> to vector<1x1x16xf32>
        tpu.vector_store %arg9[%parallel_loop3A_675, %parallel_loop3A_676, %parallel_loop3A_677], %parallel_loop3A_680 {strides = array<i32>} : memref<4x64x128xf32, #tpu.memory_space<vmem>>, vector<1x1x16xf32>,
        %parallel_loop3A_681 = arith.constant 1 : i32
        %parallel_loop3A_682 = arith.addi %parallel_loop3A_584, %parallel_loop3A_681 : i32
        %parallel_loop3A_683 = arith.constant 0 : i32
        %parallel_loop3A_684 = arith.index_cast %parallel_loop3A_683 : i32 to index
        %parallel_loop3A_685 = arith.index_cast %parallel_loop3A_682 : i32 to index
        %parallel_loop3A_686 = arith.constant 0 : index
        %parallel_loop3A_687 = tpu.vector_load %arg8[%parallel_loop3A_684, %parallel_loop3A_685, %parallel_loop3A_686] {strides = array<i32>} : memref<4x128x64xf32, #tpu.memory_space<vmem>>, vector<1x1x16xf32>,
        %parallel_loop3A_688 = vector.shape_cast %parallel_loop3A_687 : vector<1x1x16xf32> to vector<16xf32>
        %parallel_loop3A_689 = arith.addi %select_n3A_239, %parallel_loop3A_582 : i32
        %parallel_loop3A_690 = arith.index_cast %parallel_loop3A_689 : i32 to index
        %parallel_loop3A_691 = arith.constant 64 : index
        %parallel_loop3A_692 = tpu.vector_load %arg7[%parallel_loop3A_690, %parallel_loop3A_691] {strides = array<i32>} : memref<200x128xf32, #tpu.memory_space<vmem>>, vector<1x16xf32>,
        %parallel_loop3A_693 = vector.shape_cast %parallel_loop3A_692 : vector<1x16xf32> to vector<16xf32>
        %parallel_loop3A_694 = arith.constant 8.000000e+00 : f32
        %parallel_loop3A_695 = vector.broadcast %parallel_loop3A_694 : f32 to vector<16xf32>
        %parallel_loop3A_696 = arith.mulf %parallel_loop3A_688, %parallel_loop3A_695 : vector<16xf32>
        %parallel_loop3A_697 = arith.addf %parallel_loop3A_696, %parallel_loop3A_693 : vector<16xf32>
        %parallel_loop3A_698 = arith.constant 0 : i32
        %parallel_loop3A_699 = arith.index_cast %parallel_loop3A_698 : i32 to index
        %parallel_loop3A_700 = arith.index_cast %parallel_loop3A_582 : i32 to index
        %parallel_loop3A_701 = arith.constant 64 : index
        %parallel_loop3A_702 = tpu.vector_load %arg9[%parallel_loop3A_699, %parallel_loop3A_700, %parallel_loop3A_701] {strides = array<i32>} : memref<4x64x128xf32, #tpu.memory_space<vmem>>, vector<1x1x16xf32>,
        %parallel_loop3A_703 = vector.shape_cast %parallel_loop3A_702 : vector<1x1x16xf32> to vector<16xf32>
        %parallel_loop3A_704 = vector.shape_cast %parallel_loop3A_697 : vector<16xf32> to vector<1x1x16xf32>
        tpu.vector_store %arg9[%parallel_loop3A_699, %parallel_loop3A_700, %parallel_loop3A_701], %parallel_loop3A_704 {strides = array<i32>} : memref<4x64x128xf32, #tpu.memory_space<vmem>>, vector<1x1x16xf32>,
        %parallel_loop3A_705 = arith.constant 1 : i32
        %parallel_loop3A_706 = arith.addi %parallel_loop3A_584, %parallel_loop3A_705 : i32
        %parallel_loop3A_707 = arith.constant 0 : i32
        %parallel_loop3A_708 = arith.index_cast %parallel_loop3A_707 : i32 to index
        %parallel_loop3A_709 = arith.index_cast %parallel_loop3A_706 : i32 to index
        %parallel_loop3A_710 = arith.constant 16 : index
        %parallel_loop3A_711 = tpu.vector_load %arg8[%parallel_loop3A_708, %parallel_loop3A_709, %parallel_loop3A_710] {strides = array<i32>} : memref<4x128x64xf32, #tpu.memory_space<vmem>>, vector<1x1x16xf32>,
        %parallel_loop3A_712 = vector.shape_cast %parallel_loop3A_711 : vector<1x1x16xf32> to vector<16xf32>
        %parallel_loop3A_713 = arith.addi %select_n3A_239, %parallel_loop3A_582 : i32
        %parallel_loop3A_714 = arith.index_cast %parallel_loop3A_713 : i32 to index
        %parallel_loop3A_715 = arith.constant 80 : index
        %parallel_loop3A_716 = tpu.vector_load %arg7[%parallel_loop3A_714, %parallel_loop3A_715] {strides = array<i32>} : memref<200x128xf32, #tpu.memory_space<vmem>>, vector<1x16xf32>,
        %parallel_loop3A_717 = vector.shape_cast %parallel_loop3A_716 : vector<1x16xf32> to vector<16xf32>
        %parallel_loop3A_718 = arith.constant 8.000000e+00 : f32
        %parallel_loop3A_719 = vector.broadcast %parallel_loop3A_718 : f32 to vector<16xf32>
        %parallel_loop3A_720 = arith.mulf %parallel_loop3A_712, %parallel_loop3A_719 : vector<16xf32>
        %parallel_loop3A_721 = arith.addf %parallel_loop3A_720, %parallel_loop3A_717 : vector<16xf32>
        %parallel_loop3A_722 = arith.constant 0 : i32
        %parallel_loop3A_723 = arith.index_cast %parallel_loop3A_722 : i32 to index
        %parallel_loop3A_724 = arith.index_cast %parallel_loop3A_582 : i32 to index
        %parallel_loop3A_725 = arith.constant 80 : index
        %parallel_loop3A_726 = tpu.vector_load %arg9[%parallel_loop3A_723, %parallel_loop3A_724, %parallel_loop3A_725] {strides = array<i32>} : memref<4x64x128xf32, #tpu.memory_space<vmem>>, vector<1x1x16xf32>,
        %parallel_loop3A_727 = vector.shape_cast %parallel_loop3A_726 : vector<1x1x16xf32> to vector<16xf32>
        %parallel_loop3A_728 = vector.shape_cast %parallel_loop3A_721 : vector<16xf32> to vector<1x1x16xf32>
        tpu.vector_store %arg9[%parallel_loop3A_723, %parallel_loop3A_724, %parallel_loop3A_725], %parallel_loop3A_728 {strides = array<i32>} : memref<4x64x128xf32, #tpu.memory_space<vmem>>, vector<1x1x16xf32>,
        %parallel_loop3A_729 = arith.constant 1 : i32
        %parallel_loop3A_730 = arith.addi %parallel_loop3A_584, %parallel_loop3A_729 : i32
        %parallel_loop3A_731 = arith.constant 0 : i32
        %parallel_loop3A_732 = arith.index_cast %parallel_loop3A_731 : i32 to index
        %parallel_loop3A_733 = arith.index_cast %parallel_loop3A_730 : i32 to index
        %parallel_loop3A_734 = arith.constant 32 : index
        %parallel_loop3A_735 = tpu.vector_load %arg8[%parallel_loop3A_732, %parallel_loop3A_733, %parallel_loop3A_734] {strides = array<i32>} : memref<4x128x64xf32, #tpu.memory_space<vmem>>, vector<1x1x16xf32>,
        %parallel_loop3A_736 = vector.shape_cast %parallel_loop3A_735 : vector<1x1x16xf32> to vector<16xf32>
        %parallel_loop3A_737 = arith.addi %select_n3A_239, %parallel_loop3A_582 : i32
        %parallel_loop3A_738 = arith.index_cast %parallel_loop3A_737 : i32 to index
        %parallel_loop3A_739 = arith.constant 96 : index
        %parallel_loop3A_740 = tpu.vector_load %arg7[%parallel_loop3A_738, %parallel_loop3A_739] {strides = array<i32>} : memref<200x128xf32, #tpu.memory_space<vmem>>, vector<1x16xf32>,
        %parallel_loop3A_741 = vector.shape_cast %parallel_loop3A_740 : vector<1x16xf32> to vector<16xf32>
        %parallel_loop3A_742 = arith.constant 8.000000e+00 : f32
        %parallel_loop3A_743 = vector.broadcast %parallel_loop3A_742 : f32 to vector<16xf32>
        %parallel_loop3A_744 = arith.mulf %parallel_loop3A_736, %parallel_loop3A_743 : vector<16xf32>
        %parallel_loop3A_745 = arith.addf %parallel_loop3A_744, %parallel_loop3A_741 : vector<16xf32>
        %parallel_loop3A_746 = arith.constant 0 : i32
        %parallel_loop3A_747 = arith.index_cast %parallel_loop3A_746 : i32 to index
        %parallel_loop3A_748 = arith.index_cast %parallel_loop3A_582 : i32 to index
        %parallel_loop3A_749 = arith.constant 96 : index
        %parallel_loop3A_750 = tpu.vector_load %arg9[%parallel_loop3A_747, %parallel_loop3A_748, %parallel_loop3A_749] {strides = array<i32>} : memref<4x64x128xf32, #tpu.memory_space<vmem>>, vector<1x1x16xf32>,
        %parallel_loop3A_751 = vector.shape_cast %parallel_loop3A_750 : vector<1x1x16xf32> to vector<16xf32>
        %parallel_loop3A_752 = vector.shape_cast %parallel_loop3A_745 : vector<16xf32> to vector<1x1x16xf32>
        tpu.vector_store %arg9[%parallel_loop3A_747, %parallel_loop3A_748, %parallel_loop3A_749], %parallel_loop3A_752 {strides = array<i32>} : memref<4x64x128xf32, #tpu.memory_space<vmem>>, vector<1x1x16xf32>,
        %parallel_loop3A_753 = arith.constant 1 : i32
        %parallel_loop3A_754 = arith.addi %parallel_loop3A_584, %parallel_loop3A_753 : i32
        %parallel_loop3A_755 = arith.constant 0 : i32
        %parallel_loop3A_756 = arith.index_cast %parallel_loop3A_755 : i32 to index
        %parallel_loop3A_757 = arith.index_cast %parallel_loop3A_754 : i32 to index
        %parallel_loop3A_758 = arith.constant 48 : index
        %parallel_loop3A_759 = tpu.vector_load %arg8[%parallel_loop3A_756, %parallel_loop3A_757, %parallel_loop3A_758] {strides = array<i32>} : memref<4x128x64xf32, #tpu.memory_space<vmem>>, vector<1x1x16xf32>,
        %parallel_loop3A_760 = vector.shape_cast %parallel_loop3A_759 : vector<1x1x16xf32> to vector<16xf32>
        %parallel_loop3A_761 = arith.addi %select_n3A_239, %parallel_loop3A_582 : i32
        %parallel_loop3A_762 = arith.index_cast %parallel_loop3A_761 : i32 to index
        %parallel_loop3A_763 = arith.constant 112 : index
        %parallel_loop3A_764 = tpu.vector_load %arg7[%parallel_loop3A_762, %parallel_loop3A_763] {strides = array<i32>} : memref<200x128xf32, #tpu.memory_space<vmem>>, vector<1x16xf32>,
        %parallel_loop3A_765 = vector.shape_cast %parallel_loop3A_764 : vector<1x16xf32> to vector<16xf32>
        %parallel_loop3A_766 = arith.constant 8.000000e+00 : f32
        %parallel_loop3A_767 = vector.broadcast %parallel_loop3A_766 : f32 to vector<16xf32>
        %parallel_loop3A_768 = arith.mulf %parallel_loop3A_760, %parallel_loop3A_767 : vector<16xf32>
        %parallel_loop3A_769 = arith.addf %parallel_loop3A_768, %parallel_loop3A_765 : vector<16xf32>
        %parallel_loop3A_770 = arith.constant 0 : i32
        %parallel_loop3A_771 = arith.index_cast %parallel_loop3A_770 : i32 to index
        %parallel_loop3A_772 = arith.index_cast %parallel_loop3A_582 : i32 to index
        %parallel_loop3A_773 = arith.constant 112 : index
        %parallel_loop3A_774 = tpu.vector_load %arg9[%parallel_loop3A_771, %parallel_loop3A_772, %parallel_loop3A_773] {strides = array<i32>} : memref<4x64x128xf32, #tpu.memory_space<vmem>>, vector<1x1x16xf32>,
        %parallel_loop3A_775 = vector.shape_cast %parallel_loop3A_774 : vector<1x1x16xf32> to vector<16xf32>
        %parallel_loop3A_776 = vector.shape_cast %parallel_loop3A_769 : vector<16xf32> to vector<1x1x16xf32>
        tpu.vector_store %arg9[%parallel_loop3A_771, %parallel_loop3A_772, %parallel_loop3A_773], %parallel_loop3A_776 {strides = array<i32>} : memref<4x64x128xf32, #tpu.memory_space<vmem>>, vector<1x1x16xf32>,
      } {sc.loop_unroll_factor = 4 : i64, sc.parallel_access}
      %add3A_242 = arith.constant 4 : i32
      %add3A_243 = arith.addi %add3A_198, %add3A_242 : i32
      %lt3A = arith.constant 200 : i32
      %lt3A_244 = arith.cmpi slt, %add3A_243, %lt3A : i32
      %convert_element_type3A_245 = arith.extui %lt3A_244 : i1 to i32
      %cond3A_246 = arith.constant 0 : i32
      %cond3A_247 = arith.cmpi ne, %convert_element_type3A_245, %cond3A_246 : i32
      scf.if %cond3A_247 {
        %add3A_582 = arith.constant 4 : i32
        %add3A_583 = arith.addi %add3A_198, %add3A_582 : i32
        %dma_start3A_584 = arith.constant 0 : i32
        %dma_start3A_585 = arith.constant 0 : i32
        %dma_start3A_586 = arith.constant 0 : i32
        %dma_start3A_587 = tpu.memref_slice %arg8[%dma_start3A_584, %dma_start3A_585, %dma_start3A_586] : memref<4x128x64xf32, #tpu.memory_space<vmem>> -> memref<1x128x64xf32, #tpu.memory_space<vmem>>
        %dma_start3A_588 = tpu.memref_squeeze %dma_start3A_587 : memref<1x128x64xf32, #tpu.memory_space<vmem>> -> memref<128x64xf32, #tpu.memory_space<vmem>>
        %dma_start3A_589 = arith.constant 0 : i32
        %dma_start3A_590 = tpu.memref_slice %arg6[%add3A_583, %dma_start3A_589] : memref<200x128xi32, #tpu.memory_space<vmem>> -> memref<1x128xi32, #tpu.memory_space<vmem>>
        %dma_start3A_591 = tpu.memref_squeeze %dma_start3A_590 : memref<1x128xi32, #tpu.memory_space<vmem>> -> memref<128xi32, #tpu.memory_space<vmem>>
        %dma_start3A_592 = arith.constant 0 : i32
        %dma_start3A_593 = arith.constant 0 : i32
        %dma_start3A_594 = tpu.memref_slice %arg2[%dma_start3A_592, %dma_start3A_593] : memref<1000000x64xf32, #tpu.memory_space<hbm>> -> memref<1000000x64xf32, #tpu.memory_space<hbm>>
        tpu.enqueue_indirect_dma source(%dma_start3A_594 : memref<1000000x64xf32, #tpu.memory_space<hbm>>) target(%dma_start3A_588 : memref<128x64xf32, #tpu.memory_space<vmem>>) offsets(%dma_start3A_591 : memref<128xi32, #tpu.memory_space<vmem>>) semaphore(%arg10 : memref<!tpu.dma_semaphore, #tpu.memory_space<semaphore_mem>>)
      } else {
      }
      %mul3A_248 = arith.constant 128 : i32
      %mul3A_249 = arith.muli %add3A_198, %mul3A_248 : i32
      %add3A_250 = arith.addi %mul3A_2, %mul3A_249 : i32
      %jit3A_251 = arith.constant 2 : i32
      %div3A_252 = arith.divsi %add3A_250, %jit3A_251 : i32
      %sign3A_253 = arith.constant 0 : i32
      %sign3A_254 = arith.cmpi sgt, %add3A_250, %sign3A_253 : i32
      %sign3A_255 = arith.extui %sign3A_254 : i1 to i32
      %sign3A_256 = arith.constant 0 : i32
      %sign3A_257 = arith.cmpi slt, %add3A_250, %sign3A_256 : i32
      %sign3A_258 = arith.extui %sign3A_257 : i1 to i32
      %sign3A_259 = arith.subi %sign3A_255, %sign3A_258 : i32
      %sign3A_260 = arith.constant 0 : i32
      %sign3A_261 = arith.cmpi sgt, %jit3A_251, %sign3A_260 : i32
      %sign3A_262 = arith.extui %sign3A_261 : i1 to i32
      %sign3A_263 = arith.constant 0 : i32
      %sign3A_264 = arith.cmpi slt, %jit3A_251, %sign3A_263 : i32
      %sign3A_265 = arith.extui %sign3A_264 : i1 to i32
      %sign3A_266 = arith.subi %sign3A_262, %sign3A_265 : i32
      %ne3A_267 = arith.cmpi ne, %sign3A_259, %sign3A_266 : i32
      %rem3A_268 = arith.remsi %add3A_250, %jit3A_251 : i32
      %ne3A_269 = arith.constant 0 : i32
      %ne3A_270 = arith.cmpi ne, %rem3A_268, %ne3A_269 : i32
      %and3A_271 = arith.andi %ne3A_267, %ne3A_270 : i1
      %sub3A_272 = arith.constant 1 : i32
      %sub3A_273 = arith.subi %div3A_252, %sub3A_272 : i32
      %select_n3A_274 = arith.select %and3A_271, %sub3A_273, %div3A_252 : i32
      %dma_start3A_275 = arith.constant 0 : i32
      %dma_start3A_276 = arith.constant 0 : i32
      %dma_start3A_277 = arith.constant 0 : i32
      %dma_start3A_278 = tpu.memref_slice %arg9[%dma_start3A_275, %dma_start3A_276, %dma_start3A_277] : memref<4x64x128xf32, #tpu.memory_space<vmem>> -> memref<1x64x128xf32, #tpu.memory_space<vmem>>
      %dma_start3A_279 = tpu.memref_squeeze %dma_start3A_278 : memref<1x64x128xf32, #tpu.memory_space<vmem>> -> memref<64x128xf32, #tpu.memory_space<vmem>>
      %dma_start3A_280 = arith.constant 0 : i32
      %dma_start3A_281 = tpu.memref_slice %arg5[%select_n3A_274, %dma_start3A_280] : memref<409600x128xf32, #tpu.memory_space<hbm>> -> memref<64x128xf32, #tpu.memory_space<hbm>>
      %dma_start3A_282 = arith.constant 0 : i32
      %dma_start3A_283 = tpu.memref_slice %arg5[%select_n3A_274, %dma_start3A_282] : memref<409600x128xf32, #tpu.memory_space<hbm>> -> memref<64x128xf32, #tpu.memory_space<hbm>>
      %dma_start3A_284 = arith.constant 0 : i32
      %dma_start3A_285 = arith.constant 0 : i32
      %dma_start3A_286 = tpu.memref_slice %arg9[%dma_start3A_275, %dma_start3A_284, %dma_start3A_285] : memref<4x64x128xf32, #tpu.memory_space<vmem>> -> memref<1x64x128xf32, #tpu.memory_space<vmem>>
      %dma_start3A_287 = tpu.memref_squeeze %dma_start3A_286 : memref<1x64x128xf32, #tpu.memory_space<vmem>> -> memref<64x128xf32, #tpu.memory_space<vmem>>
      tpu.enqueue_dma source(%dma_start3A_287 : memref<64x128xf32, #tpu.memory_space<vmem>>) target(%dma_start3A_283 : memref<64x128xf32, #tpu.memory_space<hbm>>) target_semaphore(%arg14 : memref<!tpu.dma_semaphore, #tpu.memory_space<semaphore_mem>>)
      %mul3A_288 = arith.constant 4 : i32
      %mul3A_289 = arith.muli %scan3A_194, %mul3A_288 : i32
      %add3A_290 = arith.constant 1 : i32
      %add3A_291 = arith.addi %mul3A_289, %add3A_290 : i32
      %dma_wait3A_292 = arith.constant 1 : i32
      %dma_wait3A_293 = arith.constant 0 : i32
      %dma_wait3A_294 = arith.constant 0 : i32
      %dma_wait3A_295 = tpu.memref_slice %arg8[%dma_wait3A_292, %dma_wait3A_293, %dma_wait3A_294] : memref<4x128x64xf32, #tpu.memory_space<vmem>> -> memref<1x128x64xf32, #tpu.memory_space<vmem>>
      %dma_wait3A_296 = tpu.memref_squeeze %dma_wait3A_295 : memref<1x128x64xf32, #tpu.memory_space<vmem>> -> memref<128x64xf32, #tpu.memory_space<vmem>>
      %dma_wait3A_297 = arith.constant 0 : i32
      %dma_wait3A_298 = tpu.memref_slice %arg6[%add3A_291, %dma_wait3A_297] : memref<200x128xi32, #tpu.memory_space<vmem>> -> memref<1x128xi32, #tpu.memory_space<vmem>>
      %dma_wait3A_299 = tpu.memref_squeeze %dma_wait3A_298 : memref<1x128xi32, #tpu.memory_space<vmem>> -> memref<128xi32, #tpu.memory_space<vmem>>
      %dma_wait3A_300 = arith.constant 0 : i32
      %dma_wait3A_301 = arith.constant 0 : i32
      %dma_wait3A_302 = tpu.memref_slice %arg2[%dma_wait3A_300, %dma_wait3A_301] : memref<1000000x64xf32, #tpu.memory_space<hbm>> -> memref<1000000x64xf32, #tpu.memory_space<hbm>>
      tpu.wait_indirect_dma semaphore(%arg11 : memref<!tpu.dma_semaphore, #tpu.memory_space<semaphore_mem>>) src(%dma_wait3A_302 : memref<1000000x64xf32, #tpu.memory_space<hbm>>) dst(%dma_wait3A_296 : memref<128x64xf32, #tpu.memory_space<vmem>>)
      %ge3A_303 = arith.constant 4 : i32
      %ge3A_304 = arith.cmpi sge, %add3A_291, %ge3A_303 : i32
      %convert_element_type3A_305 = arith.extui %ge3A_304 : i1 to i32
      %cond3A_306 = arith.constant 0 : i32
      %cond3A_307 = arith.cmpi ne, %convert_element_type3A_305, %cond3A_306 : i32
      scf.if %cond3A_307 {
        %jit3A_582 = arith.constant 2 : i32
        %div3A_583 = arith.divsi %mul3A_2, %jit3A_582 : i32
        %sign3A_584 = arith.constant 0 : i32
        %sign3A_585 = arith.cmpi sgt, %mul3A_2, %sign3A_584 : i32
        %sign3A_586 = arith.extui %sign3A_585 : i1 to i32
        %sign3A_587 = arith.constant 0 : i32
        %sign3A_588 = arith.cmpi slt, %mul3A_2, %sign3A_587 : i32
        %sign3A_589 = arith.extui %sign3A_588 : i1 to i32
        %sign3A_590 = arith.subi %sign3A_586, %sign3A_589 : i32
        %sign3A_591 = arith.constant 0 : i32
        %sign3A_592 = arith.cmpi sgt, %jit3A_582, %sign3A_591 : i32
        %sign3A_593 = arith.extui %sign3A_592 : i1 to i32
        %sign3A_594 = arith.constant 0 : i32
        %sign3A_595 = arith.cmpi slt, %jit3A_582, %sign3A_594 : i32
        %sign3A_596 = arith.extui %sign3A_595 : i1 to i32
        %sign3A_597 = arith.subi %sign3A_593, %sign3A_596 : i32
        %ne3A_598 = arith.cmpi ne, %sign3A_590, %sign3A_597 : i32
        %rem3A_599 = arith.remsi %mul3A_2, %jit3A_582 : i32
        %ne3A_600 = arith.constant 0 : i32
        %ne3A_601 = arith.cmpi ne, %rem3A_599, %ne3A_600 : i32
        %and3A_602 = arith.andi %ne3A_598, %ne3A_601 : i1
        %sub3A_603 = arith.constant 1 : i32
        %sub3A_604 = arith.subi %div3A_583, %sub3A_603 : i32
        %select_n3A_605 = arith.select %and3A_602, %sub3A_604, %div3A_583 : i32
        %dma_wait3A_606 = arith.constant 1 : i32
        %dma_wait3A_607 = arith.constant 0 : i32
        %dma_wait3A_608 = arith.constant 0 : i32
        %dma_wait3A_609 = tpu.memref_slice %arg9[%dma_wait3A_606, %dma_wait3A_607, %dma_wait3A_608] : memref<4x64x128xf32, #tpu.memory_space<vmem>> -> memref<1x64x128xf32, #tpu.memory_space<vmem>>
        %dma_wait3A_610 = tpu.memref_squeeze %dma_wait3A_609 : memref<1x64x128xf32, #tpu.memory_space<vmem>> -> memref<64x128xf32, #tpu.memory_space<vmem>>
        %dma_wait3A_611 = arith.constant 0 : i32
        %dma_wait3A_612 = tpu.memref_slice %arg5[%select_n3A_605, %dma_wait3A_611] : memref<409600x128xf32, #tpu.memory_space<hbm>> -> memref<64x128xf32, #tpu.memory_space<hbm>>
        %dma_wait3A_613 = arith.constant 0 : i32
        %dma_wait3A_614 = tpu.memref_slice %arg5[%select_n3A_605, %dma_wait3A_613] : memref<409600x128xf32, #tpu.memory_space<hbm>> -> memref<64x128xf32, #tpu.memory_space<hbm>>
        %dma_wait3A_615 = arith.constant 0 : i32
        %dma_wait3A_616 = arith.constant 0 : i32
        %dma_wait3A_617 = tpu.memref_slice %arg9[%dma_wait3A_606, %dma_wait3A_615, %dma_wait3A_616] : memref<4x64x128xf32, #tpu.memory_space<vmem>> -> memref<1x64x128xf32, #tpu.memory_space<vmem>>
        %dma_wait3A_618 = tpu.memref_squeeze %dma_wait3A_617 : memref<1x64x128xf32, #tpu.memory_space<vmem>> -> memref<64x128xf32, #tpu.memory_space<vmem>>
        tpu.wait_dma2 semaphore(%arg15 : memref<!tpu.dma_semaphore, #tpu.memory_space<semaphore_mem>>) src(%dma_wait3A_618 : memref<64x128xf32, #tpu.memory_space<vmem>>) dst(%dma_wait3A_614 : memref<64x128xf32, #tpu.memory_space<hbm>>)
      } else {
      }
      %mul3A_308 = arith.constant 128 : i32
      %mul3A_309 = arith.muli %add3A_291, %mul3A_308 : i32
      %rem3A_310 = arith.constant 200 : i32
      %rem3A_311 = arith.remsi %mul3A_309, %rem3A_310 : i32
      %jit3A_312 = arith.constant 2 : i32
      %div3A_313 = arith.divsi %rem3A_311, %jit3A_312 : i32
      %sign3A_314 = arith.constant 0 : i32
      %sign3A_315 = arith.cmpi sgt, %rem3A_311, %sign3A_314 : i32
      %sign3A_316 = arith.extui %sign3A_315 : i1 to i32
      %sign3A_317 = arith.constant 0 : i32
      %sign3A_318 = arith.cmpi slt, %rem3A_311, %sign3A_317 : i32
      %sign3A_319 = arith.extui %sign3A_318 : i1 to i32
      %sign3A_320 = arith.subi %sign3A_316, %sign3A_319 : i32
      %sign3A_321 = arith.constant 0 : i32
      %sign3A_322 = arith.cmpi sgt, %jit3A_312, %sign3A_321 : i32
      %sign3A_323 = arith.extui %sign3A_322 : i1 to i32
      %sign3A_324 = arith.constant 0 : i32
      %sign3A_325 = arith.cmpi slt, %jit3A_312, %sign3A_324 : i32
      %sign3A_326 = arith.extui %sign3A_325 : i1 to i32
      %sign3A_327 = arith.subi %sign3A_323, %sign3A_326 : i32
      %ne3A_328 = arith.cmpi ne, %sign3A_320, %sign3A_327 : i32
      %rem3A_329 = arith.remsi %rem3A_311, %jit3A_312 : i32
      %ne3A_330 = arith.constant 0 : i32
      %ne3A_331 = arith.cmpi ne, %rem3A_329, %ne3A_330 : i32
      %and3A_332 = arith.andi %ne3A_328, %ne3A_331 : i1
      %sub3A_333 = arith.constant 1 : i32
      %sub3A_334 = arith.subi %div3A_313, %sub3A_333 : i32
      %select_n3A_335 = arith.select %and3A_332, %sub3A_334, %div3A_313 : i32
      %parallel_loop3A_336 = arith.constant 0 : i32
      %parallel_loop3A_337 = arith.constant 64 : i32
      %parallel_loop3A_338 = arith.constant 1 : i32
      scf.for %parallel_loop3A_582 = %parallel_loop3A_336 to %parallel_loop3A_337 step %parallel_loop3A_338  : i32 {
        %parallel_loop3A_583 = arith.constant 2 : i32
        %parallel_loop3A_584 = arith.muli %parallel_loop3A_583, %parallel_loop3A_582 : i32
        %parallel_loop3A_585 = arith.constant 0 : i32
        %parallel_loop3A_586 = arith.addi %parallel_loop3A_584, %parallel_loop3A_585 : i32
        %parallel_loop3A_587 = arith.constant 1 : i32
        %parallel_loop3A_588 = arith.index_cast %parallel_loop3A_587 : i32 to index
        %parallel_loop3A_589 = arith.index_cast %parallel_loop3A_586 : i32 to index
        %parallel_loop3A_590 = arith.constant 0 : index
        %parallel_loop3A_591 = tpu.vector_load %arg8[%parallel_loop3A_588, %parallel_loop3A_589, %parallel_loop3A_590] {strides = array<i32>} : memref<4x128x64xf32, #tpu.memory_space<vmem>>, vector<1x1x16xf32>,
        %parallel_loop3A_592 = vector.shape_cast %parallel_loop3A_591 : vector<1x1x16xf32> to vector<16xf32>
        %parallel_loop3A_593 = arith.addi %select_n3A_335, %parallel_loop3A_582 : i32
        %parallel_loop3A_594 = arith.index_cast %parallel_loop3A_593 : i32 to index
        %parallel_loop3A_595 = arith.constant 0 : index
        %parallel_loop3A_596 = tpu.vector_load %arg7[%parallel_loop3A_594, %parallel_loop3A_595] {strides = array<i32>} : memref<200x128xf32, #tpu.memory_space<vmem>>, vector<1x16xf32>,
        %parallel_loop3A_597 = vector.shape_cast %parallel_loop3A_596 : vector<1x16xf32> to vector<16xf32>
        %parallel_loop3A_598 = arith.constant 8.000000e+00 : f32
        %parallel_loop3A_599 = vector.broadcast %parallel_loop3A_598 : f32 to vector<16xf32>
        %parallel_loop3A_600 = arith.mulf %parallel_loop3A_592, %parallel_loop3A_599 : vector<16xf32>
        %parallel_loop3A_601 = arith.addf %parallel_loop3A_600, %parallel_loop3A_597 : vector<16xf32>
        %parallel_loop3A_602 = arith.constant 1 : i32
        %parallel_loop3A_603 = arith.index_cast %parallel_loop3A_602 : i32 to index
        %parallel_loop3A_604 = arith.index_cast %parallel_loop3A_582 : i32 to index
        %parallel_loop3A_605 = arith.constant 0 : index
        %parallel_loop3A_606 = tpu.vector_load %arg9[%parallel_loop3A_603, %parallel_loop3A_604, %parallel_loop3A_605] {strides = array<i32>} : memref<4x64x128xf32, #tpu.memory_space<vmem>>, vector<1x1x16xf32>,
        %parallel_loop3A_607 = vector.shape_cast %parallel_loop3A_606 : vector<1x1x16xf32> to vector<16xf32>
        %parallel_loop3A_608 = vector.shape_cast %parallel_loop3A_601 : vector<16xf32> to vector<1x1x16xf32>
        tpu.vector_store %arg9[%parallel_loop3A_603, %parallel_loop3A_604, %parallel_loop3A_605], %parallel_loop3A_608 {strides = array<i32>} : memref<4x64x128xf32, #tpu.memory_space<vmem>>, vector<1x1x16xf32>,
        %parallel_loop3A_609 = arith.constant 0 : i32
        %parallel_loop3A_610 = arith.addi %parallel_loop3A_584, %parallel_loop3A_609 : i32
        %parallel_loop3A_611 = arith.constant 1 : i32
        %parallel_loop3A_612 = arith.index_cast %parallel_loop3A_611 : i32 to index
        %parallel_loop3A_613 = arith.index_cast %parallel_loop3A_610 : i32 to index
        %parallel_loop3A_614 = arith.constant 16 : index
        %parallel_loop3A_615 = tpu.vector_load %arg8[%parallel_loop3A_612, %parallel_loop3A_613, %parallel_loop3A_614] {strides = array<i32>} : memref<4x128x64xf32, #tpu.memory_space<vmem>>, vector<1x1x16xf32>,
        %parallel_loop3A_616 = vector.shape_cast %parallel_loop3A_615 : vector<1x1x16xf32> to vector<16xf32>
        %parallel_loop3A_617 = arith.addi %select_n3A_335, %parallel_loop3A_582 : i32
        %parallel_loop3A_618 = arith.index_cast %parallel_loop3A_617 : i32 to index
        %parallel_loop3A_619 = arith.constant 16 : index
        %parallel_loop3A_620 = tpu.vector_load %arg7[%parallel_loop3A_618, %parallel_loop3A_619] {strides = array<i32>} : memref<200x128xf32, #tpu.memory_space<vmem>>, vector<1x16xf32>,
        %parallel_loop3A_621 = vector.shape_cast %parallel_loop3A_620 : vector<1x16xf32> to vector<16xf32>
        %parallel_loop3A_622 = arith.constant 8.000000e+00 : f32
        %parallel_loop3A_623 = vector.broadcast %parallel_loop3A_622 : f32 to vector<16xf32>
        %parallel_loop3A_624 = arith.mulf %parallel_loop3A_616, %parallel_loop3A_623 : vector<16xf32>
        %parallel_loop3A_625 = arith.addf %parallel_loop3A_624, %parallel_loop3A_621 : vector<16xf32>
        %parallel_loop3A_626 = arith.constant 1 : i32
        %parallel_loop3A_627 = arith.index_cast %parallel_loop3A_626 : i32 to index
        %parallel_loop3A_628 = arith.index_cast %parallel_loop3A_582 : i32 to index
        %parallel_loop3A_629 = arith.constant 16 : index
        %parallel_loop3A_630 = tpu.vector_load %arg9[%parallel_loop3A_627, %parallel_loop3A_628, %parallel_loop3A_629] {strides = array<i32>} : memref<4x64x128xf32, #tpu.memory_space<vmem>>, vector<1x1x16xf32>,
        %parallel_loop3A_631 = vector.shape_cast %parallel_loop3A_630 : vector<1x1x16xf32> to vector<16xf32>
        %parallel_loop3A_632 = vector.shape_cast %parallel_loop3A_625 : vector<16xf32> to vector<1x1x16xf32>
        tpu.vector_store %arg9[%parallel_loop3A_627, %parallel_loop3A_628, %parallel_loop3A_629], %parallel_loop3A_632 {strides = array<i32>} : memref<4x64x128xf32, #tpu.memory_space<vmem>>, vector<1x1x16xf32>,
        %parallel_loop3A_633 = arith.constant 0 : i32
        %parallel_loop3A_634 = arith.addi %parallel_loop3A_584, %parallel_loop3A_633 : i32
        %parallel_loop3A_635 = arith.constant 1 : i32
        %parallel_loop3A_636 = arith.index_cast %parallel_loop3A_635 : i32 to index
        %parallel_loop3A_637 = arith.index_cast %parallel_loop3A_634 : i32 to index
        %parallel_loop3A_638 = arith.constant 32 : index
        %parallel_loop3A_639 = tpu.vector_load %arg8[%parallel_loop3A_636, %parallel_loop3A_637, %parallel_loop3A_638] {strides = array<i32>} : memref<4x128x64xf32, #tpu.memory_space<vmem>>, vector<1x1x16xf32>,
        %parallel_loop3A_640 = vector.shape_cast %parallel_loop3A_639 : vector<1x1x16xf32> to vector<16xf32>
        %parallel_loop3A_641 = arith.addi %select_n3A_335, %parallel_loop3A_582 : i32
        %parallel_loop3A_642 = arith.index_cast %parallel_loop3A_641 : i32 to index
        %parallel_loop3A_643 = arith.constant 32 : index
        %parallel_loop3A_644 = tpu.vector_load %arg7[%parallel_loop3A_642, %parallel_loop3A_643] {strides = array<i32>} : memref<200x128xf32, #tpu.memory_space<vmem>>, vector<1x16xf32>,
        %parallel_loop3A_645 = vector.shape_cast %parallel_loop3A_644 : vector<1x16xf32> to vector<16xf32>
        %parallel_loop3A_646 = arith.constant 8.000000e+00 : f32
        %parallel_loop3A_647 = vector.broadcast %parallel_loop3A_646 : f32 to vector<16xf32>
        %parallel_loop3A_648 = arith.mulf %parallel_loop3A_640, %parallel_loop3A_647 : vector<16xf32>
        %parallel_loop3A_649 = arith.addf %parallel_loop3A_648, %parallel_loop3A_645 : vector<16xf32>
        %parallel_loop3A_650 = arith.constant 1 : i32
        %parallel_loop3A_651 = arith.index_cast %parallel_loop3A_650 : i32 to index
        %parallel_loop3A_652 = arith.index_cast %parallel_loop3A_582 : i32 to index
        %parallel_loop3A_653 = arith.constant 32 : index
        %parallel_loop3A_654 = tpu.vector_load %arg9[%parallel_loop3A_651, %parallel_loop3A_652, %parallel_loop3A_653] {strides = array<i32>} : memref<4x64x128xf32, #tpu.memory_space<vmem>>, vector<1x1x16xf32>,
        %parallel_loop3A_655 = vector.shape_cast %parallel_loop3A_654 : vector<1x1x16xf32> to vector<16xf32>
        %parallel_loop3A_656 = vector.shape_cast %parallel_loop3A_649 : vector<16xf32> to vector<1x1x16xf32>
        tpu.vector_store %arg9[%parallel_loop3A_651, %parallel_loop3A_652, %parallel_loop3A_653], %parallel_loop3A_656 {strides = array<i32>} : memref<4x64x128xf32, #tpu.memory_space<vmem>>, vector<1x1x16xf32>,
        %parallel_loop3A_657 = arith.constant 0 : i32
        %parallel_loop3A_658 = arith.addi %parallel_loop3A_584, %parallel_loop3A_657 : i32
        %parallel_loop3A_659 = arith.constant 1 : i32
        %parallel_loop3A_660 = arith.index_cast %parallel_loop3A_659 : i32 to index
        %parallel_loop3A_661 = arith.index_cast %parallel_loop3A_658 : i32 to index
        %parallel_loop3A_662 = arith.constant 48 : index
        %parallel_loop3A_663 = tpu.vector_load %arg8[%parallel_loop3A_660, %parallel_loop3A_661, %parallel_loop3A_662] {strides = array<i32>} : memref<4x128x64xf32, #tpu.memory_space<vmem>>, vector<1x1x16xf32>,
        %parallel_loop3A_664 = vector.shape_cast %parallel_loop3A_663 : vector<1x1x16xf32> to vector<16xf32>
        %parallel_loop3A_665 = arith.addi %select_n3A_335, %parallel_loop3A_582 : i32
        %parallel_loop3A_666 = arith.index_cast %parallel_loop3A_665 : i32 to index
        %parallel_loop3A_667 = arith.constant 48 : index
        %parallel_loop3A_668 = tpu.vector_load %arg7[%parallel_loop3A_666, %parallel_loop3A_667] {strides = array<i32>} : memref<200x128xf32, #tpu.memory_space<vmem>>, vector<1x16xf32>,
        %parallel_loop3A_669 = vector.shape_cast %parallel_loop3A_668 : vector<1x16xf32> to vector<16xf32>
        %parallel_loop3A_670 = arith.constant 8.000000e+00 : f32
        %parallel_loop3A_671 = vector.broadcast %parallel_loop3A_670 : f32 to vector<16xf32>
        %parallel_loop3A_672 = arith.mulf %parallel_loop3A_664, %parallel_loop3A_671 : vector<16xf32>
        %parallel_loop3A_673 = arith.addf %parallel_loop3A_672, %parallel_loop3A_669 : vector<16xf32>
        %parallel_loop3A_674 = arith.constant 1 : i32
        %parallel_loop3A_675 = arith.index_cast %parallel_loop3A_674 : i32 to index
        %parallel_loop3A_676 = arith.index_cast %parallel_loop3A_582 : i32 to index
        %parallel_loop3A_677 = arith.constant 48 : index
        %parallel_loop3A_678 = tpu.vector_load %arg9[%parallel_loop3A_675, %parallel_loop3A_676, %parallel_loop3A_677] {strides = array<i32>} : memref<4x64x128xf32, #tpu.memory_space<vmem>>, vector<1x1x16xf32>,
        %parallel_loop3A_679 = vector.shape_cast %parallel_loop3A_678 : vector<1x1x16xf32> to vector<16xf32>
        %parallel_loop3A_680 = vector.shape_cast %parallel_loop3A_673 : vector<16xf32> to vector<1x1x16xf32>
        tpu.vector_store %arg9[%parallel_loop3A_675, %parallel_loop3A_676, %parallel_loop3A_677], %parallel_loop3A_680 {strides = array<i32>} : memref<4x64x128xf32, #tpu.memory_space<vmem>>, vector<1x1x16xf32>,
        %parallel_loop3A_681 = arith.constant 1 : i32
        %parallel_loop3A_682 = arith.addi %parallel_loop3A_584, %parallel_loop3A_681 : i32
        %parallel_loop3A_683 = arith.constant 1 : i32
        %parallel_loop3A_684 = arith.index_cast %parallel_loop3A_683 : i32 to index
        %parallel_loop3A_685 = arith.index_cast %parallel_loop3A_682 : i32 to index
        %parallel_loop3A_686 = arith.constant 0 : index
        %parallel_loop3A_687 = tpu.vector_load %arg8[%parallel_loop3A_684, %parallel_loop3A_685, %parallel_loop3A_686] {strides = array<i32>} : memref<4x128x64xf32, #tpu.memory_space<vmem>>, vector<1x1x16xf32>,
        %parallel_loop3A_688 = vector.shape_cast %parallel_loop3A_687 : vector<1x1x16xf32> to vector<16xf32>
        %parallel_loop3A_689 = arith.addi %select_n3A_335, %parallel_loop3A_582 : i32
        %parallel_loop3A_690 = arith.index_cast %parallel_loop3A_689 : i32 to index
        %parallel_loop3A_691 = arith.constant 64 : index
        %parallel_loop3A_692 = tpu.vector_load %arg7[%parallel_loop3A_690, %parallel_loop3A_691] {strides = array<i32>} : memref<200x128xf32, #tpu.memory_space<vmem>>, vector<1x16xf32>,
        %parallel_loop3A_693 = vector.shape_cast %parallel_loop3A_692 : vector<1x16xf32> to vector<16xf32>
        %parallel_loop3A_694 = arith.constant 8.000000e+00 : f32
        %parallel_loop3A_695 = vector.broadcast %parallel_loop3A_694 : f32 to vector<16xf32>
        %parallel_loop3A_696 = arith.mulf %parallel_loop3A_688, %parallel_loop3A_695 : vector<16xf32>
        %parallel_loop3A_697 = arith.addf %parallel_loop3A_696, %parallel_loop3A_693 : vector<16xf32>
        %parallel_loop3A_698 = arith.constant 1 : i32
        %parallel_loop3A_699 = arith.index_cast %parallel_loop3A_698 : i32 to index
        %parallel_loop3A_700 = arith.index_cast %parallel_loop3A_582 : i32 to index
        %parallel_loop3A_701 = arith.constant 64 : index
        %parallel_loop3A_702 = tpu.vector_load %arg9[%parallel_loop3A_699, %parallel_loop3A_700, %parallel_loop3A_701] {strides = array<i32>} : memref<4x64x128xf32, #tpu.memory_space<vmem>>, vector<1x1x16xf32>,
        %parallel_loop3A_703 = vector.shape_cast %parallel_loop3A_702 : vector<1x1x16xf32> to vector<16xf32>
        %parallel_loop3A_704 = vector.shape_cast %parallel_loop3A_697 : vector<16xf32> to vector<1x1x16xf32>
        tpu.vector_store %arg9[%parallel_loop3A_699, %parallel_loop3A_700, %parallel_loop3A_701], %parallel_loop3A_704 {strides = array<i32>} : memref<4x64x128xf32, #tpu.memory_space<vmem>>, vector<1x1x16xf32>,
        %parallel_loop3A_705 = arith.constant 1 : i32
        %parallel_loop3A_706 = arith.addi %parallel_loop3A_584, %parallel_loop3A_705 : i32
        %parallel_loop3A_707 = arith.constant 1 : i32
        %parallel_loop3A_708 = arith.index_cast %parallel_loop3A_707 : i32 to index
        %parallel_loop3A_709 = arith.index_cast %parallel_loop3A_706 : i32 to index
        %parallel_loop3A_710 = arith.constant 16 : index
        %parallel_loop3A_711 = tpu.vector_load %arg8[%parallel_loop3A_708, %parallel_loop3A_709, %parallel_loop3A_710] {strides = array<i32>} : memref<4x128x64xf32, #tpu.memory_space<vmem>>, vector<1x1x16xf32>,
        %parallel_loop3A_712 = vector.shape_cast %parallel_loop3A_711 : vector<1x1x16xf32> to vector<16xf32>
        %parallel_loop3A_713 = arith.addi %select_n3A_335, %parallel_loop3A_582 : i32
        %parallel_loop3A_714 = arith.index_cast %parallel_loop3A_713 : i32 to index
        %parallel_loop3A_715 = arith.constant 80 : index
        %parallel_loop3A_716 = tpu.vector_load %arg7[%parallel_loop3A_714, %parallel_loop3A_715] {strides = array<i32>} : memref<200x128xf32, #tpu.memory_space<vmem>>, vector<1x16xf32>,
        %parallel_loop3A_717 = vector.shape_cast %parallel_loop3A_716 : vector<1x16xf32> to vector<16xf32>
        %parallel_loop3A_718 = arith.constant 8.000000e+00 : f32
        %parallel_loop3A_719 = vector.broadcast %parallel_loop3A_718 : f32 to vector<16xf32>
        %parallel_loop3A_720 = arith.mulf %parallel_loop3A_712, %parallel_loop3A_719 : vector<16xf32>
        %parallel_loop3A_721 = arith.addf %parallel_loop3A_720, %parallel_loop3A_717 : vector<16xf32>
        %parallel_loop3A_722 = arith.constant 1 : i32
        %parallel_loop3A_723 = arith.index_cast %parallel_loop3A_722 : i32 to index
        %parallel_loop3A_724 = arith.index_cast %parallel_loop3A_582 : i32 to index
        %parallel_loop3A_725 = arith.constant 80 : index
        %parallel_loop3A_726 = tpu.vector_load %arg9[%parallel_loop3A_723, %parallel_loop3A_724, %parallel_loop3A_725] {strides = array<i32>} : memref<4x64x128xf32, #tpu.memory_space<vmem>>, vector<1x1x16xf32>,
        %parallel_loop3A_727 = vector.shape_cast %parallel_loop3A_726 : vector<1x1x16xf32> to vector<16xf32>
        %parallel_loop3A_728 = vector.shape_cast %parallel_loop3A_721 : vector<16xf32> to vector<1x1x16xf32>
        tpu.vector_store %arg9[%parallel_loop3A_723, %parallel_loop3A_724, %parallel_loop3A_725], %parallel_loop3A_728 {strides = array<i32>} : memref<4x64x128xf32, #tpu.memory_space<vmem>>, vector<1x1x16xf32>,
        %parallel_loop3A_729 = arith.constant 1 : i32
        %parallel_loop3A_730 = arith.addi %parallel_loop3A_584, %parallel_loop3A_729 : i32
        %parallel_loop3A_731 = arith.constant 1 : i32
        %parallel_loop3A_732 = arith.index_cast %parallel_loop3A_731 : i32 to index
        %parallel_loop3A_733 = arith.index_cast %parallel_loop3A_730 : i32 to index
        %parallel_loop3A_734 = arith.constant 32 : index
        %parallel_loop3A_735 = tpu.vector_load %arg8[%parallel_loop3A_732, %parallel_loop3A_733, %parallel_loop3A_734] {strides = array<i32>} : memref<4x128x64xf32, #tpu.memory_space<vmem>>, vector<1x1x16xf32>,
        %parallel_loop3A_736 = vector.shape_cast %parallel_loop3A_735 : vector<1x1x16xf32> to vector<16xf32>
        %parallel_loop3A_737 = arith.addi %select_n3A_335, %parallel_loop3A_582 : i32
        %parallel_loop3A_738 = arith.index_cast %parallel_loop3A_737 : i32 to index
        %parallel_loop3A_739 = arith.constant 96 : index
        %parallel_loop3A_740 = tpu.vector_load %arg7[%parallel_loop3A_738, %parallel_loop3A_739] {strides = array<i32>} : memref<200x128xf32, #tpu.memory_space<vmem>>, vector<1x16xf32>,
        %parallel_loop3A_741 = vector.shape_cast %parallel_loop3A_740 : vector<1x16xf32> to vector<16xf32>
        %parallel_loop3A_742 = arith.constant 8.000000e+00 : f32
        %parallel_loop3A_743 = vector.broadcast %parallel_loop3A_742 : f32 to vector<16xf32>
        %parallel_loop3A_744 = arith.mulf %parallel_loop3A_736, %parallel_loop3A_743 : vector<16xf32>
        %parallel_loop3A_745 = arith.addf %parallel_loop3A_744, %parallel_loop3A_741 : vector<16xf32>
        %parallel_loop3A_746 = arith.constant 1 : i32
        %parallel_loop3A_747 = arith.index_cast %parallel_loop3A_746 : i32 to index
        %parallel_loop3A_748 = arith.index_cast %parallel_loop3A_582 : i32 to index
        %parallel_loop3A_749 = arith.constant 96 : index
        %parallel_loop3A_750 = tpu.vector_load %arg9[%parallel_loop3A_747, %parallel_loop3A_748, %parallel_loop3A_749] {strides = array<i32>} : memref<4x64x128xf32, #tpu.memory_space<vmem>>, vector<1x1x16xf32>,
        %parallel_loop3A_751 = vector.shape_cast %parallel_loop3A_750 : vector<1x1x16xf32> to vector<16xf32>
        %parallel_loop3A_752 = vector.shape_cast %parallel_loop3A_745 : vector<16xf32> to vector<1x1x16xf32>
        tpu.vector_store %arg9[%parallel_loop3A_747, %parallel_loop3A_748, %parallel_loop3A_749], %parallel_loop3A_752 {strides = array<i32>} : memref<4x64x128xf32, #tpu.memory_space<vmem>>, vector<1x1x16xf32>,
        %parallel_loop3A_753 = arith.constant 1 : i32
        %parallel_loop3A_754 = arith.addi %parallel_loop3A_584, %parallel_loop3A_753 : i32
        %parallel_loop3A_755 = arith.constant 1 : i32
        %parallel_loop3A_756 = arith.index_cast %parallel_loop3A_755 : i32 to index
        %parallel_loop3A_757 = arith.index_cast %parallel_loop3A_754 : i32 to index
        %parallel_loop3A_758 = arith.constant 48 : index
        %parallel_loop3A_759 = tpu.vector_load %arg8[%parallel_loop3A_756, %parallel_loop3A_757, %parallel_loop3A_758] {strides = array<i32>} : memref<4x128x64xf32, #tpu.memory_space<vmem>>, vector<1x1x16xf32>,
        %parallel_loop3A_760 = vector.shape_cast %parallel_loop3A_759 : vector<1x1x16xf32> to vector<16xf32>
        %parallel_loop3A_761 = arith.addi %select_n3A_335, %parallel_loop3A_582 : i32
        %parallel_loop3A_762 = arith.index_cast %parallel_loop3A_761 : i32 to index
        %parallel_loop3A_763 = arith.constant 112 : index
        %parallel_loop3A_764 = tpu.vector_load %arg7[%parallel_loop3A_762, %parallel_loop3A_763] {strides = array<i32>} : memref<200x128xf32, #tpu.memory_space<vmem>>, vector<1x16xf32>,
        %parallel_loop3A_765 = vector.shape_cast %parallel_loop3A_764 : vector<1x16xf32> to vector<16xf32>
        %parallel_loop3A_766 = arith.constant 8.000000e+00 : f32
        %parallel_loop3A_767 = vector.broadcast %parallel_loop3A_766 : f32 to vector<16xf32>
        %parallel_loop3A_768 = arith.mulf %parallel_loop3A_760, %parallel_loop3A_767 : vector<16xf32>
        %parallel_loop3A_769 = arith.addf %parallel_loop3A_768, %parallel_loop3A_765 : vector<16xf32>
        %parallel_loop3A_770 = arith.constant 1 : i32
        %parallel_loop3A_771 = arith.index_cast %parallel_loop3A_770 : i32 to index
        %parallel_loop3A_772 = arith.index_cast %parallel_loop3A_582 : i32 to index
        %parallel_loop3A_773 = arith.constant 112 : index
        %parallel_loop3A_774 = tpu.vector_load %arg9[%parallel_loop3A_771, %parallel_loop3A_772, %parallel_loop3A_773] {strides = array<i32>} : memref<4x64x128xf32, #tpu.memory_space<vmem>>, vector<1x1x16xf32>,
        %parallel_loop3A_775 = vector.shape_cast %parallel_loop3A_774 : vector<1x1x16xf32> to vector<16xf32>
        %parallel_loop3A_776 = vector.shape_cast %parallel_loop3A_769 : vector<16xf32> to vector<1x1x16xf32>
        tpu.vector_store %arg9[%parallel_loop3A_771, %parallel_loop3A_772, %parallel_loop3A_773], %parallel_loop3A_776 {strides = array<i32>} : memref<4x64x128xf32, #tpu.memory_space<vmem>>, vector<1x1x16xf32>,
      } {sc.loop_unroll_factor = 4 : i64, sc.parallel_access}
      %add3A_339 = arith.constant 4 : i32
      %add3A_340 = arith.addi %add3A_291, %add3A_339 : i32
      %lt3A_341 = arith.constant 200 : i32
      %lt3A_342 = arith.cmpi slt, %add3A_340, %lt3A_341 : i32
      %convert_element_type3A_343 = arith.extui %lt3A_342 : i1 to i32
      %cond3A_344 = arith.constant 0 : i32
      %cond3A_345 = arith.cmpi ne, %convert_element_type3A_343, %cond3A_344 : i32
      scf.if %cond3A_345 {
        %add3A_582 = arith.constant 4 : i32
        %add3A_583 = arith.addi %add3A_291, %add3A_582 : i32
        %dma_start3A_584 = arith.constant 1 : i32
        %dma_start3A_585 = arith.constant 0 : i32
        %dma_start3A_586 = arith.constant 0 : i32
        %dma_start3A_587 = tpu.memref_slice %arg8[%dma_start3A_584, %dma_start3A_585, %dma_start3A_586] : memref<4x128x64xf32, #tpu.memory_space<vmem>> -> memref<1x128x64xf32, #tpu.memory_space<vmem>>
        %dma_start3A_588 = tpu.memref_squeeze %dma_start3A_587 : memref<1x128x64xf32, #tpu.memory_space<vmem>> -> memref<128x64xf32, #tpu.memory_space<vmem>>
        %dma_start3A_589 = arith.constant 0 : i32
        %dma_start3A_590 = tpu.memref_slice %arg6[%add3A_583, %dma_start3A_589] : memref<200x128xi32, #tpu.memory_space<vmem>> -> memref<1x128xi32, #tpu.memory_space<vmem>>
        %dma_start3A_591 = tpu.memref_squeeze %dma_start3A_590 : memref<1x128xi32, #tpu.memory_space<vmem>> -> memref<128xi32, #tpu.memory_space<vmem>>
        %dma_start3A_592 = arith.constant 0 : i32
        %dma_start3A_593 = arith.constant 0 : i32
        %dma_start3A_594 = tpu.memref_slice %arg2[%dma_start3A_592, %dma_start3A_593] : memref<1000000x64xf32, #tpu.memory_space<hbm>> -> memref<1000000x64xf32, #tpu.memory_space<hbm>>
        tpu.enqueue_indirect_dma source(%dma_start3A_594 : memref<1000000x64xf32, #tpu.memory_space<hbm>>) target(%dma_start3A_588 : memref<128x64xf32, #tpu.memory_space<vmem>>) offsets(%dma_start3A_591 : memref<128xi32, #tpu.memory_space<vmem>>) semaphore(%arg11 : memref<!tpu.dma_semaphore, #tpu.memory_space<semaphore_mem>>)
      } else {
      }
      %mul3A_346 = arith.constant 128 : i32
      %mul3A_347 = arith.muli %add3A_291, %mul3A_346 : i32
      %add3A_348 = arith.addi %mul3A_2, %mul3A_347 : i32
      %jit3A_349 = arith.constant 2 : i32
      %div3A_350 = arith.divsi %add3A_348, %jit3A_349 : i32
      %sign3A_351 = arith.constant 0 : i32
      %sign3A_352 = arith.cmpi sgt, %add3A_348, %sign3A_351 : i32
      %sign3A_353 = arith.extui %sign3A_352 : i1 to i32
      %sign3A_354 = arith.constant 0 : i32
      %sign3A_355 = arith.cmpi slt, %add3A_348, %sign3A_354 : i32
      %sign3A_356 = arith.extui %sign3A_355 : i1 to i32
      %sign3A_357 = arith.subi %sign3A_353, %sign3A_356 : i32
      %sign3A_358 = arith.constant 0 : i32
      %sign3A_359 = arith.cmpi sgt, %jit3A_349, %sign3A_358 : i32
      %sign3A_360 = arith.extui %sign3A_359 : i1 to i32
      %sign3A_361 = arith.constant 0 : i32
      %sign3A_362 = arith.cmpi slt, %jit3A_349, %sign3A_361 : i32
      %sign3A_363 = arith.extui %sign3A_362 : i1 to i32
      %sign3A_364 = arith.subi %sign3A_360, %sign3A_363 : i32
      %ne3A_365 = arith.cmpi ne, %sign3A_357, %sign3A_364 : i32
      %rem3A_366 = arith.remsi %add3A_348, %jit3A_349 : i32
      %ne3A_367 = arith.constant 0 : i32
      %ne3A_368 = arith.cmpi ne, %rem3A_366, %ne3A_367 : i32
      %and3A_369 = arith.andi %ne3A_365, %ne3A_368 : i1
      %sub3A_370 = arith.constant 1 : i32
      %sub3A_371 = arith.subi %div3A_350, %sub3A_370 : i32
      %select_n3A_372 = arith.select %and3A_369, %sub3A_371, %div3A_350 : i32
      %dma_start3A_373 = arith.constant 1 : i32
      %dma_start3A_374 = arith.constant 0 : i32
      %dma_start3A_375 = arith.constant 0 : i32
      %dma_start3A_376 = tpu.memref_slice %arg9[%dma_start3A_373, %dma_start3A_374, %dma_start3A_375] : memref<4x64x128xf32, #tpu.memory_space<vmem>> -> memref<1x64x128xf32, #tpu.memory_space<vmem>>
      %dma_start3A_377 = tpu.memref_squeeze %dma_start3A_376 : memref<1x64x128xf32, #tpu.memory_space<vmem>> -> memref<64x128xf32, #tpu.memory_space<vmem>>
      %dma_start3A_378 = arith.constant 0 : i32
      %dma_start3A_379 = tpu.memref_slice %arg5[%select_n3A_372, %dma_start3A_378] : memref<409600x128xf32, #tpu.memory_space<hbm>> -> memref<64x128xf32, #tpu.memory_space<hbm>>
      %dma_start3A_380 = arith.constant 0 : i32
      %dma_start3A_381 = tpu.memref_slice %arg5[%select_n3A_372, %dma_start3A_380] : memref<409600x128xf32, #tpu.memory_space<hbm>> -> memref<64x128xf32, #tpu.memory_space<hbm>>
      %dma_start3A_382 = arith.constant 0 : i32
      %dma_start3A_383 = arith.constant 0 : i32
      %dma_start3A_384 = tpu.memref_slice %arg9[%dma_start3A_373, %dma_start3A_382, %dma_start3A_383] : memref<4x64x128xf32, #tpu.memory_space<vmem>> -> memref<1x64x128xf32, #tpu.memory_space<vmem>>
      %dma_start3A_385 = tpu.memref_squeeze %dma_start3A_384 : memref<1x64x128xf32, #tpu.memory_space<vmem>> -> memref<64x128xf32, #tpu.memory_space<vmem>>
      tpu.enqueue_dma source(%dma_start3A_385 : memref<64x128xf32, #tpu.memory_space<vmem>>) target(%dma_start3A_381 : memref<64x128xf32, #tpu.memory_space<hbm>>) target_semaphore(%arg15 : memref<!tpu.dma_semaphore, #tpu.memory_space<semaphore_mem>>)
      %mul3A_386 = arith.constant 4 : i32
      %mul3A_387 = arith.muli %scan3A_194, %mul3A_386 : i32
      %add3A_388 = arith.constant 2 : i32
      %add3A_389 = arith.addi %mul3A_387, %add3A_388 : i32
      %dma_wait3A_390 = arith.constant 2 : i32
      %dma_wait3A_391 = arith.constant 0 : i32
      %dma_wait3A_392 = arith.constant 0 : i32
      %dma_wait3A_393 = tpu.memref_slice %arg8[%dma_wait3A_390, %dma_wait3A_391, %dma_wait3A_392] : memref<4x128x64xf32, #tpu.memory_space<vmem>> -> memref<1x128x64xf32, #tpu.memory_space<vmem>>
      %dma_wait3A_394 = tpu.memref_squeeze %dma_wait3A_393 : memref<1x128x64xf32, #tpu.memory_space<vmem>> -> memref<128x64xf32, #tpu.memory_space<vmem>>
      %dma_wait3A_395 = arith.constant 0 : i32
      %dma_wait3A_396 = tpu.memref_slice %arg6[%add3A_389, %dma_wait3A_395] : memref<200x128xi32, #tpu.memory_space<vmem>> -> memref<1x128xi32, #tpu.memory_space<vmem>>
      %dma_wait3A_397 = tpu.memref_squeeze %dma_wait3A_396 : memref<1x128xi32, #tpu.memory_space<vmem>> -> memref<128xi32, #tpu.memory_space<vmem>>
      %dma_wait3A_398 = arith.constant 0 : i32
      %dma_wait3A_399 = arith.constant 0 : i32
      %dma_wait3A_400 = tpu.memref_slice %arg2[%dma_wait3A_398, %dma_wait3A_399] : memref<1000000x64xf32, #tpu.memory_space<hbm>> -> memref<1000000x64xf32, #tpu.memory_space<hbm>>
      tpu.wait_indirect_dma semaphore(%arg12 : memref<!tpu.dma_semaphore, #tpu.memory_space<semaphore_mem>>) src(%dma_wait3A_400 : memref<1000000x64xf32, #tpu.memory_space<hbm>>) dst(%dma_wait3A_394 : memref<128x64xf32, #tpu.memory_space<vmem>>)
      %ge3A_401 = arith.constant 4 : i32
      %ge3A_402 = arith.cmpi sge, %add3A_389, %ge3A_401 : i32
      %convert_element_type3A_403 = arith.extui %ge3A_402 : i1 to i32
      %cond3A_404 = arith.constant 0 : i32
      %cond3A_405 = arith.cmpi ne, %convert_element_type3A_403, %cond3A_404 : i32
      scf.if %cond3A_405 {
        %jit3A_582 = arith.constant 2 : i32
        %div3A_583 = arith.divsi %mul3A_2, %jit3A_582 : i32
        %sign3A_584 = arith.constant 0 : i32
        %sign3A_585 = arith.cmpi sgt, %mul3A_2, %sign3A_584 : i32
        %sign3A_586 = arith.extui %sign3A_585 : i1 to i32
        %sign3A_587 = arith.constant 0 : i32
        %sign3A_588 = arith.cmpi slt, %mul3A_2, %sign3A_587 : i32
        %sign3A_589 = arith.extui %sign3A_588 : i1 to i32
        %sign3A_590 = arith.subi %sign3A_586, %sign3A_589 : i32
        %sign3A_591 = arith.constant 0 : i32
        %sign3A_592 = arith.cmpi sgt, %jit3A_582, %sign3A_591 : i32
        %sign3A_593 = arith.extui %sign3A_592 : i1 to i32
        %sign3A_594 = arith.constant 0 : i32
        %sign3A_595 = arith.cmpi slt, %jit3A_582, %sign3A_594 : i32
        %sign3A_596 = arith.extui %sign3A_595 : i1 to i32
        %sign3A_597 = arith.subi %sign3A_593, %sign3A_596 : i32
        %ne3A_598 = arith.cmpi ne, %sign3A_590, %sign3A_597 : i32
        %rem3A_599 = arith.remsi %mul3A_2, %jit3A_582 : i32
        %ne3A_600 = arith.constant 0 : i32
        %ne3A_601 = arith.cmpi ne, %rem3A_599, %ne3A_600 : i32
        %and3A_602 = arith.andi %ne3A_598, %ne3A_601 : i1
        %sub3A_603 = arith.constant 1 : i32
        %sub3A_604 = arith.subi %div3A_583, %sub3A_603 : i32
        %select_n3A_605 = arith.select %and3A_602, %sub3A_604, %div3A_583 : i32
        %dma_wait3A_606 = arith.constant 2 : i32
        %dma_wait3A_607 = arith.constant 0 : i32
        %dma_wait3A_608 = arith.constant 0 : i32
        %dma_wait3A_609 = tpu.memref_slice %arg9[%dma_wait3A_606, %dma_wait3A_607, %dma_wait3A_608] : memref<4x64x128xf32, #tpu.memory_space<vmem>> -> memref<1x64x128xf32, #tpu.memory_space<vmem>>
        %dma_wait3A_610 = tpu.memref_squeeze %dma_wait3A_609 : memref<1x64x128xf32, #tpu.memory_space<vmem>> -> memref<64x128xf32, #tpu.memory_space<vmem>>
        %dma_wait3A_611 = arith.constant 0 : i32
        %dma_wait3A_612 = tpu.memref_slice %arg5[%select_n3A_605, %dma_wait3A_611] : memref<409600x128xf32, #tpu.memory_space<hbm>> -> memref<64x128xf32, #tpu.memory_space<hbm>>
        %dma_wait3A_613 = arith.constant 0 : i32
        %dma_wait3A_614 = tpu.memref_slice %arg5[%select_n3A_605, %dma_wait3A_613] : memref<409600x128xf32, #tpu.memory_space<hbm>> -> memref<64x128xf32, #tpu.memory_space<hbm>>
        %dma_wait3A_615 = arith.constant 0 : i32
        %dma_wait3A_616 = arith.constant 0 : i32
        %dma_wait3A_617 = tpu.memref_slice %arg9[%dma_wait3A_606, %dma_wait3A_615, %dma_wait3A_616] : memref<4x64x128xf32, #tpu.memory_space<vmem>> -> memref<1x64x128xf32, #tpu.memory_space<vmem>>
        %dma_wait3A_618 = tpu.memref_squeeze %dma_wait3A_617 : memref<1x64x128xf32, #tpu.memory_space<vmem>> -> memref<64x128xf32, #tpu.memory_space<vmem>>
        tpu.wait_dma2 semaphore(%arg16 : memref<!tpu.dma_semaphore, #tpu.memory_space<semaphore_mem>>) src(%dma_wait3A_618 : memref<64x128xf32, #tpu.memory_space<vmem>>) dst(%dma_wait3A_614 : memref<64x128xf32, #tpu.memory_space<hbm>>)
      } else {
      }
      %mul3A_406 = arith.constant 128 : i32
      %mul3A_407 = arith.muli %add3A_389, %mul3A_406 : i32
      %rem3A_408 = arith.constant 200 : i32
      %rem3A_409 = arith.remsi %mul3A_407, %rem3A_408 : i32
      %jit3A_410 = arith.constant 2 : i32
      %div3A_411 = arith.divsi %rem3A_409, %jit3A_410 : i32
      %sign3A_412 = arith.constant 0 : i32
      %sign3A_413 = arith.cmpi sgt, %rem3A_409, %sign3A_412 : i32
      %sign3A_414 = arith.extui %sign3A_413 : i1 to i32
      %sign3A_415 = arith.constant 0 : i32
      %sign3A_416 = arith.cmpi slt, %rem3A_409, %sign3A_415 : i32
      %sign3A_417 = arith.extui %sign3A_416 : i1 to i32
      %sign3A_418 = arith.subi %sign3A_414, %sign3A_417 : i32
      %sign3A_419 = arith.constant 0 : i32
      %sign3A_420 = arith.cmpi sgt, %jit3A_410, %sign3A_419 : i32
      %sign3A_421 = arith.extui %sign3A_420 : i1 to i32
      %sign3A_422 = arith.constant 0 : i32
      %sign3A_423 = arith.cmpi slt, %jit3A_410, %sign3A_422 : i32
      %sign3A_424 = arith.extui %sign3A_423 : i1 to i32
      %sign3A_425 = arith.subi %sign3A_421, %sign3A_424 : i32
      %ne3A_426 = arith.cmpi ne, %sign3A_418, %sign3A_425 : i32
      %rem3A_427 = arith.remsi %rem3A_409, %jit3A_410 : i32
      %ne3A_428 = arith.constant 0 : i32
      %ne3A_429 = arith.cmpi ne, %rem3A_427, %ne3A_428 : i32
      %and3A_430 = arith.andi %ne3A_426, %ne3A_429 : i1
      %sub3A_431 = arith.constant 1 : i32
      %sub3A_432 = arith.subi %div3A_411, %sub3A_431 : i32
      %select_n3A_433 = arith.select %and3A_430, %sub3A_432, %div3A_411 : i32
      %parallel_loop3A_434 = arith.constant 0 : i32
      %parallel_loop3A_435 = arith.constant 64 : i32
      %parallel_loop3A_436 = arith.constant 1 : i32
      scf.for %parallel_loop3A_582 = %parallel_loop3A_434 to %parallel_loop3A_435 step %parallel_loop3A_436  : i32 {
        %parallel_loop3A_583 = arith.constant 2 : i32
        %parallel_loop3A_584 = arith.muli %parallel_loop3A_583, %parallel_loop3A_582 : i32
        %parallel_loop3A_585 = arith.constant 0 : i32
        %parallel_loop3A_586 = arith.addi %parallel_loop3A_584, %parallel_loop3A_585 : i32
        %parallel_loop3A_587 = arith.constant 2 : i32
        %parallel_loop3A_588 = arith.index_cast %parallel_loop3A_587 : i32 to index
        %parallel_loop3A_589 = arith.index_cast %parallel_loop3A_586 : i32 to index
        %parallel_loop3A_590 = arith.constant 0 : index
        %parallel_loop3A_591 = tpu.vector_load %arg8[%parallel_loop3A_588, %parallel_loop3A_589, %parallel_loop3A_590] {strides = array<i32>} : memref<4x128x64xf32, #tpu.memory_space<vmem>>, vector<1x1x16xf32>,
        %parallel_loop3A_592 = vector.shape_cast %parallel_loop3A_591 : vector<1x1x16xf32> to vector<16xf32>
        %parallel_loop3A_593 = arith.addi %select_n3A_433, %parallel_loop3A_582 : i32
        %parallel_loop3A_594 = arith.index_cast %parallel_loop3A_593 : i32 to index
        %parallel_loop3A_595 = arith.constant 0 : index
        %parallel_loop3A_596 = tpu.vector_load %arg7[%parallel_loop3A_594, %parallel_loop3A_595] {strides = array<i32>} : memref<200x128xf32, #tpu.memory_space<vmem>>, vector<1x16xf32>,
        %parallel_loop3A_597 = vector.shape_cast %parallel_loop3A_596 : vector<1x16xf32> to vector<16xf32>
        %parallel_loop3A_598 = arith.constant 8.000000e+00 : f32
        %parallel_loop3A_599 = vector.broadcast %parallel_loop3A_598 : f32 to vector<16xf32>
        %parallel_loop3A_600 = arith.mulf %parallel_loop3A_592, %parallel_loop3A_599 : vector<16xf32>
        %parallel_loop3A_601 = arith.addf %parallel_loop3A_600, %parallel_loop3A_597 : vector<16xf32>
        %parallel_loop3A_602 = arith.constant 2 : i32
        %parallel_loop3A_603 = arith.index_cast %parallel_loop3A_602 : i32 to index
        %parallel_loop3A_604 = arith.index_cast %parallel_loop3A_582 : i32 to index
        %parallel_loop3A_605 = arith.constant 0 : index
        %parallel_loop3A_606 = tpu.vector_load %arg9[%parallel_loop3A_603, %parallel_loop3A_604, %parallel_loop3A_605] {strides = array<i32>} : memref<4x64x128xf32, #tpu.memory_space<vmem>>, vector<1x1x16xf32>,
        %parallel_loop3A_607 = vector.shape_cast %parallel_loop3A_606 : vector<1x1x16xf32> to vector<16xf32>
        %parallel_loop3A_608 = vector.shape_cast %parallel_loop3A_601 : vector<16xf32> to vector<1x1x16xf32>
        tpu.vector_store %arg9[%parallel_loop3A_603, %parallel_loop3A_604, %parallel_loop3A_605], %parallel_loop3A_608 {strides = array<i32>} : memref<4x64x128xf32, #tpu.memory_space<vmem>>, vector<1x1x16xf32>,
        %parallel_loop3A_609 = arith.constant 0 : i32
        %parallel_loop3A_610 = arith.addi %parallel_loop3A_584, %parallel_loop3A_609 : i32
        %parallel_loop3A_611 = arith.constant 2 : i32
        %parallel_loop3A_612 = arith.index_cast %parallel_loop3A_611 : i32 to index
        %parallel_loop3A_613 = arith.index_cast %parallel_loop3A_610 : i32 to index
        %parallel_loop3A_614 = arith.constant 16 : index
        %parallel_loop3A_615 = tpu.vector_load %arg8[%parallel_loop3A_612, %parallel_loop3A_613, %parallel_loop3A_614] {strides = array<i32>} : memref<4x128x64xf32, #tpu.memory_space<vmem>>, vector<1x1x16xf32>,
        %parallel_loop3A_616 = vector.shape_cast %parallel_loop3A_615 : vector<1x1x16xf32> to vector<16xf32>
        %parallel_loop3A_617 = arith.addi %select_n3A_433, %parallel_loop3A_582 : i32
        %parallel_loop3A_618 = arith.index_cast %parallel_loop3A_617 : i32 to index
        %parallel_loop3A_619 = arith.constant 16 : index
        %parallel_loop3A_620 = tpu.vector_load %arg7[%parallel_loop3A_618, %parallel_loop3A_619] {strides = array<i32>} : memref<200x128xf32, #tpu.memory_space<vmem>>, vector<1x16xf32>,
        %parallel_loop3A_621 = vector.shape_cast %parallel_loop3A_620 : vector<1x16xf32> to vector<16xf32>
        %parallel_loop3A_622 = arith.constant 8.000000e+00 : f32
        %parallel_loop3A_623 = vector.broadcast %parallel_loop3A_622 : f32 to vector<16xf32>
        %parallel_loop3A_624 = arith.mulf %parallel_loop3A_616, %parallel_loop3A_623 : vector<16xf32>
        %parallel_loop3A_625 = arith.addf %parallel_loop3A_624, %parallel_loop3A_621 : vector<16xf32>
        %parallel_loop3A_626 = arith.constant 2 : i32
        %parallel_loop3A_627 = arith.index_cast %parallel_loop3A_626 : i32 to index
        %parallel_loop3A_628 = arith.index_cast %parallel_loop3A_582 : i32 to index
        %parallel_loop3A_629 = arith.constant 16 : index
        %parallel_loop3A_630 = tpu.vector_load %arg9[%parallel_loop3A_627, %parallel_loop3A_628, %parallel_loop3A_629] {strides = array<i32>} : memref<4x64x128xf32, #tpu.memory_space<vmem>>, vector<1x1x16xf32>,
        %parallel_loop3A_631 = vector.shape_cast %parallel_loop3A_630 : vector<1x1x16xf32> to vector<16xf32>
        %parallel_loop3A_632 = vector.shape_cast %parallel_loop3A_625 : vector<16xf32> to vector<1x1x16xf32>
        tpu.vector_store %arg9[%parallel_loop3A_627, %parallel_loop3A_628, %parallel_loop3A_629], %parallel_loop3A_632 {strides = array<i32>} : memref<4x64x128xf32, #tpu.memory_space<vmem>>, vector<1x1x16xf32>,
        %parallel_loop3A_633 = arith.constant 0 : i32
        %parallel_loop3A_634 = arith.addi %parallel_loop3A_584, %parallel_loop3A_633 : i32
        %parallel_loop3A_635 = arith.constant 2 : i32
        %parallel_loop3A_636 = arith.index_cast %parallel_loop3A_635 : i32 to index
        %parallel_loop3A_637 = arith.index_cast %parallel_loop3A_634 : i32 to index
        %parallel_loop3A_638 = arith.constant 32 : index
        %parallel_loop3A_639 = tpu.vector_load %arg8[%parallel_loop3A_636, %parallel_loop3A_637, %parallel_loop3A_638] {strides = array<i32>} : memref<4x128x64xf32, #tpu.memory_space<vmem>>, vector<1x1x16xf32>,
        %parallel_loop3A_640 = vector.shape_cast %parallel_loop3A_639 : vector<1x1x16xf32> to vector<16xf32>
        %parallel_loop3A_641 = arith.addi %select_n3A_433, %parallel_loop3A_582 : i32
        %parallel_loop3A_642 = arith.index_cast %parallel_loop3A_641 : i32 to index
        %parallel_loop3A_643 = arith.constant 32 : index
        %parallel_loop3A_644 = tpu.vector_load %arg7[%parallel_loop3A_642, %parallel_loop3A_643] {strides = array<i32>} : memref<200x128xf32, #tpu.memory_space<vmem>>, vector<1x16xf32>,
        %parallel_loop3A_645 = vector.shape_cast %parallel_loop3A_644 : vector<1x16xf32> to vector<16xf32>
        %parallel_loop3A_646 = arith.constant 8.000000e+00 : f32
        %parallel_loop3A_647 = vector.broadcast %parallel_loop3A_646 : f32 to vector<16xf32>
        %parallel_loop3A_648 = arith.mulf %parallel_loop3A_640, %parallel_loop3A_647 : vector<16xf32>
        %parallel_loop3A_649 = arith.addf %parallel_loop3A_648, %parallel_loop3A_645 : vector<16xf32>
        %parallel_loop3A_650 = arith.constant 2 : i32
        %parallel_loop3A_651 = arith.index_cast %parallel_loop3A_650 : i32 to index
        %parallel_loop3A_652 = arith.index_cast %parallel_loop3A_582 : i32 to index
        %parallel_loop3A_653 = arith.constant 32 : index
        %parallel_loop3A_654 = tpu.vector_load %arg9[%parallel_loop3A_651, %parallel_loop3A_652, %parallel_loop3A_653] {strides = array<i32>} : memref<4x64x128xf32, #tpu.memory_space<vmem>>, vector<1x1x16xf32>,
        %parallel_loop3A_655 = vector.shape_cast %parallel_loop3A_654 : vector<1x1x16xf32> to vector<16xf32>
        %parallel_loop3A_656 = vector.shape_cast %parallel_loop3A_649 : vector<16xf32> to vector<1x1x16xf32>
        tpu.vector_store %arg9[%parallel_loop3A_651, %parallel_loop3A_652, %parallel_loop3A_653], %parallel_loop3A_656 {strides = array<i32>} : memref<4x64x128xf32, #tpu.memory_space<vmem>>, vector<1x1x16xf32>,
        %parallel_loop3A_657 = arith.constant 0 : i32
        %parallel_loop3A_658 = arith.addi %parallel_loop3A_584, %parallel_loop3A_657 : i32
        %parallel_loop3A_659 = arith.constant 2 : i32
        %parallel_loop3A_660 = arith.index_cast %parallel_loop3A_659 : i32 to index
        %parallel_loop3A_661 = arith.index_cast %parallel_loop3A_658 : i32 to index
        %parallel_loop3A_662 = arith.constant 48 : index
        %parallel_loop3A_663 = tpu.vector_load %arg8[%parallel_loop3A_660, %parallel_loop3A_661, %parallel_loop3A_662] {strides = array<i32>} : memref<4x128x64xf32, #tpu.memory_space<vmem>>, vector<1x1x16xf32>,
        %parallel_loop3A_664 = vector.shape_cast %parallel_loop3A_663 : vector<1x1x16xf32> to vector<16xf32>
        %parallel_loop3A_665 = arith.addi %select_n3A_433, %parallel_loop3A_582 : i32
        %parallel_loop3A_666 = arith.index_cast %parallel_loop3A_665 : i32 to index
        %parallel_loop3A_667 = arith.constant 48 : index
        %parallel_loop3A_668 = tpu.vector_load %arg7[%parallel_loop3A_666, %parallel_loop3A_667] {strides = array<i32>} : memref<200x128xf32, #tpu.memory_space<vmem>>, vector<1x16xf32>,
        %parallel_loop3A_669 = vector.shape_cast %parallel_loop3A_668 : vector<1x16xf32> to vector<16xf32>
        %parallel_loop3A_670 = arith.constant 8.000000e+00 : f32
        %parallel_loop3A_671 = vector.broadcast %parallel_loop3A_670 : f32 to vector<16xf32>
        %parallel_loop3A_672 = arith.mulf %parallel_loop3A_664, %parallel_loop3A_671 : vector<16xf32>
        %parallel_loop3A_673 = arith.addf %parallel_loop3A_672, %parallel_loop3A_669 : vector<16xf32>
        %parallel_loop3A_674 = arith.constant 2 : i32
        %parallel_loop3A_675 = arith.index_cast %parallel_loop3A_674 : i32 to index
        %parallel_loop3A_676 = arith.index_cast %parallel_loop3A_582 : i32 to index
        %parallel_loop3A_677 = arith.constant 48 : index
        %parallel_loop3A_678 = tpu.vector_load %arg9[%parallel_loop3A_675, %parallel_loop3A_676, %parallel_loop3A_677] {strides = array<i32>} : memref<4x64x128xf32, #tpu.memory_space<vmem>>, vector<1x1x16xf32>,
        %parallel_loop3A_679 = vector.shape_cast %parallel_loop3A_678 : vector<1x1x16xf32> to vector<16xf32>
        %parallel_loop3A_680 = vector.shape_cast %parallel_loop3A_673 : vector<16xf32> to vector<1x1x16xf32>
        tpu.vector_store %arg9[%parallel_loop3A_675, %parallel_loop3A_676, %parallel_loop3A_677], %parallel_loop3A_680 {strides = array<i32>} : memref<4x64x128xf32, #tpu.memory_space<vmem>>, vector<1x1x16xf32>,
        %parallel_loop3A_681 = arith.constant 1 : i32
        %parallel_loop3A_682 = arith.addi %parallel_loop3A_584, %parallel_loop3A_681 : i32
        %parallel_loop3A_683 = arith.constant 2 : i32
        %parallel_loop3A_684 = arith.index_cast %parallel_loop3A_683 : i32 to index
        %parallel_loop3A_685 = arith.index_cast %parallel_loop3A_682 : i32 to index
        %parallel_loop3A_686 = arith.constant 0 : index
        %parallel_loop3A_687 = tpu.vector_load %arg8[%parallel_loop3A_684, %parallel_loop3A_685, %parallel_loop3A_686] {strides = array<i32>} : memref<4x128x64xf32, #tpu.memory_space<vmem>>, vector<1x1x16xf32>,
        %parallel_loop3A_688 = vector.shape_cast %parallel_loop3A_687 : vector<1x1x16xf32> to vector<16xf32>
        %parallel_loop3A_689 = arith.addi %select_n3A_433, %parallel_loop3A_582 : i32
        %parallel_loop3A_690 = arith.index_cast %parallel_loop3A_689 : i32 to index
        %parallel_loop3A_691 = arith.constant 64 : index
        %parallel_loop3A_692 = tpu.vector_load %arg7[%parallel_loop3A_690, %parallel_loop3A_691] {strides = array<i32>} : memref<200x128xf32, #tpu.memory_space<vmem>>, vector<1x16xf32>,
        %parallel_loop3A_693 = vector.shape_cast %parallel_loop3A_692 : vector<1x16xf32> to vector<16xf32>
        %parallel_loop3A_694 = arith.constant 8.000000e+00 : f32
        %parallel_loop3A_695 = vector.broadcast %parallel_loop3A_694 : f32 to vector<16xf32>
        %parallel_loop3A_696 = arith.mulf %parallel_loop3A_688, %parallel_loop3A_695 : vector<16xf32>
        %parallel_loop3A_697 = arith.addf %parallel_loop3A_696, %parallel_loop3A_693 : vector<16xf32>
        %parallel_loop3A_698 = arith.constant 2 : i32
        %parallel_loop3A_699 = arith.index_cast %parallel_loop3A_698 : i32 to index
        %parallel_loop3A_700 = arith.index_cast %parallel_loop3A_582 : i32 to index
        %parallel_loop3A_701 = arith.constant 64 : index
        %parallel_loop3A_702 = tpu.vector_load %arg9[%parallel_loop3A_699, %parallel_loop3A_700, %parallel_loop3A_701] {strides = array<i32>} : memref<4x64x128xf32, #tpu.memory_space<vmem>>, vector<1x1x16xf32>,
        %parallel_loop3A_703 = vector.shape_cast %parallel_loop3A_702 : vector<1x1x16xf32> to vector<16xf32>
        %parallel_loop3A_704 = vector.shape_cast %parallel_loop3A_697 : vector<16xf32> to vector<1x1x16xf32>
        tpu.vector_store %arg9[%parallel_loop3A_699, %parallel_loop3A_700, %parallel_loop3A_701], %parallel_loop3A_704 {strides = array<i32>} : memref<4x64x128xf32, #tpu.memory_space<vmem>>, vector<1x1x16xf32>,
        %parallel_loop3A_705 = arith.constant 1 : i32
        %parallel_loop3A_706 = arith.addi %parallel_loop3A_584, %parallel_loop3A_705 : i32
        %parallel_loop3A_707 = arith.constant 2 : i32
        %parallel_loop3A_708 = arith.index_cast %parallel_loop3A_707 : i32 to index
        %parallel_loop3A_709 = arith.index_cast %parallel_loop3A_706 : i32 to index
        %parallel_loop3A_710 = arith.constant 16 : index
        %parallel_loop3A_711 = tpu.vector_load %arg8[%parallel_loop3A_708, %parallel_loop3A_709, %parallel_loop3A_710] {strides = array<i32>} : memref<4x128x64xf32, #tpu.memory_space<vmem>>, vector<1x1x16xf32>,
        %parallel_loop3A_712 = vector.shape_cast %parallel_loop3A_711 : vector<1x1x16xf32> to vector<16xf32>
        %parallel_loop3A_713 = arith.addi %select_n3A_433, %parallel_loop3A_582 : i32
        %parallel_loop3A_714 = arith.index_cast %parallel_loop3A_713 : i32 to index
        %parallel_loop3A_715 = arith.constant 80 : index
        %parallel_loop3A_716 = tpu.vector_load %arg7[%parallel_loop3A_714, %parallel_loop3A_715] {strides = array<i32>} : memref<200x128xf32, #tpu.memory_space<vmem>>, vector<1x16xf32>,
        %parallel_loop3A_717 = vector.shape_cast %parallel_loop3A_716 : vector<1x16xf32> to vector<16xf32>
        %parallel_loop3A_718 = arith.constant 8.000000e+00 : f32
        %parallel_loop3A_719 = vector.broadcast %parallel_loop3A_718 : f32 to vector<16xf32>
        %parallel_loop3A_720 = arith.mulf %parallel_loop3A_712, %parallel_loop3A_719 : vector<16xf32>
        %parallel_loop3A_721 = arith.addf %parallel_loop3A_720, %parallel_loop3A_717 : vector<16xf32>
        %parallel_loop3A_722 = arith.constant 2 : i32
        %parallel_loop3A_723 = arith.index_cast %parallel_loop3A_722 : i32 to index
        %parallel_loop3A_724 = arith.index_cast %parallel_loop3A_582 : i32 to index
        %parallel_loop3A_725 = arith.constant 80 : index
        %parallel_loop3A_726 = tpu.vector_load %arg9[%parallel_loop3A_723, %parallel_loop3A_724, %parallel_loop3A_725] {strides = array<i32>} : memref<4x64x128xf32, #tpu.memory_space<vmem>>, vector<1x1x16xf32>,
        %parallel_loop3A_727 = vector.shape_cast %parallel_loop3A_726 : vector<1x1x16xf32> to vector<16xf32>
        %parallel_loop3A_728 = vector.shape_cast %parallel_loop3A_721 : vector<16xf32> to vector<1x1x16xf32>
        tpu.vector_store %arg9[%parallel_loop3A_723, %parallel_loop3A_724, %parallel_loop3A_725], %parallel_loop3A_728 {strides = array<i32>} : memref<4x64x128xf32, #tpu.memory_space<vmem>>, vector<1x1x16xf32>,
        %parallel_loop3A_729 = arith.constant 1 : i32
        %parallel_loop3A_730 = arith.addi %parallel_loop3A_584, %parallel_loop3A_729 : i32
        %parallel_loop3A_731 = arith.constant 2 : i32
        %parallel_loop3A_732 = arith.index_cast %parallel_loop3A_731 : i32 to index
        %parallel_loop3A_733 = arith.index_cast %parallel_loop3A_730 : i32 to index
        %parallel_loop3A_734 = arith.constant 32 : index
        %parallel_loop3A_735 = tpu.vector_load %arg8[%parallel_loop3A_732, %parallel_loop3A_733, %parallel_loop3A_734] {strides = array<i32>} : memref<4x128x64xf32, #tpu.memory_space<vmem>>, vector<1x1x16xf32>,
        %parallel_loop3A_736 = vector.shape_cast %parallel_loop3A_735 : vector<1x1x16xf32> to vector<16xf32>
        %parallel_loop3A_737 = arith.addi %select_n3A_433, %parallel_loop3A_582 : i32
        %parallel_loop3A_738 = arith.index_cast %parallel_loop3A_737 : i32 to index
        %parallel_loop3A_739 = arith.constant 96 : index
        %parallel_loop3A_740 = tpu.vector_load %arg7[%parallel_loop3A_738, %parallel_loop3A_739] {strides = array<i32>} : memref<200x128xf32, #tpu.memory_space<vmem>>, vector<1x16xf32>,
        %parallel_loop3A_741 = vector.shape_cast %parallel_loop3A_740 : vector<1x16xf32> to vector<16xf32>
        %parallel_loop3A_742 = arith.constant 8.000000e+00 : f32
        %parallel_loop3A_743 = vector.broadcast %parallel_loop3A_742 : f32 to vector<16xf32>
        %parallel_loop3A_744 = arith.mulf %parallel_loop3A_736, %parallel_loop3A_743 : vector<16xf32>
        %parallel_loop3A_745 = arith.addf %parallel_loop3A_744, %parallel_loop3A_741 : vector<16xf32>
        %parallel_loop3A_746 = arith.constant 2 : i32
        %parallel_loop3A_747 = arith.index_cast %parallel_loop3A_746 : i32 to index
        %parallel_loop3A_748 = arith.index_cast %parallel_loop3A_582 : i32 to index
        %parallel_loop3A_749 = arith.constant 96 : index
        %parallel_loop3A_750 = tpu.vector_load %arg9[%parallel_loop3A_747, %parallel_loop3A_748, %parallel_loop3A_749] {strides = array<i32>} : memref<4x64x128xf32, #tpu.memory_space<vmem>>, vector<1x1x16xf32>,
        %parallel_loop3A_751 = vector.shape_cast %parallel_loop3A_750 : vector<1x1x16xf32> to vector<16xf32>
        %parallel_loop3A_752 = vector.shape_cast %parallel_loop3A_745 : vector<16xf32> to vector<1x1x16xf32>
        tpu.vector_store %arg9[%parallel_loop3A_747, %parallel_loop3A_748, %parallel_loop3A_749], %parallel_loop3A_752 {strides = array<i32>} : memref<4x64x128xf32, #tpu.memory_space<vmem>>, vector<1x1x16xf32>,
        %parallel_loop3A_753 = arith.constant 1 : i32
        %parallel_loop3A_754 = arith.addi %parallel_loop3A_584, %parallel_loop3A_753 : i32
        %parallel_loop3A_755 = arith.constant 2 : i32
        %parallel_loop3A_756 = arith.index_cast %parallel_loop3A_755 : i32 to index
        %parallel_loop3A_757 = arith.index_cast %parallel_loop3A_754 : i32 to index
        %parallel_loop3A_758 = arith.constant 48 : index
        %parallel_loop3A_759 = tpu.vector_load %arg8[%parallel_loop3A_756, %parallel_loop3A_757, %parallel_loop3A_758] {strides = array<i32>} : memref<4x128x64xf32, #tpu.memory_space<vmem>>, vector<1x1x16xf32>,
        %parallel_loop3A_760 = vector.shape_cast %parallel_loop3A_759 : vector<1x1x16xf32> to vector<16xf32>
        %parallel_loop3A_761 = arith.addi %select_n3A_433, %parallel_loop3A_582 : i32
        %parallel_loop3A_762 = arith.index_cast %parallel_loop3A_761 : i32 to index
        %parallel_loop3A_763 = arith.constant 112 : index
        %parallel_loop3A_764 = tpu.vector_load %arg7[%parallel_loop3A_762, %parallel_loop3A_763] {strides = array<i32>} : memref<200x128xf32, #tpu.memory_space<vmem>>, vector<1x16xf32>,
        %parallel_loop3A_765 = vector.shape_cast %parallel_loop3A_764 : vector<1x16xf32> to vector<16xf32>
        %parallel_loop3A_766 = arith.constant 8.000000e+00 : f32
        %parallel_loop3A_767 = vector.broadcast %parallel_loop3A_766 : f32 to vector<16xf32>
        %parallel_loop3A_768 = arith.mulf %parallel_loop3A_760, %parallel_loop3A_767 : vector<16xf32>
        %parallel_loop3A_769 = arith.addf %parallel_loop3A_768, %parallel_loop3A_765 : vector<16xf32>
        %parallel_loop3A_770 = arith.constant 2 : i32
        %parallel_loop3A_771 = arith.index_cast %parallel_loop3A_770 : i32 to index
        %parallel_loop3A_772 = arith.index_cast %parallel_loop3A_582 : i32 to index
        %parallel_loop3A_773 = arith.constant 112 : index
        %parallel_loop3A_774 = tpu.vector_load %arg9[%parallel_loop3A_771, %parallel_loop3A_772, %parallel_loop3A_773] {strides = array<i32>} : memref<4x64x128xf32, #tpu.memory_space<vmem>>, vector<1x1x16xf32>,
        %parallel_loop3A_775 = vector.shape_cast %parallel_loop3A_774 : vector<1x1x16xf32> to vector<16xf32>
        %parallel_loop3A_776 = vector.shape_cast %parallel_loop3A_769 : vector<16xf32> to vector<1x1x16xf32>
        tpu.vector_store %arg9[%parallel_loop3A_771, %parallel_loop3A_772, %parallel_loop3A_773], %parallel_loop3A_776 {strides = array<i32>} : memref<4x64x128xf32, #tpu.memory_space<vmem>>, vector<1x1x16xf32>,
      } {sc.loop_unroll_factor = 4 : i64, sc.parallel_access}
      %add3A_437 = arith.constant 4 : i32
      %add3A_438 = arith.addi %add3A_389, %add3A_437 : i32
      %lt3A_439 = arith.constant 200 : i32
      %lt3A_440 = arith.cmpi slt, %add3A_438, %lt3A_439 : i32
      %convert_element_type3A_441 = arith.extui %lt3A_440 : i1 to i32
      %cond3A_442 = arith.constant 0 : i32
      %cond3A_443 = arith.cmpi ne, %convert_element_type3A_441, %cond3A_442 : i32
      scf.if %cond3A_443 {
        %add3A_582 = arith.constant 4 : i32
        %add3A_583 = arith.addi %add3A_389, %add3A_582 : i32
        %dma_start3A_584 = arith.constant 2 : i32
        %dma_start3A_585 = arith.constant 0 : i32
        %dma_start3A_586 = arith.constant 0 : i32
        %dma_start3A_587 = tpu.memref_slice %arg8[%dma_start3A_584, %dma_start3A_585, %dma_start3A_586] : memref<4x128x64xf32, #tpu.memory_space<vmem>> -> memref<1x128x64xf32, #tpu.memory_space<vmem>>
        %dma_start3A_588 = tpu.memref_squeeze %dma_start3A_587 : memref<1x128x64xf32, #tpu.memory_space<vmem>> -> memref<128x64xf32, #tpu.memory_space<vmem>>
        %dma_start3A_589 = arith.constant 0 : i32
        %dma_start3A_590 = tpu.memref_slice %arg6[%add3A_583, %dma_start3A_589] : memref<200x128xi32, #tpu.memory_space<vmem>> -> memref<1x128xi32, #tpu.memory_space<vmem>>
        %dma_start3A_591 = tpu.memref_squeeze %dma_start3A_590 : memref<1x128xi32, #tpu.memory_space<vmem>> -> memref<128xi32, #tpu.memory_space<vmem>>
        %dma_start3A_592 = arith.constant 0 : i32
        %dma_start3A_593 = arith.constant 0 : i32
        %dma_start3A_594 = tpu.memref_slice %arg2[%dma_start3A_592, %dma_start3A_593] : memref<1000000x64xf32, #tpu.memory_space<hbm>> -> memref<1000000x64xf32, #tpu.memory_space<hbm>>
        tpu.enqueue_indirect_dma source(%dma_start3A_594 : memref<1000000x64xf32, #tpu.memory_space<hbm>>) target(%dma_start3A_588 : memref<128x64xf32, #tpu.memory_space<vmem>>) offsets(%dma_start3A_591 : memref<128xi32, #tpu.memory_space<vmem>>) semaphore(%arg12 : memref<!tpu.dma_semaphore, #tpu.memory_space<semaphore_mem>>)
      } else {
      }
      %mul3A_444 = arith.constant 128 : i32
      %mul3A_445 = arith.muli %add3A_389, %mul3A_444 : i32
      %add3A_446 = arith.addi %mul3A_2, %mul3A_445 : i32
      %jit3A_447 = arith.constant 2 : i32
      %div3A_448 = arith.divsi %add3A_446, %jit3A_447 : i32
      %sign3A_449 = arith.constant 0 : i32
      %sign3A_450 = arith.cmpi sgt, %add3A_446, %sign3A_449 : i32
      %sign3A_451 = arith.extui %sign3A_450 : i1 to i32
      %sign3A_452 = arith.constant 0 : i32
      %sign3A_453 = arith.cmpi slt, %add3A_446, %sign3A_452 : i32
      %sign3A_454 = arith.extui %sign3A_453 : i1 to i32
      %sign3A_455 = arith.subi %sign3A_451, %sign3A_454 : i32
      %sign3A_456 = arith.constant 0 : i32
      %sign3A_457 = arith.cmpi sgt, %jit3A_447, %sign3A_456 : i32
      %sign3A_458 = arith.extui %sign3A_457 : i1 to i32
      %sign3A_459 = arith.constant 0 : i32
      %sign3A_460 = arith.cmpi slt, %jit3A_447, %sign3A_459 : i32
      %sign3A_461 = arith.extui %sign3A_460 : i1 to i32
      %sign3A_462 = arith.subi %sign3A_458, %sign3A_461 : i32
      %ne3A_463 = arith.cmpi ne, %sign3A_455, %sign3A_462 : i32
      %rem3A_464 = arith.remsi %add3A_446, %jit3A_447 : i32
      %ne3A_465 = arith.constant 0 : i32
      %ne3A_466 = arith.cmpi ne, %rem3A_464, %ne3A_465 : i32
      %and3A_467 = arith.andi %ne3A_463, %ne3A_466 : i1
      %sub3A_468 = arith.constant 1 : i32
      %sub3A_469 = arith.subi %div3A_448, %sub3A_468 : i32
      %select_n3A_470 = arith.select %and3A_467, %sub3A_469, %div3A_448 : i32
      %dma_start3A_471 = arith.constant 2 : i32
      %dma_start3A_472 = arith.constant 0 : i32
      %dma_start3A_473 = arith.constant 0 : i32
      %dma_start3A_474 = tpu.memref_slice %arg9[%dma_start3A_471, %dma_start3A_472, %dma_start3A_473] : memref<4x64x128xf32, #tpu.memory_space<vmem>> -> memref<1x64x128xf32, #tpu.memory_space<vmem>>
      %dma_start3A_475 = tpu.memref_squeeze %dma_start3A_474 : memref<1x64x128xf32, #tpu.memory_space<vmem>> -> memref<64x128xf32, #tpu.memory_space<vmem>>
      %dma_start3A_476 = arith.constant 0 : i32
      %dma_start3A_477 = tpu.memref_slice %arg5[%select_n3A_470, %dma_start3A_476] : memref<409600x128xf32, #tpu.memory_space<hbm>> -> memref<64x128xf32, #tpu.memory_space<hbm>>
      %dma_start3A_478 = arith.constant 0 : i32
      %dma_start3A_479 = tpu.memref_slice %arg5[%select_n3A_470, %dma_start3A_478] : memref<409600x128xf32, #tpu.memory_space<hbm>> -> memref<64x128xf32, #tpu.memory_space<hbm>>
      %dma_start3A_480 = arith.constant 0 : i32
      %dma_start3A_481 = arith.constant 0 : i32
      %dma_start3A_482 = tpu.memref_slice %arg9[%dma_start3A_471, %dma_start3A_480, %dma_start3A_481] : memref<4x64x128xf32, #tpu.memory_space<vmem>> -> memref<1x64x128xf32, #tpu.memory_space<vmem>>
      %dma_start3A_483 = tpu.memref_squeeze %dma_start3A_482 : memref<1x64x128xf32, #tpu.memory_space<vmem>> -> memref<64x128xf32, #tpu.memory_space<vmem>>
      tpu.enqueue_dma source(%dma_start3A_483 : memref<64x128xf32, #tpu.memory_space<vmem>>) target(%dma_start3A_479 : memref<64x128xf32, #tpu.memory_space<hbm>>) target_semaphore(%arg16 : memref<!tpu.dma_semaphore, #tpu.memory_space<semaphore_mem>>)
      %mul3A_484 = arith.constant 4 : i32
      %mul3A_485 = arith.muli %scan3A_194, %mul3A_484 : i32
      %add3A_486 = arith.constant 3 : i32
      %add3A_487 = arith.addi %mul3A_485, %add3A_486 : i32
      %dma_wait3A_488 = arith.constant 3 : i32
      %dma_wait3A_489 = arith.constant 0 : i32
      %dma_wait3A_490 = arith.constant 0 : i32
      %dma_wait3A_491 = tpu.memref_slice %arg8[%dma_wait3A_488, %dma_wait3A_489, %dma_wait3A_490] : memref<4x128x64xf32, #tpu.memory_space<vmem>> -> memref<1x128x64xf32, #tpu.memory_space<vmem>>
      %dma_wait3A_492 = tpu.memref_squeeze %dma_wait3A_491 : memref<1x128x64xf32, #tpu.memory_space<vmem>> -> memref<128x64xf32, #tpu.memory_space<vmem>>
      %dma_wait3A_493 = arith.constant 0 : i32
      %dma_wait3A_494 = tpu.memref_slice %arg6[%add3A_487, %dma_wait3A_493] : memref<200x128xi32, #tpu.memory_space<vmem>> -> memref<1x128xi32, #tpu.memory_space<vmem>>
      %dma_wait3A_495 = tpu.memref_squeeze %dma_wait3A_494 : memref<1x128xi32, #tpu.memory_space<vmem>> -> memref<128xi32, #tpu.memory_space<vmem>>
      %dma_wait3A_496 = arith.constant 0 : i32
      %dma_wait3A_497 = arith.constant 0 : i32
      %dma_wait3A_498 = tpu.memref_slice %arg2[%dma_wait3A_496, %dma_wait3A_497] : memref<1000000x64xf32, #tpu.memory_space<hbm>> -> memref<1000000x64xf32, #tpu.memory_space<hbm>>
      tpu.wait_indirect_dma semaphore(%arg13 : memref<!tpu.dma_semaphore, #tpu.memory_space<semaphore_mem>>) src(%dma_wait3A_498 : memref<1000000x64xf32, #tpu.memory_space<hbm>>) dst(%dma_wait3A_492 : memref<128x64xf32, #tpu.memory_space<vmem>>)
      %ge3A_499 = arith.constant 4 : i32
      %ge3A_500 = arith.cmpi sge, %add3A_487, %ge3A_499 : i32
      %convert_element_type3A_501 = arith.extui %ge3A_500 : i1 to i32
      %cond3A_502 = arith.constant 0 : i32
      %cond3A_503 = arith.cmpi ne, %convert_element_type3A_501, %cond3A_502 : i32
      scf.if %cond3A_503 {
        %jit3A_582 = arith.constant 2 : i32
        %div3A_583 = arith.divsi %mul3A_2, %jit3A_582 : i32
        %sign3A_584 = arith.constant 0 : i32
        %sign3A_585 = arith.cmpi sgt, %mul3A_2, %sign3A_584 : i32
        %sign3A_586 = arith.extui %sign3A_585 : i1 to i32
        %sign3A_587 = arith.constant 0 : i32
        %sign3A_588 = arith.cmpi slt, %mul3A_2, %sign3A_587 : i32
        %sign3A_589 = arith.extui %sign3A_588 : i1 to i32
        %sign3A_590 = arith.subi %sign3A_586, %sign3A_589 : i32
        %sign3A_591 = arith.constant 0 : i32
        %sign3A_592 = arith.cmpi sgt, %jit3A_582, %sign3A_591 : i32
        %sign3A_593 = arith.extui %sign3A_592 : i1 to i32
        %sign3A_594 = arith.constant 0 : i32
        %sign3A_595 = arith.cmpi slt, %jit3A_582, %sign3A_594 : i32
        %sign3A_596 = arith.extui %sign3A_595 : i1 to i32
        %sign3A_597 = arith.subi %sign3A_593, %sign3A_596 : i32
        %ne3A_598 = arith.cmpi ne, %sign3A_590, %sign3A_597 : i32
        %rem3A_599 = arith.remsi %mul3A_2, %jit3A_582 : i32
        %ne3A_600 = arith.constant 0 : i32
        %ne3A_601 = arith.cmpi ne, %rem3A_599, %ne3A_600 : i32
        %and3A_602 = arith.andi %ne3A_598, %ne3A_601 : i1
        %sub3A_603 = arith.constant 1 : i32
        %sub3A_604 = arith.subi %div3A_583, %sub3A_603 : i32
        %select_n3A_605 = arith.select %and3A_602, %sub3A_604, %div3A_583 : i32
        %dma_wait3A_606 = arith.constant 3 : i32
        %dma_wait3A_607 = arith.constant 0 : i32
        %dma_wait3A_608 = arith.constant 0 : i32
        %dma_wait3A_609 = tpu.memref_slice %arg9[%dma_wait3A_606, %dma_wait3A_607, %dma_wait3A_608] : memref<4x64x128xf32, #tpu.memory_space<vmem>> -> memref<1x64x128xf32, #tpu.memory_space<vmem>>
        %dma_wait3A_610 = tpu.memref_squeeze %dma_wait3A_609 : memref<1x64x128xf32, #tpu.memory_space<vmem>> -> memref<64x128xf32, #tpu.memory_space<vmem>>
        %dma_wait3A_611 = arith.constant 0 : i32
        %dma_wait3A_612 = tpu.memref_slice %arg5[%select_n3A_605, %dma_wait3A_611] : memref<409600x128xf32, #tpu.memory_space<hbm>> -> memref<64x128xf32, #tpu.memory_space<hbm>>
        %dma_wait3A_613 = arith.constant 0 : i32
        %dma_wait3A_614 = tpu.memref_slice %arg5[%select_n3A_605, %dma_wait3A_613] : memref<409600x128xf32, #tpu.memory_space<hbm>> -> memref<64x128xf32, #tpu.memory_space<hbm>>
        %dma_wait3A_615 = arith.constant 0 : i32
        %dma_wait3A_616 = arith.constant 0 : i32
        %dma_wait3A_617 = tpu.memref_slice %arg9[%dma_wait3A_606, %dma_wait3A_615, %dma_wait3A_616] : memref<4x64x128xf32, #tpu.memory_space<vmem>> -> memref<1x64x128xf32, #tpu.memory_space<vmem>>
        %dma_wait3A_618 = tpu.memref_squeeze %dma_wait3A_617 : memref<1x64x128xf32, #tpu.memory_space<vmem>> -> memref<64x128xf32, #tpu.memory_space<vmem>>
        tpu.wait_dma2 semaphore(%arg17 : memref<!tpu.dma_semaphore, #tpu.memory_space<semaphore_mem>>) src(%dma_wait3A_618 : memref<64x128xf32, #tpu.memory_space<vmem>>) dst(%dma_wait3A_614 : memref<64x128xf32, #tpu.memory_space<hbm>>)
      } else {
      }
      %mul3A_504 = arith.constant 128 : i32
      %mul3A_505 = arith.muli %add3A_487, %mul3A_504 : i32
      %rem3A_506 = arith.constant 200 : i32
      %rem3A_507 = arith.remsi %mul3A_505, %rem3A_506 : i32
      %jit3A_508 = arith.constant 2 : i32
      %div3A_509 = arith.divsi %rem3A_507, %jit3A_508 : i32
      %sign3A_510 = arith.constant 0 : i32
      %sign3A_511 = arith.cmpi sgt, %rem3A_507, %sign3A_510 : i32
      %sign3A_512 = arith.extui %sign3A_511 : i1 to i32
      %sign3A_513 = arith.constant 0 : i32
      %sign3A_514 = arith.cmpi slt, %rem3A_507, %sign3A_513 : i32
      %sign3A_515 = arith.extui %sign3A_514 : i1 to i32
      %sign3A_516 = arith.subi %sign3A_512, %sign3A_515 : i32
      %sign3A_517 = arith.constant 0 : i32
      %sign3A_518 = arith.cmpi sgt, %jit3A_508, %sign3A_517 : i32
      %sign3A_519 = arith.extui %sign3A_518 : i1 to i32
      %sign3A_520 = arith.constant 0 : i32
      %sign3A_521 = arith.cmpi slt, %jit3A_508, %sign3A_520 : i32
      %sign3A_522 = arith.extui %sign3A_521 : i1 to i32
      %sign3A_523 = arith.subi %sign3A_519, %sign3A_522 : i32
      %ne3A_524 = arith.cmpi ne, %sign3A_516, %sign3A_523 : i32
      %rem3A_525 = arith.remsi %rem3A_507, %jit3A_508 : i32
      %ne3A_526 = arith.constant 0 : i32
      %ne3A_527 = arith.cmpi ne, %rem3A_525, %ne3A_526 : i32
      %and3A_528 = arith.andi %ne3A_524, %ne3A_527 : i1
      %sub3A_529 = arith.constant 1 : i32
      %sub3A_530 = arith.subi %div3A_509, %sub3A_529 : i32
      %select_n3A_531 = arith.select %and3A_528, %sub3A_530, %div3A_509 : i32
      %parallel_loop3A_532 = arith.constant 0 : i32
      %parallel_loop3A_533 = arith.constant 64 : i32
      %parallel_loop3A_534 = arith.constant 1 : i32
      scf.for %parallel_loop3A_582 = %parallel_loop3A_532 to %parallel_loop3A_533 step %parallel_loop3A_534  : i32 {
        %parallel_loop3A_583 = arith.constant 2 : i32
        %parallel_loop3A_584 = arith.muli %parallel_loop3A_583, %parallel_loop3A_582 : i32
        %parallel_loop3A_585 = arith.constant 0 : i32
        %parallel_loop3A_586 = arith.addi %parallel_loop3A_584, %parallel_loop3A_585 : i32
        %parallel_loop3A_587 = arith.constant 3 : i32
        %parallel_loop3A_588 = arith.index_cast %parallel_loop3A_587 : i32 to index
        %parallel_loop3A_589 = arith.index_cast %parallel_loop3A_586 : i32 to index
        %parallel_loop3A_590 = arith.constant 0 : index
        %parallel_loop3A_591 = tpu.vector_load %arg8[%parallel_loop3A_588, %parallel_loop3A_589, %parallel_loop3A_590] {strides = array<i32>} : memref<4x128x64xf32, #tpu.memory_space<vmem>>, vector<1x1x16xf32>,
        %parallel_loop3A_592 = vector.shape_cast %parallel_loop3A_591 : vector<1x1x16xf32> to vector<16xf32>
        %parallel_loop3A_593 = arith.addi %select_n3A_531, %parallel_loop3A_582 : i32
        %parallel_loop3A_594 = arith.index_cast %parallel_loop3A_593 : i32 to index
        %parallel_loop3A_595 = arith.constant 0 : index
        %parallel_loop3A_596 = tpu.vector_load %arg7[%parallel_loop3A_594, %parallel_loop3A_595] {strides = array<i32>} : memref<200x128xf32, #tpu.memory_space<vmem>>, vector<1x16xf32>,
        %parallel_loop3A_597 = vector.shape_cast %parallel_loop3A_596 : vector<1x16xf32> to vector<16xf32>
        %parallel_loop3A_598 = arith.constant 8.000000e+00 : f32
        %parallel_loop3A_599 = vector.broadcast %parallel_loop3A_598 : f32 to vector<16xf32>
        %parallel_loop3A_600 = arith.mulf %parallel_loop3A_592, %parallel_loop3A_599 : vector<16xf32>
        %parallel_loop3A_601 = arith.addf %parallel_loop3A_600, %parallel_loop3A_597 : vector<16xf32>
        %parallel_loop3A_602 = arith.constant 3 : i32
        %parallel_loop3A_603 = arith.index_cast %parallel_loop3A_602 : i32 to index
        %parallel_loop3A_604 = arith.index_cast %parallel_loop3A_582 : i32 to index
        %parallel_loop3A_605 = arith.constant 0 : index
        %parallel_loop3A_606 = tpu.vector_load %arg9[%parallel_loop3A_603, %parallel_loop3A_604, %parallel_loop3A_605] {strides = array<i32>} : memref<4x64x128xf32, #tpu.memory_space<vmem>>, vector<1x1x16xf32>,
        %parallel_loop3A_607 = vector.shape_cast %parallel_loop3A_606 : vector<1x1x16xf32> to vector<16xf32>
        %parallel_loop3A_608 = vector.shape_cast %parallel_loop3A_601 : vector<16xf32> to vector<1x1x16xf32>
        tpu.vector_store %arg9[%parallel_loop3A_603, %parallel_loop3A_604, %parallel_loop3A_605], %parallel_loop3A_608 {strides = array<i32>} : memref<4x64x128xf32, #tpu.memory_space<vmem>>, vector<1x1x16xf32>,
        %parallel_loop3A_609 = arith.constant 0 : i32
        %parallel_loop3A_610 = arith.addi %parallel_loop3A_584, %parallel_loop3A_609 : i32
        %parallel_loop3A_611 = arith.constant 3 : i32
        %parallel_loop3A_612 = arith.index_cast %parallel_loop3A_611 : i32 to index
        %parallel_loop3A_613 = arith.index_cast %parallel_loop3A_610 : i32 to index
        %parallel_loop3A_614 = arith.constant 16 : index
        %parallel_loop3A_615 = tpu.vector_load %arg8[%parallel_loop3A_612, %parallel_loop3A_613, %parallel_loop3A_614] {strides = array<i32>} : memref<4x128x64xf32, #tpu.memory_space<vmem>>, vector<1x1x16xf32>,
        %parallel_loop3A_616 = vector.shape_cast %parallel_loop3A_615 : vector<1x1x16xf32> to vector<16xf32>
        %parallel_loop3A_617 = arith.addi %select_n3A_531, %parallel_loop3A_582 : i32
        %parallel_loop3A_618 = arith.index_cast %parallel_loop3A_617 : i32 to index
        %parallel_loop3A_619 = arith.constant 16 : index
        %parallel_loop3A_620 = tpu.vector_load %arg7[%parallel_loop3A_618, %parallel_loop3A_619] {strides = array<i32>} : memref<200x128xf32, #tpu.memory_space<vmem>>, vector<1x16xf32>,
        %parallel_loop3A_621 = vector.shape_cast %parallel_loop3A_620 : vector<1x16xf32> to vector<16xf32>
        %parallel_loop3A_622 = arith.constant 8.000000e+00 : f32
        %parallel_loop3A_623 = vector.broadcast %parallel_loop3A_622 : f32 to vector<16xf32>
        %parallel_loop3A_624 = arith.mulf %parallel_loop3A_616, %parallel_loop3A_623 : vector<16xf32>
        %parallel_loop3A_625 = arith.addf %parallel_loop3A_624, %parallel_loop3A_621 : vector<16xf32>
        %parallel_loop3A_626 = arith.constant 3 : i32
        %parallel_loop3A_627 = arith.index_cast %parallel_loop3A_626 : i32 to index
        %parallel_loop3A_628 = arith.index_cast %parallel_loop3A_582 : i32 to index
        %parallel_loop3A_629 = arith.constant 16 : index
        %parallel_loop3A_630 = tpu.vector_load %arg9[%parallel_loop3A_627, %parallel_loop3A_628, %parallel_loop3A_629] {strides = array<i32>} : memref<4x64x128xf32, #tpu.memory_space<vmem>>, vector<1x1x16xf32>,
        %parallel_loop3A_631 = vector.shape_cast %parallel_loop3A_630 : vector<1x1x16xf32> to vector<16xf32>
        %parallel_loop3A_632 = vector.shape_cast %parallel_loop3A_625 : vector<16xf32> to vector<1x1x16xf32>
        tpu.vector_store %arg9[%parallel_loop3A_627, %parallel_loop3A_628, %parallel_loop3A_629], %parallel_loop3A_632 {strides = array<i32>} : memref<4x64x128xf32, #tpu.memory_space<vmem>>, vector<1x1x16xf32>,
        %parallel_loop3A_633 = arith.constant 0 : i32
        %parallel_loop3A_634 = arith.addi %parallel_loop3A_584, %parallel_loop3A_633 : i32
        %parallel_loop3A_635 = arith.constant 3 : i32
        %parallel_loop3A_636 = arith.index_cast %parallel_loop3A_635 : i32 to index
        %parallel_loop3A_637 = arith.index_cast %parallel_loop3A_634 : i32 to index
        %parallel_loop3A_638 = arith.constant 32 : index
        %parallel_loop3A_639 = tpu.vector_load %arg8[%parallel_loop3A_636, %parallel_loop3A_637, %parallel_loop3A_638] {strides = array<i32>} : memref<4x128x64xf32, #tpu.memory_space<vmem>>, vector<1x1x16xf32>,
        %parallel_loop3A_640 = vector.shape_cast %parallel_loop3A_639 : vector<1x1x16xf32> to vector<16xf32>
        %parallel_loop3A_641 = arith.addi %select_n3A_531, %parallel_loop3A_582 : i32
        %parallel_loop3A_642 = arith.index_cast %parallel_loop3A_641 : i32 to index
        %parallel_loop3A_643 = arith.constant 32 : index
        %parallel_loop3A_644 = tpu.vector_load %arg7[%parallel_loop3A_642, %parallel_loop3A_643] {strides = array<i32>} : memref<200x128xf32, #tpu.memory_space<vmem>>, vector<1x16xf32>,
        %parallel_loop3A_645 = vector.shape_cast %parallel_loop3A_644 : vector<1x16xf32> to vector<16xf32>
        %parallel_loop3A_646 = arith.constant 8.000000e+00 : f32
        %parallel_loop3A_647 = vector.broadcast %parallel_loop3A_646 : f32 to vector<16xf32>
        %parallel_loop3A_648 = arith.mulf %parallel_loop3A_640, %parallel_loop3A_647 : vector<16xf32>
        %parallel_loop3A_649 = arith.addf %parallel_loop3A_648, %parallel_loop3A_645 : vector<16xf32>
        %parallel_loop3A_650 = arith.constant 3 : i32
        %parallel_loop3A_651 = arith.index_cast %parallel_loop3A_650 : i32 to index
        %parallel_loop3A_652 = arith.index_cast %parallel_loop3A_582 : i32 to index
        %parallel_loop3A_653 = arith.constant 32 : index
        %parallel_loop3A_654 = tpu.vector_load %arg9[%parallel_loop3A_651, %parallel_loop3A_652, %parallel_loop3A_653] {strides = array<i32>} : memref<4x64x128xf32, #tpu.memory_space<vmem>>, vector<1x1x16xf32>,
        %parallel_loop3A_655 = vector.shape_cast %parallel_loop3A_654 : vector<1x1x16xf32> to vector<16xf32>
        %parallel_loop3A_656 = vector.shape_cast %parallel_loop3A_649 : vector<16xf32> to vector<1x1x16xf32>
        tpu.vector_store %arg9[%parallel_loop3A_651, %parallel_loop3A_652, %parallel_loop3A_653], %parallel_loop3A_656 {strides = array<i32>} : memref<4x64x128xf32, #tpu.memory_space<vmem>>, vector<1x1x16xf32>,
        %parallel_loop3A_657 = arith.constant 0 : i32
        %parallel_loop3A_658 = arith.addi %parallel_loop3A_584, %parallel_loop3A_657 : i32
        %parallel_loop3A_659 = arith.constant 3 : i32
        %parallel_loop3A_660 = arith.index_cast %parallel_loop3A_659 : i32 to index
        %parallel_loop3A_661 = arith.index_cast %parallel_loop3A_658 : i32 to index
        %parallel_loop3A_662 = arith.constant 48 : index
        %parallel_loop3A_663 = tpu.vector_load %arg8[%parallel_loop3A_660, %parallel_loop3A_661, %parallel_loop3A_662] {strides = array<i32>} : memref<4x128x64xf32, #tpu.memory_space<vmem>>, vector<1x1x16xf32>,
        %parallel_loop3A_664 = vector.shape_cast %parallel_loop3A_663 : vector<1x1x16xf32> to vector<16xf32>
        %parallel_loop3A_665 = arith.addi %select_n3A_531, %parallel_loop3A_582 : i32
        %parallel_loop3A_666 = arith.index_cast %parallel_loop3A_665 : i32 to index
        %parallel_loop3A_667 = arith.constant 48 : index
        %parallel_loop3A_668 = tpu.vector_load %arg7[%parallel_loop3A_666, %parallel_loop3A_667] {strides = array<i32>} : memref<200x128xf32, #tpu.memory_space<vmem>>, vector<1x16xf32>,
        %parallel_loop3A_669 = vector.shape_cast %parallel_loop3A_668 : vector<1x16xf32> to vector<16xf32>
        %parallel_loop3A_670 = arith.constant 8.000000e+00 : f32
        %parallel_loop3A_671 = vector.broadcast %parallel_loop3A_670 : f32 to vector<16xf32>
        %parallel_loop3A_672 = arith.mulf %parallel_loop3A_664, %parallel_loop3A_671 : vector<16xf32>
        %parallel_loop3A_673 = arith.addf %parallel_loop3A_672, %parallel_loop3A_669 : vector<16xf32>
        %parallel_loop3A_674 = arith.constant 3 : i32
        %parallel_loop3A_675 = arith.index_cast %parallel_loop3A_674 : i32 to index
        %parallel_loop3A_676 = arith.index_cast %parallel_loop3A_582 : i32 to index
        %parallel_loop3A_677 = arith.constant 48 : index
        %parallel_loop3A_678 = tpu.vector_load %arg9[%parallel_loop3A_675, %parallel_loop3A_676, %parallel_loop3A_677] {strides = array<i32>} : memref<4x64x128xf32, #tpu.memory_space<vmem>>, vector<1x1x16xf32>,
        %parallel_loop3A_679 = vector.shape_cast %parallel_loop3A_678 : vector<1x1x16xf32> to vector<16xf32>
        %parallel_loop3A_680 = vector.shape_cast %parallel_loop3A_673 : vector<16xf32> to vector<1x1x16xf32>
        tpu.vector_store %arg9[%parallel_loop3A_675, %parallel_loop3A_676, %parallel_loop3A_677], %parallel_loop3A_680 {strides = array<i32>} : memref<4x64x128xf32, #tpu.memory_space<vmem>>, vector<1x1x16xf32>,
        %parallel_loop3A_681 = arith.constant 1 : i32
        %parallel_loop3A_682 = arith.addi %parallel_loop3A_584, %parallel_loop3A_681 : i32
        %parallel_loop3A_683 = arith.constant 3 : i32
        %parallel_loop3A_684 = arith.index_cast %parallel_loop3A_683 : i32 to index
        %parallel_loop3A_685 = arith.index_cast %parallel_loop3A_682 : i32 to index
        %parallel_loop3A_686 = arith.constant 0 : index
        %parallel_loop3A_687 = tpu.vector_load %arg8[%parallel_loop3A_684, %parallel_loop3A_685, %parallel_loop3A_686] {strides = array<i32>} : memref<4x128x64xf32, #tpu.memory_space<vmem>>, vector<1x1x16xf32>,
        %parallel_loop3A_688 = vector.shape_cast %parallel_loop3A_687 : vector<1x1x16xf32> to vector<16xf32>
        %parallel_loop3A_689 = arith.addi %select_n3A_531, %parallel_loop3A_582 : i32
        %parallel_loop3A_690 = arith.index_cast %parallel_loop3A_689 : i32 to index
        %parallel_loop3A_691 = arith.constant 64 : index
        %parallel_loop3A_692 = tpu.vector_load %arg7[%parallel_loop3A_690, %parallel_loop3A_691] {strides = array<i32>} : memref<200x128xf32, #tpu.memory_space<vmem>>, vector<1x16xf32>,
        %parallel_loop3A_693 = vector.shape_cast %parallel_loop3A_692 : vector<1x16xf32> to vector<16xf32>
        %parallel_loop3A_694 = arith.constant 8.000000e+00 : f32
        %parallel_loop3A_695 = vector.broadcast %parallel_loop3A_694 : f32 to vector<16xf32>
        %parallel_loop3A_696 = arith.mulf %parallel_loop3A_688, %parallel_loop3A_695 : vector<16xf32>
        %parallel_loop3A_697 = arith.addf %parallel_loop3A_696, %parallel_loop3A_693 : vector<16xf32>
        %parallel_loop3A_698 = arith.constant 3 : i32
        %parallel_loop3A_699 = arith.index_cast %parallel_loop3A_698 : i32 to index
        %parallel_loop3A_700 = arith.index_cast %parallel_loop3A_582 : i32 to index
        %parallel_loop3A_701 = arith.constant 64 : index
        %parallel_loop3A_702 = tpu.vector_load %arg9[%parallel_loop3A_699, %parallel_loop3A_700, %parallel_loop3A_701] {strides = array<i32>} : memref<4x64x128xf32, #tpu.memory_space<vmem>>, vector<1x1x16xf32>,
        %parallel_loop3A_703 = vector.shape_cast %parallel_loop3A_702 : vector<1x1x16xf32> to vector<16xf32>
        %parallel_loop3A_704 = vector.shape_cast %parallel_loop3A_697 : vector<16xf32> to vector<1x1x16xf32>
        tpu.vector_store %arg9[%parallel_loop3A_699, %parallel_loop3A_700, %parallel_loop3A_701], %parallel_loop3A_704 {strides = array<i32>} : memref<4x64x128xf32, #tpu.memory_space<vmem>>, vector<1x1x16xf32>,
        %parallel_loop3A_705 = arith.constant 1 : i32
        %parallel_loop3A_706 = arith.addi %parallel_loop3A_584, %parallel_loop3A_705 : i32
        %parallel_loop3A_707 = arith.constant 3 : i32
        %parallel_loop3A_708 = arith.index_cast %parallel_loop3A_707 : i32 to index
        %parallel_loop3A_709 = arith.index_cast %parallel_loop3A_706 : i32 to index
        %parallel_loop3A_710 = arith.constant 16 : index
        %parallel_loop3A_711 = tpu.vector_load %arg8[%parallel_loop3A_708, %parallel_loop3A_709, %parallel_loop3A_710] {strides = array<i32>} : memref<4x128x64xf32, #tpu.memory_space<vmem>>, vector<1x1x16xf32>,
        %parallel_loop3A_712 = vector.shape_cast %parallel_loop3A_711 : vector<1x1x16xf32> to vector<16xf32>
        %parallel_loop3A_713 = arith.addi %select_n3A_531, %parallel_loop3A_582 : i32
        %parallel_loop3A_714 = arith.index_cast %parallel_loop3A_713 : i32 to index
        %parallel_loop3A_715 = arith.constant 80 : index
        %parallel_loop3A_716 = tpu.vector_load %arg7[%parallel_loop3A_714, %parallel_loop3A_715] {strides = array<i32>} : memref<200x128xf32, #tpu.memory_space<vmem>>, vector<1x16xf32>,
        %parallel_loop3A_717 = vector.shape_cast %parallel_loop3A_716 : vector<1x16xf32> to vector<16xf32>
        %parallel_loop3A_718 = arith.constant 8.000000e+00 : f32
        %parallel_loop3A_719 = vector.broadcast %parallel_loop3A_718 : f32 to vector<16xf32>
        %parallel_loop3A_720 = arith.mulf %parallel_loop3A_712, %parallel_loop3A_719 : vector<16xf32>
        %parallel_loop3A_721 = arith.addf %parallel_loop3A_720, %parallel_loop3A_717 : vector<16xf32>
        %parallel_loop3A_722 = arith.constant 3 : i32
        %parallel_loop3A_723 = arith.index_cast %parallel_loop3A_722 : i32 to index
        %parallel_loop3A_724 = arith.index_cast %parallel_loop3A_582 : i32 to index
        %parallel_loop3A_725 = arith.constant 80 : index
        %parallel_loop3A_726 = tpu.vector_load %arg9[%parallel_loop3A_723, %parallel_loop3A_724, %parallel_loop3A_725] {strides = array<i32>} : memref<4x64x128xf32, #tpu.memory_space<vmem>>, vector<1x1x16xf32>,
        %parallel_loop3A_727 = vector.shape_cast %parallel_loop3A_726 : vector<1x1x16xf32> to vector<16xf32>
        %parallel_loop3A_728 = vector.shape_cast %parallel_loop3A_721 : vector<16xf32> to vector<1x1x16xf32>
        tpu.vector_store %arg9[%parallel_loop3A_723, %parallel_loop3A_724, %parallel_loop3A_725], %parallel_loop3A_728 {strides = array<i32>} : memref<4x64x128xf32, #tpu.memory_space<vmem>>, vector<1x1x16xf32>,
        %parallel_loop3A_729 = arith.constant 1 : i32
        %parallel_loop3A_730 = arith.addi %parallel_loop3A_584, %parallel_loop3A_729 : i32
        %parallel_loop3A_731 = arith.constant 3 : i32
        %parallel_loop3A_732 = arith.index_cast %parallel_loop3A_731 : i32 to index
        %parallel_loop3A_733 = arith.index_cast %parallel_loop3A_730 : i32 to index
        %parallel_loop3A_734 = arith.constant 32 : index
        %parallel_loop3A_735 = tpu.vector_load %arg8[%parallel_loop3A_732, %parallel_loop3A_733, %parallel_loop3A_734] {strides = array<i32>} : memref<4x128x64xf32, #tpu.memory_space<vmem>>, vector<1x1x16xf32>,
        %parallel_loop3A_736 = vector.shape_cast %parallel_loop3A_735 : vector<1x1x16xf32> to vector<16xf32>
        %parallel_loop3A_737 = arith.addi %select_n3A_531, %parallel_loop3A_582 : i32
        %parallel_loop3A_738 = arith.index_cast %parallel_loop3A_737 : i32 to index
        %parallel_loop3A_739 = arith.constant 96 : index
        %parallel_loop3A_740 = tpu.vector_load %arg7[%parallel_loop3A_738, %parallel_loop3A_739] {strides = array<i32>} : memref<200x128xf32, #tpu.memory_space<vmem>>, vector<1x16xf32>,
        %parallel_loop3A_741 = vector.shape_cast %parallel_loop3A_740 : vector<1x16xf32> to vector<16xf32>
        %parallel_loop3A_742 = arith.constant 8.000000e+00 : f32
        %parallel_loop3A_743 = vector.broadcast %parallel_loop3A_742 : f32 to vector<16xf32>
        %parallel_loop3A_744 = arith.mulf %parallel_loop3A_736, %parallel_loop3A_743 : vector<16xf32>
        %parallel_loop3A_745 = arith.addf %parallel_loop3A_744, %parallel_loop3A_741 : vector<16xf32>
        %parallel_loop3A_746 = arith.constant 3 : i32
        %parallel_loop3A_747 = arith.index_cast %parallel_loop3A_746 : i32 to index
        %parallel_loop3A_748 = arith.index_cast %parallel_loop3A_582 : i32 to index
        %parallel_loop3A_749 = arith.constant 96 : index
        %parallel_loop3A_750 = tpu.vector_load %arg9[%parallel_loop3A_747, %parallel_loop3A_748, %parallel_loop3A_749] {strides = array<i32>} : memref<4x64x128xf32, #tpu.memory_space<vmem>>, vector<1x1x16xf32>,
        %parallel_loop3A_751 = vector.shape_cast %parallel_loop3A_750 : vector<1x1x16xf32> to vector<16xf32>
        %parallel_loop3A_752 = vector.shape_cast %parallel_loop3A_745 : vector<16xf32> to vector<1x1x16xf32>
        tpu.vector_store %arg9[%parallel_loop3A_747, %parallel_loop3A_748, %parallel_loop3A_749], %parallel_loop3A_752 {strides = array<i32>} : memref<4x64x128xf32, #tpu.memory_space<vmem>>, vector<1x1x16xf32>,
        %parallel_loop3A_753 = arith.constant 1 : i32
        %parallel_loop3A_754 = arith.addi %parallel_loop3A_584, %parallel_loop3A_753 : i32
        %parallel_loop3A_755 = arith.constant 3 : i32
        %parallel_loop3A_756 = arith.index_cast %parallel_loop3A_755 : i32 to index
        %parallel_loop3A_757 = arith.index_cast %parallel_loop3A_754 : i32 to index
        %parallel_loop3A_758 = arith.constant 48 : index
        %parallel_loop3A_759 = tpu.vector_load %arg8[%parallel_loop3A_756, %parallel_loop3A_757, %parallel_loop3A_758] {strides = array<i32>} : memref<4x128x64xf32, #tpu.memory_space<vmem>>, vector<1x1x16xf32>,
        %parallel_loop3A_760 = vector.shape_cast %parallel_loop3A_759 : vector<1x1x16xf32> to vector<16xf32>
        %parallel_loop3A_761 = arith.addi %select_n3A_531, %parallel_loop3A_582 : i32
        %parallel_loop3A_762 = arith.index_cast %parallel_loop3A_761 : i32 to index
        %parallel_loop3A_763 = arith.constant 112 : index
        %parallel_loop3A_764 = tpu.vector_load %arg7[%parallel_loop3A_762, %parallel_loop3A_763] {strides = array<i32>} : memref<200x128xf32, #tpu.memory_space<vmem>>, vector<1x16xf32>,
        %parallel_loop3A_765 = vector.shape_cast %parallel_loop3A_764 : vector<1x16xf32> to vector<16xf32>
        %parallel_loop3A_766 = arith.constant 8.000000e+00 : f32
        %parallel_loop3A_767 = vector.broadcast %parallel_loop3A_766 : f32 to vector<16xf32>
        %parallel_loop3A_768 = arith.mulf %parallel_loop3A_760, %parallel_loop3A_767 : vector<16xf32>
        %parallel_loop3A_769 = arith.addf %parallel_loop3A_768, %parallel_loop3A_765 : vector<16xf32>
        %parallel_loop3A_770 = arith.constant 3 : i32
        %parallel_loop3A_771 = arith.index_cast %parallel_loop3A_770 : i32 to index
        %parallel_loop3A_772 = arith.index_cast %parallel_loop3A_582 : i32 to index
        %parallel_loop3A_773 = arith.constant 112 : index
        %parallel_loop3A_774 = tpu.vector_load %arg9[%parallel_loop3A_771, %parallel_loop3A_772, %parallel_loop3A_773] {strides = array<i32>} : memref<4x64x128xf32, #tpu.memory_space<vmem>>, vector<1x1x16xf32>,
        %parallel_loop3A_775 = vector.shape_cast %parallel_loop3A_774 : vector<1x1x16xf32> to vector<16xf32>
        %parallel_loop3A_776 = vector.shape_cast %parallel_loop3A_769 : vector<16xf32> to vector<1x1x16xf32>
        tpu.vector_store %arg9[%parallel_loop3A_771, %parallel_loop3A_772, %parallel_loop3A_773], %parallel_loop3A_776 {strides = array<i32>} : memref<4x64x128xf32, #tpu.memory_space<vmem>>, vector<1x1x16xf32>,
      } {sc.loop_unroll_factor = 4 : i64, sc.parallel_access}
      %add3A_535 = arith.constant 4 : i32
      %add3A_536 = arith.addi %add3A_487, %add3A_535 : i32
      %lt3A_537 = arith.constant 200 : i32
      %lt3A_538 = arith.cmpi slt, %add3A_536, %lt3A_537 : i32
      %convert_element_type3A_539 = arith.extui %lt3A_538 : i1 to i32
      %cond3A_540 = arith.constant 0 : i32
      %cond3A_541 = arith.cmpi ne, %convert_element_type3A_539, %cond3A_540 : i32
      scf.if %cond3A_541 {
        %add3A_582 = arith.constant 4 : i32
        %add3A_583 = arith.addi %add3A_487, %add3A_582 : i32
        %dma_start3A_584 = arith.constant 3 : i32
        %dma_start3A_585 = arith.constant 0 : i32
        %dma_start3A_586 = arith.constant 0 : i32
        %dma_start3A_587 = tpu.memref_slice %arg8[%dma_start3A_584, %dma_start3A_585, %dma_start3A_586] : memref<4x128x64xf32, #tpu.memory_space<vmem>> -> memref<1x128x64xf32, #tpu.memory_space<vmem>>
        %dma_start3A_588 = tpu.memref_squeeze %dma_start3A_587 : memref<1x128x64xf32, #tpu.memory_space<vmem>> -> memref<128x64xf32, #tpu.memory_space<vmem>>
        %dma_start3A_589 = arith.constant 0 : i32
        %dma_start3A_590 = tpu.memref_slice %arg6[%add3A_583, %dma_start3A_589] : memref<200x128xi32, #tpu.memory_space<vmem>> -> memref<1x128xi32, #tpu.memory_space<vmem>>
        %dma_start3A_591 = tpu.memref_squeeze %dma_start3A_590 : memref<1x128xi32, #tpu.memory_space<vmem>> -> memref<128xi32, #tpu.memory_space<vmem>>
        %dma_start3A_592 = arith.constant 0 : i32
        %dma_start3A_593 = arith.constant 0 : i32
        %dma_start3A_594 = tpu.memref_slice %arg2[%dma_start3A_592, %dma_start3A_593] : memref<1000000x64xf32, #tpu.memory_space<hbm>> -> memref<1000000x64xf32, #tpu.memory_space<hbm>>
        tpu.enqueue_indirect_dma source(%dma_start3A_594 : memref<1000000x64xf32, #tpu.memory_space<hbm>>) target(%dma_start3A_588 : memref<128x64xf32, #tpu.memory_space<vmem>>) offsets(%dma_start3A_591 : memref<128xi32, #tpu.memory_space<vmem>>) semaphore(%arg13 : memref<!tpu.dma_semaphore, #tpu.memory_space<semaphore_mem>>)
      } else {
      }
      %mul3A_542 = arith.constant 128 : i32
      %mul3A_543 = arith.muli %add3A_487, %mul3A_542 : i32
      %add3A_544 = arith.addi %mul3A_2, %mul3A_543 : i32
      %jit3A_545 = arith.constant 2 : i32
      %div3A_546 = arith.divsi %add3A_544, %jit3A_545 : i32
      %sign3A_547 = arith.constant 0 : i32
      %sign3A_548 = arith.cmpi sgt, %add3A_544, %sign3A_547 : i32
      %sign3A_549 = arith.extui %sign3A_548 : i1 to i32
      %sign3A_550 = arith.constant 0 : i32
      %sign3A_551 = arith.cmpi slt, %add3A_544, %sign3A_550 : i32
      %sign3A_552 = arith.extui %sign3A_551 : i1 to i32
      %sign3A_553 = arith.subi %sign3A_549, %sign3A_552 : i32
      %sign3A_554 = arith.constant 0 : i32
      %sign3A_555 = arith.cmpi sgt, %jit3A_545, %sign3A_554 : i32
      %sign3A_556 = arith.extui %sign3A_555 : i1 to i32
      %sign3A_557 = arith.constant 0 : i32
      %sign3A_558 = arith.cmpi slt, %jit3A_545, %sign3A_557 : i32
      %sign3A_559 = arith.extui %sign3A_558 : i1 to i32
      %sign3A_560 = arith.subi %sign3A_556, %sign3A_559 : i32
      %ne3A_561 = arith.cmpi ne, %sign3A_553, %sign3A_560 : i32
      %rem3A_562 = arith.remsi %add3A_544, %jit3A_545 : i32
      %ne3A_563 = arith.constant 0 : i32
      %ne3A_564 = arith.cmpi ne, %rem3A_562, %ne3A_563 : i32
      %and3A_565 = arith.andi %ne3A_561, %ne3A_564 : i1
      %sub3A_566 = arith.constant 1 : i32
      %sub3A_567 = arith.subi %div3A_546, %sub3A_566 : i32
      %select_n3A_568 = arith.select %and3A_565, %sub3A_567, %div3A_546 : i32
      %dma_start3A_569 = arith.constant 3 : i32
      %dma_start3A_570 = arith.constant 0 : i32
      %dma_start3A_571 = arith.constant 0 : i32
      %dma_start3A_572 = tpu.memref_slice %arg9[%dma_start3A_569, %dma_start3A_570, %dma_start3A_571] : memref<4x64x128xf32, #tpu.memory_space<vmem>> -> memref<1x64x128xf32, #tpu.memory_space<vmem>>
      %dma_start3A_573 = tpu.memref_squeeze %dma_start3A_572 : memref<1x64x128xf32, #tpu.memory_space<vmem>> -> memref<64x128xf32, #tpu.memory_space<vmem>>
      %dma_start3A_574 = arith.constant 0 : i32
      %dma_start3A_575 = tpu.memref_slice %arg5[%select_n3A_568, %dma_start3A_574] : memref<409600x128xf32, #tpu.memory_space<hbm>> -> memref<64x128xf32, #tpu.memory_space<hbm>>
      %dma_start3A_576 = arith.constant 0 : i32
      %dma_start3A_577 = tpu.memref_slice %arg5[%select_n3A_568, %dma_start3A_576] : memref<409600x128xf32, #tpu.memory_space<hbm>> -> memref<64x128xf32, #tpu.memory_space<hbm>>
      %dma_start3A_578 = arith.constant 0 : i32
      %dma_start3A_579 = arith.constant 0 : i32
      %dma_start3A_580 = tpu.memref_slice %arg9[%dma_start3A_569, %dma_start3A_578, %dma_start3A_579] : memref<4x64x128xf32, #tpu.memory_space<vmem>> -> memref<1x64x128xf32, #tpu.memory_space<vmem>>
      %dma_start3A_581 = tpu.memref_squeeze %dma_start3A_580 : memref<1x64x128xf32, #tpu.memory_space<vmem>> -> memref<64x128xf32, #tpu.memory_space<vmem>>
      tpu.enqueue_dma source(%dma_start3A_581 : memref<64x128xf32, #tpu.memory_space<vmem>>) target(%dma_start3A_577 : memref<64x128xf32, #tpu.memory_space<hbm>>) target_semaphore(%arg17 : memref<!tpu.dma_semaphore, #tpu.memory_space<semaphore_mem>>)
    }
    %scan3A_54 = arith.constant 50 : i32
    %jit3A = arith.constant 2 : i32
    %div3A = arith.divsi %mul3A_2, %jit3A : i32
    %sign3A = arith.constant 0 : i32
    %sign3A_55 = arith.cmpi sgt, %mul3A_2, %sign3A : i32
    %sign3A_56 = arith.extui %sign3A_55 : i1 to i32
    %sign3A_57 = arith.constant 0 : i32
    %sign3A_58 = arith.cmpi slt, %mul3A_2, %sign3A_57 : i32
    %sign3A_59 = arith.extui %sign3A_58 : i1 to i32
    %sign3A_60 = arith.subi %sign3A_56, %sign3A_59 : i32
    %sign3A_61 = arith.constant 0 : i32
    %sign3A_62 = arith.cmpi sgt, %jit3A, %sign3A_61 : i32
    %sign3A_63 = arith.extui %sign3A_62 : i1 to i32
    %sign3A_64 = arith.constant 0 : i32
    %sign3A_65 = arith.cmpi slt, %jit3A, %sign3A_64 : i32
    %sign3A_66 = arith.extui %sign3A_65 : i1 to i32
    %sign3A_67 = arith.subi %sign3A_63, %sign3A_66 : i32
    %ne3A = arith.cmpi ne, %sign3A_60, %sign3A_67 : i32
    %rem3A = arith.remsi %mul3A_2, %jit3A : i32
    %ne3A_68 = arith.constant 0 : i32
    %ne3A_69 = arith.cmpi ne, %rem3A, %ne3A_68 : i32
    %and3A = arith.andi %ne3A, %ne3A_69 : i1
    %sub3A = arith.constant 1 : i32
    %sub3A_70 = arith.subi %div3A, %sub3A : i32
    %select_n3A = arith.select %and3A, %sub3A_70, %div3A : i32
    %dma_wait3A = arith.constant 0 : i32
    %dma_wait3A_71 = arith.constant 0 : i32
    %dma_wait3A_72 = arith.constant 0 : i32
    %dma_wait3A_73 = tpu.memref_slice %arg9[%dma_wait3A, %dma_wait3A_71, %dma_wait3A_72] : memref<4x64x128xf32, #tpu.memory_space<vmem>> -> memref<1x64x128xf32, #tpu.memory_space<vmem>>
    %dma_wait3A_74 = tpu.memref_squeeze %dma_wait3A_73 : memref<1x64x128xf32, #tpu.memory_space<vmem>> -> memref<64x128xf32, #tpu.memory_space<vmem>>
    %dma_wait3A_75 = arith.constant 0 : i32
    %dma_wait3A_76 = tpu.memref_slice %arg5[%select_n3A, %dma_wait3A_75] : memref<409600x128xf32, #tpu.memory_space<hbm>> -> memref<64x128xf32, #tpu.memory_space<hbm>>
    %dma_wait3A_77 = arith.constant 0 : i32
    %dma_wait3A_78 = tpu.memref_slice %arg5[%select_n3A, %dma_wait3A_77] : memref<409600x128xf32, #tpu.memory_space<hbm>> -> memref<64x128xf32, #tpu.memory_space<hbm>>
    %dma_wait3A_79 = arith.constant 0 : i32
    %dma_wait3A_80 = arith.constant 0 : i32
    %dma_wait3A_81 = tpu.memref_slice %arg9[%dma_wait3A, %dma_wait3A_79, %dma_wait3A_80] : memref<4x64x128xf32, #tpu.memory_space<vmem>> -> memref<1x64x128xf32, #tpu.memory_space<vmem>>
    %dma_wait3A_82 = tpu.memref_squeeze %dma_wait3A_81 : memref<1x64x128xf32, #tpu.memory_space<vmem>> -> memref<64x128xf32, #tpu.memory_space<vmem>>
    tpu.wait_dma2 semaphore(%arg14 : memref<!tpu.dma_semaphore, #tpu.memory_space<semaphore_mem>>) src(%dma_wait3A_82 : memref<64x128xf32, #tpu.memory_space<vmem>>) dst(%dma_wait3A_78 : memref<64x128xf32, #tpu.memory_space<hbm>>)
    %jit3A_83 = arith.constant 2 : i32
    %div3A_84 = arith.divsi %mul3A_2, %jit3A_83 : i32
    %sign3A_85 = arith.constant 0 : i32
    %sign3A_86 = arith.cmpi sgt, %mul3A_2, %sign3A_85 : i32
    %sign3A_87 = arith.extui %sign3A_86 : i1 to i32
    %sign3A_88 = arith.constant 0 : i32
    %sign3A_89 = arith.cmpi slt, %mul3A_2, %sign3A_88 : i32
    %sign3A_90 = arith.extui %sign3A_89 : i1 to i32
    %sign3A_91 = arith.subi %sign3A_87, %sign3A_90 : i32
    %sign3A_92 = arith.constant 0 : i32
    %sign3A_93 = arith.cmpi sgt, %jit3A_83, %sign3A_92 : i32
    %sign3A_94 = arith.extui %sign3A_93 : i1 to i32
    %sign3A_95 = arith.constant 0 : i32
    %sign3A_96 = arith.cmpi slt, %jit3A_83, %sign3A_95 : i32
    %sign3A_97 = arith.extui %sign3A_96 : i1 to i32
    %sign3A_98 = arith.subi %sign3A_94, %sign3A_97 : i32
    %ne3A_99 = arith.cmpi ne, %sign3A_91, %sign3A_98 : i32
    %rem3A_100 = arith.remsi %mul3A_2, %jit3A_83 : i32
    %ne3A_101 = arith.constant 0 : i32
    %ne3A_102 = arith.cmpi ne, %rem3A_100, %ne3A_101 : i32
    %and3A_103 = arith.andi %ne3A_99, %ne3A_102 : i1
    %sub3A_104 = arith.constant 1 : i32
    %sub3A_105 = arith.subi %div3A_84, %sub3A_104 : i32
    %select_n3A_106 = arith.select %and3A_103, %sub3A_105, %div3A_84 : i32
    %dma_wait3A_107 = arith.constant 1 : i32
    %dma_wait3A_108 = arith.constant 0 : i32
    %dma_wait3A_109 = arith.constant 0 : i32
    %dma_wait3A_110 = tpu.memref_slice %arg9[%dma_wait3A_107, %dma_wait3A_108, %dma_wait3A_109] : memref<4x64x128xf32, #tpu.memory_space<vmem>> -> memref<1x64x128xf32, #tpu.memory_space<vmem>>
    %dma_wait3A_111 = tpu.memref_squeeze %dma_wait3A_110 : memref<1x64x128xf32, #tpu.memory_space<vmem>> -> memref<64x128xf32, #tpu.memory_space<vmem>>
    %dma_wait3A_112 = arith.constant 0 : i32
    %dma_wait3A_113 = tpu.memref_slice %arg5[%select_n3A_106, %dma_wait3A_112] : memref<409600x128xf32, #tpu.memory_space<hbm>> -> memref<64x128xf32, #tpu.memory_space<hbm>>
    %dma_wait3A_114 = arith.constant 0 : i32
    %dma_wait3A_115 = tpu.memref_slice %arg5[%select_n3A_106, %dma_wait3A_114] : memref<409600x128xf32, #tpu.memory_space<hbm>> -> memref<64x128xf32, #tpu.memory_space<hbm>>
    %dma_wait3A_116 = arith.constant 0 : i32
    %dma_wait3A_117 = arith.constant 0 : i32
    %dma_wait3A_118 = tpu.memref_slice %arg9[%dma_wait3A_107, %dma_wait3A_116, %dma_wait3A_117] : memref<4x64x128xf32, #tpu.memory_space<vmem>> -> memref<1x64x128xf32, #tpu.memory_space<vmem>>
    %dma_wait3A_119 = tpu.memref_squeeze %dma_wait3A_118 : memref<1x64x128xf32, #tpu.memory_space<vmem>> -> memref<64x128xf32, #tpu.memory_space<vmem>>
    tpu.wait_dma2 semaphore(%arg15 : memref<!tpu.dma_semaphore, #tpu.memory_space<semaphore_mem>>) src(%dma_wait3A_119 : memref<64x128xf32, #tpu.memory_space<vmem>>) dst(%dma_wait3A_115 : memref<64x128xf32, #tpu.memory_space<hbm>>)
    %jit3A_120 = arith.constant 2 : i32
    %div3A_121 = arith.divsi %mul3A_2, %jit3A_120 : i32
    %sign3A_122 = arith.constant 0 : i32
    %sign3A_123 = arith.cmpi sgt, %mul3A_2, %sign3A_122 : i32
    %sign3A_124 = arith.extui %sign3A_123 : i1 to i32
    %sign3A_125 = arith.constant 0 : i32
    %sign3A_126 = arith.cmpi slt, %mul3A_2, %sign3A_125 : i32
    %sign3A_127 = arith.extui %sign3A_126 : i1 to i32
    %sign3A_128 = arith.subi %sign3A_124, %sign3A_127 : i32
    %sign3A_129 = arith.constant 0 : i32
    %sign3A_130 = arith.cmpi sgt, %jit3A_120, %sign3A_129 : i32
    %sign3A_131 = arith.extui %sign3A_130 : i1 to i32
    %sign3A_132 = arith.constant 0 : i32
    %sign3A_133 = arith.cmpi slt, %jit3A_120, %sign3A_132 : i32
    %sign3A_134 = arith.extui %sign3A_133 : i1 to i32
    %sign3A_135 = arith.subi %sign3A_131, %sign3A_134 : i32
    %ne3A_136 = arith.cmpi ne, %sign3A_128, %sign3A_135 : i32
    %rem3A_137 = arith.remsi %mul3A_2, %jit3A_120 : i32
    %ne3A_138 = arith.constant 0 : i32
    %ne3A_139 = arith.cmpi ne, %rem3A_137, %ne3A_138 : i32
    %and3A_140 = arith.andi %ne3A_136, %ne3A_139 : i1
    %sub3A_141 = arith.constant 1 : i32
    %sub3A_142 = arith.subi %div3A_121, %sub3A_141 : i32
    %select_n3A_143 = arith.select %and3A_140, %sub3A_142, %div3A_121 : i32
    %dma_wait3A_144 = arith.constant 2 : i32
    %dma_wait3A_145 = arith.constant 0 : i32
    %dma_wait3A_146 = arith.constant 0 : i32
    %dma_wait3A_147 = tpu.memref_slice %arg9[%dma_wait3A_144, %dma_wait3A_145, %dma_wait3A_146] : memref<4x64x128xf32, #tpu.memory_space<vmem>> -> memref<1x64x128xf32, #tpu.memory_space<vmem>>
    %dma_wait3A_148 = tpu.memref_squeeze %dma_wait3A_147 : memref<1x64x128xf32, #tpu.memory_space<vmem>> -> memref<64x128xf32, #tpu.memory_space<vmem>>
    %dma_wait3A_149 = arith.constant 0 : i32
    %dma_wait3A_150 = tpu.memref_slice %arg5[%select_n3A_143, %dma_wait3A_149] : memref<409600x128xf32, #tpu.memory_space<hbm>> -> memref<64x128xf32, #tpu.memory_space<hbm>>
    %dma_wait3A_151 = arith.constant 0 : i32
    %dma_wait3A_152 = tpu.memref_slice %arg5[%select_n3A_143, %dma_wait3A_151] : memref<409600x128xf32, #tpu.memory_space<hbm>> -> memref<64x128xf32, #tpu.memory_space<hbm>>
    %dma_wait3A_153 = arith.constant 0 : i32
    %dma_wait3A_154 = arith.constant 0 : i32
    %dma_wait3A_155 = tpu.memref_slice %arg9[%dma_wait3A_144, %dma_wait3A_153, %dma_wait3A_154] : memref<4x64x128xf32, #tpu.memory_space<vmem>> -> memref<1x64x128xf32, #tpu.memory_space<vmem>>
    %dma_wait3A_156 = tpu.memref_squeeze %dma_wait3A_155 : memref<1x64x128xf32, #tpu.memory_space<vmem>> -> memref<64x128xf32, #tpu.memory_space<vmem>>
    tpu.wait_dma2 semaphore(%arg16 : memref<!tpu.dma_semaphore, #tpu.memory_space<semaphore_mem>>) src(%dma_wait3A_156 : memref<64x128xf32, #tpu.memory_space<vmem>>) dst(%dma_wait3A_152 : memref<64x128xf32, #tpu.memory_space<hbm>>)
    %jit3A_157 = arith.constant 2 : i32
    %div3A_158 = arith.divsi %mul3A_2, %jit3A_157 : i32
    %sign3A_159 = arith.constant 0 : i32
    %sign3A_160 = arith.cmpi sgt, %mul3A_2, %sign3A_159 : i32
    %sign3A_161 = arith.extui %sign3A_160 : i1 to i32
    %sign3A_162 = arith.constant 0 : i32
    %sign3A_163 = arith.cmpi slt, %mul3A_2, %sign3A_162 : i32
    %sign3A_164 = arith.extui %sign3A_163 : i1 to i32
    %sign3A_165 = arith.subi %sign3A_161, %sign3A_164 : i32
    %sign3A_166 = arith.constant 0 : i32
    %sign3A_167 = arith.cmpi sgt, %jit3A_157, %sign3A_166 : i32
    %sign3A_168 = arith.extui %sign3A_167 : i1 to i32
    %sign3A_169 = arith.constant 0 : i32
    %sign3A_170 = arith.cmpi slt, %jit3A_157, %sign3A_169 : i32
    %sign3A_171 = arith.extui %sign3A_170 : i1 to i32
    %sign3A_172 = arith.subi %sign3A_168, %sign3A_171 : i32
    %ne3A_173 = arith.cmpi ne, %sign3A_165, %sign3A_172 : i32
    %rem3A_174 = arith.remsi %mul3A_2, %jit3A_157 : i32
    %ne3A_175 = arith.constant 0 : i32
    %ne3A_176 = arith.cmpi ne, %rem3A_174, %ne3A_175 : i32
    %and3A_177 = arith.andi %ne3A_173, %ne3A_176 : i1
    %sub3A_178 = arith.constant 1 : i32
    %sub3A_179 = arith.subi %div3A_158, %sub3A_178 : i32
    %select_n3A_180 = arith.select %and3A_177, %sub3A_179, %div3A_158 : i32
    %dma_wait3A_181 = arith.constant 3 : i32
    %dma_wait3A_182 = arith.constant 0 : i32
    %dma_wait3A_183 = arith.constant 0 : i32
    %dma_wait3A_184 = tpu.memref_slice %arg9[%dma_wait3A_181, %dma_wait3A_182, %dma_wait3A_183] : memref<4x64x128xf32, #tpu.memory_space<vmem>> -> memref<1x64x128xf32, #tpu.memory_space<vmem>>
    %dma_wait3A_185 = tpu.memref_squeeze %dma_wait3A_184 : memref<1x64x128xf32, #tpu.memory_space<vmem>> -> memref<64x128xf32, #tpu.memory_space<vmem>>
    %dma_wait3A_186 = arith.constant 0 : i32
    %dma_wait3A_187 = tpu.memref_slice %arg5[%select_n3A_180, %dma_wait3A_186] : memref<409600x128xf32, #tpu.memory_space<hbm>> -> memref<64x128xf32, #tpu.memory_space<hbm>>
    %dma_wait3A_188 = arith.constant 0 : i32
    %dma_wait3A_189 = tpu.memref_slice %arg5[%select_n3A_180, %dma_wait3A_188] : memref<409600x128xf32, #tpu.memory_space<hbm>> -> memref<64x128xf32, #tpu.memory_space<hbm>>
    %dma_wait3A_190 = arith.constant 0 : i32
    %dma_wait3A_191 = arith.constant 0 : i32
    %dma_wait3A_192 = tpu.memref_slice %arg9[%dma_wait3A_181, %dma_wait3A_190, %dma_wait3A_191] : memref<4x64x128xf32, #tpu.memory_space<vmem>> -> memref<1x64x128xf32, #tpu.memory_space<vmem>>
    %dma_wait3A_193 = tpu.memref_squeeze %dma_wait3A_192 : memref<1x64x128xf32, #tpu.memory_space<vmem>> -> memref<64x128xf32, #tpu.memory_space<vmem>>
    tpu.wait_dma2 semaphore(%arg17 : memref<!tpu.dma_semaphore, #tpu.memory_space<semaphore_mem>>) src(%dma_wait3A_193 : memref<64x128xf32, #tpu.memory_space<vmem>>) dst(%dma_wait3A_189 : memref<64x128xf32, #tpu.memory_space<hbm>>)
    return
  }
}

</mosaic_0001>

<sc_bundles>
// kernel: kernel.3.cloned.1.call-start
scs
__scs_entry_jumppad:
0x0: {  	(pc) =	sbr.rel $0x88, $3  }
0x1: {  	(tag) =	ssettag $0x0;
	lr =	simm.s32 $0x1  }
0x2: {  	[smem:$0x3F9F] =	sst lr;
	_ =	strace $0xD0000000  }
0x3: {  	_ = 	snop  }
0x4: {  	_ = 	snop  }
0x5: {  	_ = 	snop  }
0x6: {  	_ = 	snop  }
0x7: {  	_ = 	snop  }
__scs_overlays_trampoline_lowered:
0x8: {  	[smem:$0x3FAE] =	sst s0  }
0x9: {  	[smem:$0x3FAF] =	sst s1  }
0xa: {  	[smem:$0x3FB0] =	sst s2  }
0xb: {  	[smem:$0x3FB1] =	sst s3  }
0xc: {  	[smem:$0x3FB2] =	sst s4  }
0xd: {  	[smem:$0x3FB3] =	sst s5  }
0xe: {  	[smem:$0x3FB4] =	sst s6  }
0xf: {  	[smem:$0x3FB5] =	sst s7  }
0x10: {  	[smem:$0x3FB6] =	sst s8  }
0x11: {  	[smem:$0x3FB7] =	sst s9;
	s0 =	simm.s32 @!p0 $0x0  }
0x12: {  	s1 =	sld [smem:$0x3F9D];
	s0 =	simm.s32 @p0 $0x1  }
0x13: {  	[smem:$0x3FB8] =	sst s0;
	s0 =	simm.s32 @!p1 $0x0  }
0x14: {  	s2 =	sld [smem:$0x3F9C];
	s0 =	simm.s32 @p1 $0x1  }
0x15: {  	[smem:$0x3FB9] =	sst s0;
	s0 =	simm.s32 @!p2 $0x0  }
0x16: {  	s3 =	sld [smem:$0x3FDB];
	s0 =	simm.s32 @p2 $0x1  }
0x17: {  	s4 =	simm.s32 $0x1BF5;
	[smem:$0x3FBB] =	sst s0  }
0x18: {  	s0 =	sld [smem:$0x3F9E];
	_ =	swait.ge [sflag:s4], $0x0  }
0x19: {  	s7 =	sld [smem:$0x3F9F]  }
0x1a: {  	s8 =	sadd.s32 $0xFFFFE003, lr  }
0x1b: {  	s9 =	sadd.s32 $0xFFFFFEF7, lr;
	s5 =	simm.s32 $0xFFFFFFFF;
	p2 =	slt.u32 s8, $0xFFFFF086  }
0x1c: {  	p1 =	slt.u32 s9, $0xF7A;
	s5 =	simm.s32 @!p2 $0x0  }
0x1d: {  	s5 =	simm.s32 @p1 $0x1;
	p0 =	seq.s32 s7, s2  }
0x1e: {  	s7 =	smul.u32 @!p0 $0xF7A, s2;
	p2 =	seq.s32 @!p0 s5, $0x0  }
0x1f: {  	s9 =	smul.u32 $0xF7A, s1;
	s8 =	simm.s32 @!p0 $0x1BF5;
	p2 =	por !p2, p0  }
0x20: {  	[sflag:s8] =	ssyncset.s32 @!p0 $0xFFFFF086;
	s6 =	sadd.s32 @!p0 s3, s7;
	s7 =	simm.s32 @!p0 $0x108  }
0x21: {  	s3 =	sadd.s32 s3, s9;
	s6 =	sadd.s32 @!p0 $0x88, s6;
	s7 =	simm.s32 @p2 $0x1082  }
0x22: {  	[simem:s7], [sflag:s8] =	dma.local @!p0 [hbm:s6], $0xF7A  }
0x23: {  	s9 =	sor.u32 $0xD0000000, s2;
	s6 =	simm.s32 $0x108;
	_ =	swait.ge @!p0 [sflag:s8], $0x0  }
0x24: {  	s3 =	sadd.s32 $0x88, s3;
	s6 =	simm.s32 @!p1 $0x1082;
	[sflag:s4] =	ssyncset.s32 $0xFFFFF086  }
0x25: {  	[simem:s6], [sflag:s4] =	dma.local [hbm:s3], $0xF7A  }
0x26: {  	[smem:$0x3F9F] =	sst s1;
	(tag) =	ssettag s2;
	_ =	strace s9  }
0x27: {  	s1 =	sld [smem:$0x3FAF]  }
0x28: {  	s2 =	sld [smem:$0x3FB0]  }
0x29: {  	s4 =	sld [smem:$0x3FB2]  }
0x2a: {  	p0 =	seq.s32 s5, $0x0;
	s5 =	sld [smem:$0x3FB3]  }
0x2b: {  	s6 =	sld [smem:$0x3FB4]  }
0x2c: {  	s7 =	sld [smem:$0x3FB5]  }
0x2d: {  	s3 =	simm.s32 $0x108;
	s8 =	sld [smem:$0x3FB6]  }
0x2e: {  	s3 =	simm.s32 @!p0 $0x1082;
	s9 =	sld [smem:$0x3FB7]  }
0x2f: {  	lr =	sadd.s32 s0, s3;
	s0 =	sld [smem:$0x3FAE]  }
0x30: {  	s3 =	sld [smem:$0x3FB1]  }
0x31: {  	[smem:$0x3FBA] =	sst s10  }
0x32: {  	s10 =	sld [smem:$0x3FB8];
	_ =	sdelay $0x3  }
0x33: {  	p0 =	seq.s32 s10, $0x1;
	s10 =	sld [smem:$0x3FBA];
	_ =	sdelay $0x3  }
0x34: {  	[smem:$0x3FBA] =	sst s10  }
0x35: {  	s10 =	sld [smem:$0x3FB9];
	_ =	sdelay $0x3  }
0x36: {  	p1 =	seq.s32 s10, $0x1;
	s10 =	sld [smem:$0x3FBA];
	_ =	sdelay $0x3  }
0x37: {  	[smem:$0x3FBA] =	sst s10  }
0x38: {  	s10 =	sld [smem:$0x3FBB]  }
0x39: {  	_ = 	snop;
	(pc) =	sbr.ind lr, $3  }
0x3a: {  	_ = 	snop  }
0x3b: {  	_ = 	snop  }
0x3c: {  	p2 =	seq.s32 s10, $0x1;
	s10 =	sld [smem:$0x3FBA]  }
0x3d: {  	_ =	shalt  }
0x3e: {  	_ =	shalt  }
0x3f: {  	_ =	shalt  }
0x40: {  	_ =	shalt  }
0x41: {  	_ =	shalt  }
0x42: {  	_ =	shalt  }
0x43: {  	_ =	shalt  }
0x44: {  	_ =	shalt  }
0x45: {  	_ =	shalt  }
0x46: {  	_ =	shalt  }
0x47: {  	_ =	shalt  }
0x48: {  	_ =	shalt  }
0x49: {  	_ =	shalt  }
0x4a: {  	_ =	shalt  }
0x4b: {  	_ =	shalt  }
0x4c: {  	_ =	shalt  }
0x4d: {  	_ =	shalt  }
0x4e: {  	_ =	shalt  }
0x4f: {  	_ =	shalt  }
0x50: {  	_ =	shalt  }
0x51: {  	_ =	shalt  }
0x52: {  	_ =	shalt  }
0x53: {  	_ =	shalt  }
0x54: {  	_ =	shalt  }
0x55: {  	_ =	shalt  }
0x56: {  	_ =	shalt  }
0x57: {  	_ =	shalt  }
0x58: {  	_ =	shalt  }
0x59: {  	_ =	shalt  }
0x5a: {  	_ =	shalt  }
0x5b: {  	_ =	shalt  }
0x5c: {  	_ =	shalt  }
0x5d: {  	_ =	shalt  }
0x5e: {  	_ =	shalt  }
0x5f: {  	_ =	shalt  }
0x60: {  	_ =	shalt  }
0x61: {  	_ =	shalt  }
0x62: {  	_ =	shalt  }
0x63: {  	_ =	shalt  }
0x64: {  	_ =	shalt  }
0x65: {  	_ =	shalt  }
0x66: {  	_ =	shalt  }
0x67: {  	_ =	shalt  }
0x68: {  	_ =	shalt  }
0x69: {  	_ =	shalt  }
0x6a: {  	_ =	shalt  }
0x6b: {  	_ =	shalt  }
0x6c: {  	_ =	shalt  }
0x6d: {  	_ =	shalt  }
0x6e: {  	_ =	shalt  }
0x6f: {  	_ =	shalt  }
0x70: {  	_ =	shalt  }
0x71: {  	_ =	shalt  }
0x72: {  	_ =	shalt  }
0x73: {  	_ =	shalt  }
0x74: {  	_ =	shalt  }
0x75: {  	_ =	shalt  }
0x76: {  	_ =	shalt  }
0x77: {  	_ =	shalt  }
0x78: {  	_ =	shalt  }
0x79: {  	_ =	shalt  }
0x7a: {  	_ =	shalt  }
0x7b: {  	_ =	shalt  }
0x7c: {  	_ =	shalt  }
0x7d: {  	_ =	shalt  }
0x7e: {  	_ =	shalt  }
0x7f: {  	_ =	shalt  }
0x80: {  	_ =	shalt  }
0x81: {  	_ =	shalt  }
0x82: {  	_ =	shalt  }
0x83: {  	_ =	shalt  }
0x84: {  	_ =	shalt  }
0x85: {  	_ =	shalt  }
0x86: {  	_ =	shalt  }
0x87: {  	_ =	shalt  }
.Lfunc_end0:
.L_simem_size_0:
called_computation.1_lowered:
.L_overlay_start_0:
0x88: {  	s2 =	sld [smem:$0x3FD9]  }
0x89: {  	s3 =	sld [smem:$0x3FFE];
	_ =	sdelay $0x1  }
0x8a: {  	s1 =	srdreg.scid  }
0x8b: {  	s0 =	sand.u32 $0x1, s1  }
0x8c: {  	s17 =	sshll.u32 s0, $0xA;
	s2 =	sadd.s32 s3, s2  }
0x8d: {  	s2 =	sadd.s32 s2, s17  }
0x8e: {  	[smem:$0x3FC6] =	sst s2  }
0x8f: {  	_ = 	snop  }
0x90: {  	s2 =	sld [smem:$0x3FD0];
	(tm) =	ssettm $0x1  }
0x91: {  	s18 =	sld [smem:$0x3FFB];
	_ =	sdelay $0x3  }
0x92: {  	_ =	strace s18  }
0x93: {  	s3 =	sld [smem:$0x3FFC];
	_ =	sdelay $0x3  }
0x94: {  	_ =	strace s3  }
0x95: {  	s3 =	sld [smem:$0x3FFD];
	_ =	sdelay $0x3  }
0x96: {  	_ =	strace s3  }
0x97: {  	_ =	strace $0x8FFFFFFF  }
0x98: {  	s19 =	sld [smem:$0x3FDB];
	_ =	sdelay $0x1  }
0x99: {  	s4 =	simm.s32 $_scs_section_size  }
0x9a: {  	s5 =	simm.s32 $_size__tile_overlayer_lowered;
	s6 =	simm.s32 $_tile_overlayer_lowered  }
0x9b: {  	s22 =	simm.s32 $0x1BFF;
	s21 =	sshll.u32 s6, $0x1;
	s3 =	sadd.s32 s4, s19  }
0x9c: {  	s7 =	simm.s32 $0x0;
	s20 =	sshll.u32 s5, $0x1;
	s5 =	sadd.s32 s21, s3  }
0x9d: {  	[timem:s7], [sflag:s22] =	dma.local [hbm:s5], s20  }
0x9e: {  	_ =	swait.ge [sflag:s22], s20  }
0x9f: {  	s4 =	ssub.s32 $0x0, s20;
	[sflag:s22] =	ssyncset.done $0x0  }
0xa0: {  	[sflag:s22] =	ssyncadd.s32 s4;
	_ =	sdelay $0x1  }
0xa1: {  	s23 =	simm.s32 $0x1B8B  }
0xa2: {  	_ =	swait.ge [sflag:s23], $0x1  }
0xa3: {  	[sflag:s23] =	ssyncset.done $0x0  }
0xa4: {  	s25 =	simm.s32 $0x1B8E;
	s24 =	sld [smem:$0x3FFE];
	[sflag:s23] =	ssyncadd.s32 $0xFFFFFFFF  }
0xa5: {  	s26 =	simm.s32 $execute0_lowered;
	[smem:$0x3FD2] =	sst s25  }
0xa6: {  	s5 =	sshll.u32 s26, $0x1;
	_ =	strace $0x80000046;
	[dreg:$0x1] =	wrdreg $0xFFFFFFFF  }
0xa7: {  	s28 =	simm.s32 $_size_execute0_lowered;
	s3 =	sadd.s32 s3, s5;
	[dreg:$0x0] =	wrdreg $0x0  }
0xa8: {  	s5 =	sshll.u32 s28, $0x1;
	[dreg:$0x2] =	wrdreg s3  }
0xa9: {  	[dreg:$0x3] =	wrdreg s5  }
0xaa: {  	[dreg:$0x4] =	wrdreg $0xC0  }
0xab: {  	_ =	task [dreg:s7], $0x5FFFF  }
0xac: {  	[dreg:$0x1] =	wrdreg $0xFFFFFFFF  }
0xad: {  	[dreg:$0x0] =	wrdreg $0x60  }
0xae: {  	[dreg:$0x2] =	wrdreg s24  }
0xaf: {  	[dreg:$0x3] =	wrdreg s2  }
0xb0: {  	[dreg:$0x4] =	wrdreg $0x9  }
0xb1: {  	_ =	task.clear_ibuf [dreg:s7], $0x5FFFF;
	_ =	strace $0x90000046  }
0xb2: {  	s29 =	simm.s32 $0x9;
	_ =	strace $0x80000048  }
0xb3: {  	_ =	swait.ge [sflag:s29], $0x1  }
0xb4: {  	[sflag:s29] =	ssyncadd.s32 $0xFFFFFFFF  }
0xb5: {  	_ =	strace $0x90000048  }
0xb6: {  	_ =	sfence  }
0xb7: {  	s30 =	sld [smem:$0x0];
	_ =	sdelay $0x2  }
0xb8: {  	s31 =	sshll.u32 s1, $0xD;
	s1 =	sshrl.u32 s1, $0x2  }
0xb9: {  	s3 =	sand.u32 $0x4000, s31;
	s1 =	sadd.s32 s1, s30  }
0xba: {  	s0 =	sor.u32 s3, s0;
	s1 =	sshll.u32 s1, $0x11  }
0xbb: {  	s0 =	sor.u32 s1, s0  }
0xbc: {  	s0 =	sadd.s32 $0x8F2B, s0  }
0xbd: {  	[sflag:s0] =	ssyncadd.remote.s32 $0x1  }
0xbe: {  	_ =	sfence.sel $0xFFFF  }
0xbf: {  	[dreg:$0x0] =	wrdreg $0xFFFFFFFF;
	(pc) =	sbr.abs _section_cstart, $3  }
0xc0: {  	[dreg:$0x1] =	wrdreg $0xFFFFFFFF  }
0xc1: {  	_ =	task.clear_ibuf [dreg:s7], $0x2FFFF;
	_ =	strace $0x9FFFFFFF  }
0xc2: {  	(tm) =	ssettm $0x7FFFFFFF  }
0xc3: {  	_ =	shalt  }
tec
execute0_lowered:
.L_overlay_start_1:
0x0: {  	(tag) =	ssettag $0x1  }
0x1: {  	s0 =	rddreg [dreg:$0x0]  }
0x2: {  	s1 =	srdreg.scid;
	s3 =	stileid.u32  }
0x3: {  	s2 =	rddreg [dreg:$0x1];
	s9 =	simm.s32 $0x9;
	s15 =	simm.s32 $0x1  }
0x4: {  	s16 =	simm.s32 $0x14800;
	s1 =	sand.u32 $0x1, s1;
	s4 =	sshll.u32 s3, $0x1  }
0x5: {  	s17 =	simm.s32 $0x2;
	s18 =	simm.s32 $0x16800;
	s4 =	sor.u32 s1, s4  }
0x6: {  	s19 =	simm.s32 $0x3;
	s3 =	simm.s32 $0x0;
	s4 =	smul.u32 $0x6400, s4  }
0x7: {  	s20 =	simm.s32 $0x18800;
	s5 =	sadd.s32 $0xF43000, s0;
	[smem:$0x7FF] =	sst s3  }
0x8: {  	s1 =	ssub.s32 $0x2, s1;
	_ =	strace $0x80000047;
	s6 =	sshrl.u32 s4, $0x3  }
0x9: {  	s7 =	sshrl.u32 s1, $0x1;
	s6 =	sadd.s32 s6, s0;
	s0 =	sadd.s32 $0x19C00, s0  }
0xa: {  	s30 =	ssub.s32 s1, s7;
	[dreg:$0x3] =	wrdreg s0;
	s31 =	sadd.s32 $0xC00, s6  }
0xb: {  	s21 =	simm.s32 $0x4;
	s0 =	smax.u32 s30, $0x1;
	[dreg:$0x4] =	wrdreg s31  }
0xc: {  	s22 =	simm.s32 $0x1A800;
	s28 =	simm.s32 $0x0;
	[dreg:$0x5] =	wrdreg s0  }
.LBB2_1:
0xd: {  	s0 =	rddreg [dreg:$0x4]  }
0xe: {  	[tilespmem:s3], [sflag:$0x9] =	stream.linear.gather [hbm4b:s0+s3], $0x6400, $0x38;
	[tilespmem:$0x1C800] =	vst v63  }
0xf: {  	_ =	swait.ge [sflag:s9], $0x6400  }
0x10: {  	[sflag:s9] =	ssyncset.done $0x0  }
0x11: {  	s1 =	simm.s32 $0x6400;
	s14 =	rddreg [dreg:$0x3];
	[sflag:s9] =	ssyncadd.s32 $0xFFFF9C00  }
0x12: {  	[tilespmem:s1], [sflag:$0x9] =	stream.linear.gather [hbm4b:s14+s3], $0x6400, $0x38;
	[tilespmem:$0x1C800] =	vst v63  }
0x13: {  	_ =	swait.ge [sflag:s9], $0x6400  }
0x14: {  	[sflag:s9] =	ssyncset.done $0x0  }
0x15: {  	s29 =	simm.s32 $0x80;
	s23 =	simm.s32 $0xC800;
	[sflag:s9] =	ssyncadd.s32 $0xFFFF9C00  }
0x16: {  	[tilespmem:s23], [sflag:$0x1] =	stream.indirect.gather [hbm4b:s5+s29], $0x40, s3, s29, $0xb8;
	[tilespmem:$0x1C800] =	vst v63  }
0x17: {  	s24 =	simm.s32 $0xE800  }
0x18: {  	[tilespmem:s24], [sflag:$0x2] =	stream.indirect.gather [hbm4b:s5+s29], $0x40, s29, s29, $0xb8;
	[tilespmem:$0x1C800] =	vst v63  }
0x19: {  	s30 =	simm.s32 $0x100;
	s25 =	simm.s32 $0x10800;
	s31 =	simm.s32 $0x180  }
0x1a: {  	[tilespmem:s25], [sflag:$0x3] =	stream.indirect.gather [hbm4b:s5+s29], $0x40, s30, s29, $0xb8;
	[tilespmem:$0x1C800] =	vst v63  }
0x1b: {  	s26 =	simm.s32 $0x12800;
	s0 =	simm.s32 $0x0;
	s1 =	simm.s32 $0x0  }
0x1c: {  	[tilespmem:s26], [sflag:$0x4] =	stream.indirect.gather [hbm4b:s5+s29], $0x40, s31, s29, $0xb8;
	[tilespmem:$0x1C800] =	vst v63  }
.LBB2_2:
0x1d: {  	s6 =	smulhi.u32 $0x51EB851F, s1  }
0x1e: {  	_ =	swait.ge [sflag:s15], $0x2000  }
0x1f: {  	p0 =	seq.s32 s0, $0x0;
	[sflag:s15] =	ssyncset.done $0x0;
	s6 =	sshrl.u32 s6, $0x6  }
0x20: {  	s7 =	simm.s32 @!p0 $0x5;
	[sflag:s15] =	ssyncadd.s32 $0xFFFFE000;
	s6 =	smul.u32 $0xC8, s6  }
0x21: {  	_ =	swait.ge @!p0 [sflag:s7], $0x2000  }
0x22: {  	[sflag:s7] =	ssyncset.done @!p0 $0x0;
	s6 =	ssub.s32 s1, s6  }
0x23: {  	s10 =	simm.s32 $0xC900;
	[sflag:s7] =	ssyncadd.s32 @!p0 $0xFFFFE000;
	s6 =	sshll.u32 s6, $0x6  }
0x24: {  	v0 =	vld [tilespmem:s10+$0x80];
	s6 =	sand.u32 $0x3F80, s6  }
0x25: {  	s23 =	sadd.s32 $0x6500, s6  }
0x26: {  	v1 =	vld [tilespmem:s23+$0x80]  }
0x27: {  	v2 =	vld [tilespmem:s10+$0xFFFFFF80]  }
0x28: {  	v3 =	vld [tilespmem:s10+$0xFFFFFF00]  }
0x29: {  	v4 =	vld [tilespmem:s10+$0x0];
	v0 =	vmul.f32 $8.000000000e+00, v0  }
0x2a: {  	v5 =	vld [tilespmem:s23+$0xFFFFFF00]  }
0x2b: {  	v6 =	vld [tilespmem:s23+$0xFFFFFF80];
	v0 =	vadd.f32 v1, v0  }
0x2c: {  	s11 =	simm.s32 $0x14900  }
0x2d: {  	v1 =	vmul.f32 $8.000000000e+00, v3;
	v3 =	vld [tilespmem:s23+$0x0];
	[tilespmem:s11+$0x80] =	vst v0  }
0x2e: {  	v0 =	vmul.f32 $8.000000000e+00, v2;
	v2 =	vld [tilespmem:s10+$0x90]  }
0x2f: {  	v1 =	vadd.f32 v5, v1  }
0x30: {  	v4 =	vmul.f32 $8.000000000e+00, v4;
	v5 =	vld [tilespmem:s23+$0x90];
	v0 =	vadd.f32 v6, v0  }
0x31: {  	[tilespmem:s11+$0xFFFFFF00] =	vst v1  }
0x32: {  	v1 =	vld [tilespmem:s10+$0xFFFFFF10];
	[tilespmem:s11+$0xFFFFFF80] =	vst v0;
	v0 =	vadd.f32 v3, v4  }
0x33: {  	v4 =	vld [tilespmem:s23+$0xFFFFFF10];
	v2 =	vmul.f32 $8.000000000e+00, v2  }
0x34: {  	v3 =	vld [tilespmem:s10+$0xFFFFFF90];
	[tilespmem:s11+$0x0] =	vst v0  }
0x35: {  	v0 =	vld [tilespmem:s10+$0x10];
	v2 =	vadd.f32 v5, v2  }
0x36: {  	v5 =	vld [tilespmem:s23+$0xFFFFFF90]  }
0x37: {  	v6 =	vld [tilespmem:s23+$0x10];
	v1 =	vmul.f32 $8.000000000e+00, v1;
	[tilespmem:s11+$0x90] =	vst v2  }
0x38: {  	v2 =	vld [tilespmem:s10+$0xA0]  }
0x39: {  	v3 =	vmul.f32 $8.000000000e+00, v3;
	v1 =	vadd.f32 v4, v1  }
0x3a: {  	v4 =	vld [tilespmem:s23+$0xA0]  }
0x3b: {  	v0 =	vmul.f32 $8.000000000e+00, v0;
	[tilespmem:s11+$0xFFFFFF10] =	vst v1;
	v1 =	vadd.f32 v5, v3;
	_ =	sdelay $0x1  }
0x3c: {  	v3 =	vld [tilespmem:s10+$0xFFFFFF20];
	v0 =	vadd.f32 v6, v0;
	[tilespmem:s11+$0xFFFFFF90] =	vst v1;
	v1 =	vmul.f32 $8.000000000e+00, v2  }
0x3d: {  	v5 =	vld [tilespmem:s23+$0xFFFFFF20]  }
0x3e: {  	v2 =	vld [tilespmem:s10+$0xFFFFFFA0];
	[tilespmem:s11+$0x10] =	vst v0;
	v1 =	vadd.f32 v4, v1  }
0x3f: {  	v0 =	vld [tilespmem:s10+$0x20]  }
0x40: {  	v6 =	vld [tilespmem:s23+$0x20];
	[tilespmem:s11+$0xA0] =	vst v1  }
0x41: {  	v3 =	vmul.f32 $8.000000000e+00, v3;
	v1 =	vld [tilespmem:s10+$0xB0]  }
0x42: {  	v4 =	vld [tilespmem:s23+$0xFFFFFFA0]  }
0x43: {  	v3 =	vadd.f32 v5, v3;
	v5 =	vld [tilespmem:s23+$0xB0]  }
0x44: {  	v0 =	vmul.f32 $8.000000000e+00, v0  }
0x45: {  	[tilespmem:s11+$0xFFFFFF20] =	vst v3  }
0x46: {  	v2 =	vmul.f32 $8.000000000e+00, v2;
	v3 =	vld [tilespmem:s10+$0xFFFFFF30];
	v0 =	vadd.f32 v6, v0;
	v1 =	vmul.f32 $8.000000000e+00, v1;
	_ =	sdelay $0x1  }
0x47: {  	v2 =	vadd.f32 v4, v2;
	v4 =	vld [tilespmem:s23+$0xFFFFFF30];
	[tilespmem:s11+$0x20] =	vst v0;
	v1 =	vadd.f32 v5, v1  }
0x48: {  	v0 =	vld [tilespmem:s10+$0x30]  }
0x49: {  	v6 =	vld [tilespmem:s23+$0x30];
	[tilespmem:s11+$0xB0] =	vst v1  }
0x4a: {  	v1 =	vmul.f32 $8.000000000e+00, v3;
	v3 =	vld [tilespmem:s10+$0xC0];
	_ =	sdelay $0x1  }
0x4b: {  	[tilespmem:s11+$0xFFFFFFA0] =	vst v2;
	v1 =	vadd.f32 v4, v1;
	v4 =	vld [tilespmem:s23+$0xC0]  }
0x4c: {  	v2 =	vld [tilespmem:s10+$0xFFFFFFB0];
	v0 =	vmul.f32 $8.000000000e+00, v0;
	_ =	sdelay $0x1  }
0x4d: {  	v5 =	vld [tilespmem:s23+$0xFFFFFFB0];
	v0 =	vadd.f32 v6, v0;
	v3 =	vmul.f32 $8.000000000e+00, v3  }
0x4e: {  	s7 =	simm.s32 $0xCB00  }
0x4f: {  	v8 =	vld [tilespmem:s7+$0x80];
	[tilespmem:s11+$0x30] =	vst v0;
	v0 =	vadd.f32 v4, v3  }
0x50: {  	v9 =	vld [tilespmem:s7+$0xFFFFFF80];
	v2 =	vmul.f32 $8.000000000e+00, v2  }
0x51: {  	v11 =	vld [tilespmem:s7+$0x0];
	[tilespmem:s11+$0xC0] =	vst v0  }
0x52: {  	[tilespmem:s11+$0xFFFFFF30] =	vst v1;
	v1 =	vadd.f32 v5, v2;
	v0 =	vld [tilespmem:s10+$0xD0]  }
0x53: {  	v12 =	vld [tilespmem:s7+$0xFFFFFF00]  }
0x54: {  	[tilespmem:s11+$0xFFFFFFB0] =	vst v1;
	v7 =	vld [tilespmem:s23+$0xD0]  }
0x55: {  	v1 =	vld [tilespmem:s10+$0xFFFFFFC0]  }
0x56: {  	v2 =	vld [tilespmem:s10+$0xFFFFFF40]  }
0x57: {  	v4 =	vld [tilespmem:s23+$0xFFFFFFC0];
	v0 =	vmul.f32 $8.000000000e+00, v0  }
0x58: {  	s8 =	sadd.s32 $0x200, s23;
	v5 =	vld [tilespmem:s23+$0xFFFFFF40]  }
0x59: {  	v10 =	vld [tilespmem:s8+$0x80];
	v0 =	vadd.f32 v7, v0  }
0x5a: {  	v13 =	vld [tilespmem:s8+$0xFFFFFF00];
	v1 =	vmul.f32 $8.000000000e+00, v1  }
0x5b: {  	v3 =	vld [tilespmem:s10+$0x40];
	v2 =	vmul.f32 $8.000000000e+00, v2;
	[tilespmem:s11+$0xD0] =	vst v0  }
0x5c: {  	v8 =	vmul.f32 $8.000000000e+00, v8;
	v1 =	vadd.f32 v4, v1;
	v0 =	vld [tilespmem:s10+$0xE0]  }
0x5d: {  	v6 =	vld [tilespmem:s23+$0x40];
	v2 =	vadd.f32 v5, v2  }
0x5e: {  	v8 =	vadd.f32 v10, v8;
	v10 =	vmul.f32 $8.000000000e+00, v12;
	[tilespmem:s11+$0xFFFFFFC0] =	vst v1;
	v1 =	vld [tilespmem:s23+$0xE0]  }
0x5f: {  	s6 =	simm.s32 $0x14B00;
	v59 =	vld [tilespmem:s8+$0x0];
	[tilespmem:s11+$0xFFFFFF40] =	vst v2  }
0x60: {  	[tilespmem:s6+$0x80] =	vst v8;
	v8 =	vadd.f32 v13, v10;
	v3 =	vmul.f32 $8.000000000e+00, v3;
	v2 =	vld [tilespmem:s10+$0xFFFFFF50]  }
0x61: {  	v4 =	vld [tilespmem:s23+$0xFFFFFF50];
	v0 =	vmul.f32 $8.000000000e+00, v0  }
0x62: {  	[tilespmem:s6+$0xFFFFFF00] =	vst v8;
	v3 =	vadd.f32 v6, v3;
	v5 =	vld [tilespmem:s10+$0xFFFFFFD0]  }
0x63: {  	v10 =	vld [tilespmem:s7+$0xFFFFFF10];
	v0 =	vadd.f32 v1, v0  }
0x64: {  	[tilespmem:s11+$0x40] =	vst v3;
	v6 =	vld [tilespmem:s23+$0xFFFFFFD0]  }
0x65: {  	v3 =	vld [tilespmem:s10+$0x50];
	[tilespmem:s11+$0xE0] =	vst v0;
	v0 =	vmul.f32 $8.000000000e+00, v2  }
0x66: {  	v2 =	vld [tilespmem:s8+$0xFFFFFF80]  }
0x67: {  	v7 =	vld [tilespmem:s23+$0x50];
	v5 =	vmul.f32 $8.000000000e+00, v5;
	v4 =	vadd.f32 v4, v0  }
0x68: {  	v1 =	vld [tilespmem:s10+$0xF0]  }
0x69: {  	[tilespmem:s11+$0xFFFFFF50] =	vst v4;
	v4 =	vadd.f32 v6, v5;
	v5 =	vmul.f32 $8.000000000e+00, v9;
	v6 =	vld [tilespmem:s7+$0x90]  }
0x6a: {  	v0 =	vld [tilespmem:s23+$0xF0]  }
0x6b: {  	[tilespmem:s11+$0xFFFFFFD0] =	vst v4;
	v4 =	vmul.f32 $8.000000000e+00, v11;
	v2 =	vadd.f32 v2, v5;
	v5 =	vld [tilespmem:s8+$0x90]  }
0x6c: {  	v9 =	vld [tilespmem:s10+$0xFFFFFF60]  }
0x6d: {  	v11 =	vld [tilespmem:s8+$0xFFFFFF10];
	[tilespmem:s6+$0xFFFFFF80] =	vst v2;
	v2 =	vadd.f32 v59, v4  }
0x6e: {  	v8 =	vld [tilespmem:s10+$0xFFFFFFE0];
	v6 =	vmul.f32 $8.000000000e+00, v6  }
0x6f: {  	v3 =	vmul.f32 $8.000000000e+00, v3;
	v4 =	vld [tilespmem:s7+$0xFFFFFF90];
	[tilespmem:s6+$0x0] =	vst v2  }
0x70: {  	v2 =	vld [tilespmem:s7+$0x10];
	v5 =	vadd.f32 v5, v6  }
0x71: {  	v3 =	vadd.f32 v7, v3;
	v7 =	vmul.f32 $8.000000000e+00, v10;
	v6 =	vld [tilespmem:s8+$0xFFFFFF90]  }
0x72: {  	v10 =	vld [tilespmem:s8+$0x10];
	[tilespmem:s6+$0x90] =	vst v5  }
0x73: {  	[tilespmem:s11+$0x50] =	vst v3;
	v5 =	vadd.f32 v11, v7;
	v3 =	vld [tilespmem:s7+$0xA0]  }
0x74: {  	v7 =	vld [tilespmem:s10+$0x60];
	v4 =	vmul.f32 $8.000000000e+00, v4  }
0x75: {  	v11 =	vld [tilespmem:s8+$0xA0];
	[tilespmem:s6+$0xFFFFFF10] =	vst v5;
	v2 =	vmul.f32 $8.000000000e+00, v2  }
0x76: {  	v4 =	vadd.f32 v6, v4;
	v6 =	vld [tilespmem:s7+$0xFFFFFF20]  }
0x77: {  	v5 =	vld [tilespmem:s23+$0xFFFFFF60];
	v2 =	vadd.f32 v10, v2  }
0x78: {  	v10 =	vld [tilespmem:s8+$0xFFFFFF20];
	[tilespmem:s6+$0xFFFFFF90] =	vst v4;
	v3 =	vmul.f32 $8.000000000e+00, v3  }
0x79: {  	v4 =	vld [tilespmem:s7+$0xFFFFFFA0];
	[tilespmem:s6+$0x10] =	vst v2  }
0x7a: {  	v2 =	vld [tilespmem:s7+$0x20];
	v3 =	vadd.f32 v11, v3  }
0x7b: {  	v11 =	vld [tilespmem:s8+$0xFFFFFFA0];
	v6 =	vmul.f32 $8.000000000e+00, v6  }
0x7c: {  	v60 =	vld [tilespmem:s8+$0x20];
	[tilespmem:s6+$0xA0] =	vst v3  }
0x7d: {  	v6 =	vadd.f32 v10, v6;
	v3 =	vld [tilespmem:s7+$0xB0]  }
0x7e: {  	v10 =	vld [tilespmem:s23+$0xFFFFFFE0];
	v4 =	vmul.f32 $8.000000000e+00, v4  }
0x7f: {  	v61 =	vld [tilespmem:s8+$0xB0];
	[tilespmem:s6+$0xFFFFFF20] =	vst v6;
	v2 =	vmul.f32 $8.000000000e+00, v2  }
0x80: {  	v4 =	vadd.f32 v11, v4;
	v11 =	vld [tilespmem:s7+$0xFFFFFF30]  }
0x81: {  	v9 =	vmul.f32 $8.000000000e+00, v9;
	v6 =	vld [tilespmem:s23+$0x60];
	v2 =	vadd.f32 v60, v2  }
0x82: {  	[tilespmem:s6+$0xFFFFFFA0] =	vst v4;
	v4 =	vld [tilespmem:s8+$0xFFFFFF30];
	v3 =	vmul.f32 $8.000000000e+00, v3  }
0x83: {  	v5 =	vadd.f32 v5, v9;
	[tilespmem:s6+$0x20] =	vst v2;
	v2 =	vld [tilespmem:s7+$0xFFFFFFB0]  }
0x84: {  	v8 =	vmul.f32 $8.000000000e+00, v8;
	v3 =	vadd.f32 v61, v3;
	v62 =	vld [tilespmem:s7+$0x30]  }
0x85: {  	[tilespmem:s11+$0xFFFFFF60] =	vst v5;
	v9 =	vld [tilespmem:s8+$0xFFFFFFB0];
	v11 =	vmul.f32 $8.000000000e+00, v11  }
0x86: {  	v5 =	vadd.f32 v10, v8;
	[tilespmem:s6+$0xB0] =	vst v3;
	v3 =	vld [tilespmem:s8+$0x30]  }
0x87: {  	v4 =	vadd.f32 v4, v11;
	v8 =	vld [tilespmem:s7+$0xC0]  }
0x88: {  	v10 =	vld [tilespmem:s10+$0xFFFFFF70];
	[tilespmem:s11+$0xFFFFFFE0] =	vst v5;
	v2 =	vmul.f32 $8.000000000e+00, v2  }
0x89: {  	v11 =	vld [tilespmem:s8+$0xC0];
	[tilespmem:s6+$0xFFFFFF30] =	vst v4;
	v5 =	vmul.f32 $8.000000000e+00, v62  }
0x8a: {  	v4 =	vld [tilespmem:s7+$0xFFFFFF40];
	v2 =	vadd.f32 v9, v2  }
0x8b: {  	v9 =	vld [tilespmem:s10+$0xFFFFFFF0];
	v3 =	vadd.f32 v3, v5  }
0x8c: {  	v5 =	vld [tilespmem:s8+$0xFFFFFF40];
	[tilespmem:s6+$0xFFFFFFB0] =	vst v2;
	v2 =	vmul.f32 $8.000000000e+00, v8  }
0x8d: {  	v7 =	vmul.f32 $8.000000000e+00, v7;
	v8 =	vld [tilespmem:s7+$0xFFFFFFC0];
	[tilespmem:s6+$0x30] =	vst v3  }
0x8e: {  	v3 =	vld [tilespmem:s7+$0x40];
	v2 =	vadd.f32 v11, v2  }
0x8f: {  	v6 =	vadd.f32 v6, v7;
	v7 =	vld [tilespmem:s8+$0xFFFFFFC0]  }
0x90: {  	v4 =	vmul.f32 $8.000000000e+00, v4;
	v11 =	vld [tilespmem:s8+$0x40];
	[tilespmem:s6+$0xC0] =	vst v2  }
0x91: {  	v2 =	vld [tilespmem:s7+$0xD0]  }
0x92: {  	[tilespmem:s11+$0x60] =	vst v6;
	v4 =	vadd.f32 v5, v4;
	v6 =	vld [tilespmem:s8+$0xD0];
	v5 =	vmul.f32 $8.000000000e+00, v8  }
0x93: {  	s12 =	smulhi.u32 $0x51EB851F, s30;
	v8 =	vld [tilespmem:s10+$0x70];
	v3 =	vmul.f32 $8.000000000e+00, v3  }
0x94: {  	s13 =	smulhi.u32 $0x51EB851F, s29;
	[tilespmem:s6+$0xFFFFFF40] =	vst v4;
	v4 =	vadd.f32 v7, v5;
	v7 =	vld [tilespmem:s23+$0xFFFFFF70]  }
0x95: {  	s24 =	smulhi.u32 $0x51EB851F, s31;
	s12 =	sshrl.u32 s12, $0x6;
	v5 =	vld [tilespmem:s7+$0xFFFFFF50];
	v3 =	vadd.f32 v11, v3  }
0x96: {  	s13 =	sshrl.u32 s13, $0x6;
	s12 =	smul.u32 $0xC8, s12;
	v11 =	vld [tilespmem:s8+$0xFFFFFF50];
	[tilespmem:s6+$0xFFFFFFC0] =	vst v4;
	v2 =	vmul.f32 $8.000000000e+00, v2  }
0x97: {  	s13 =	smul.u32 $0xC8, s13;
	v63 =	vld [tilespmem:s7+$0xFFFFFFD0];
	[tilespmem:s6+$0x40] =	vst v3  }
0x98: {  	s12 =	ssub.s32 s30, s12;
	v1 =	vmul.f32 $8.000000000e+00, v1;
	s10 =	sshrl.u32 s24, $0x6;
	v3 =	vld [tilespmem:s7+$0x50];
	v2 =	vadd.f32 v6, v2  }
0x99: {  	s13 =	ssub.s32 s29, s13;
	s14 =	sshll.u32 s12, $0x6;
	s10 =	smul.u32 $0xC8, s10;
	v4 =	vmul.f32 $8.000000000e+00, v10;
	v10 =	vld [tilespmem:s8+$0xFFFFFFD0]  }
0x9a: {  	s13 =	sshll.u32 s13, $0x6;
	s25 =	sand.u32 $0x3F80, s14;
	v0 =	vadd.f32 v0, v1;
	v1 =	vmul.f32 $8.000000000e+00, v5;
	v5 =	vld [tilespmem:s8+$0x50];
	[tilespmem:s6+$0xD0] =	vst v2  }
0x9b: {  	s26 =	sand.u32 $0x3F80, s13;
	s13 =	sadd.s32 $0x6400, s25;
	s10 =	ssub.s32 s31, s10;
	v6 =	vadd.f32 v7, v4;
	v4 =	vld [tilespmem:s7+$0xE0]  }
0x9c: {  	s14 =	sadd.s32 $0x6500, s26;
	s25 =	simm.s32 $0x4;
	[tilespmem:s11+$0xF0] =	vst v0;
	s10 =	sshll.u32 s10, $0x6;
	v2 =	vld [tilespmem:s23+$0xFFFFFFF0];
	v11 =	vadd.f32 v11, v1;
	v12 =	vmul.f32 $8.000000000e+00, v63  }
0x9d: {  	s26 =	simm.s32 $0xCD00;
	s24 =	sshll.u32 s0, $0xB;
	s10 =	sand.u32 $0x3F80, s10;
	[tilespmem:s11+$0xFFFFFF70] =	vst v6;
	v6 =	vld [tilespmem:s8+$0xE0];
	v7 =	vmul.f32 $8.000000000e+00, v3  }
0x9e: {  	v0 =	vmul.f32 $8.000000000e+00, v9;
	s12 =	sadd.s32 $0x6400, s10;
	s10 =	sshll.u32 s0, $0x9;
	v1 =	vmul.f32 $8.000000000e+00, v8;
	[tilespmem:s6+$0xFFFFFF50] =	vst v11;
	v3 =	vld [tilespmem:s23+$0x70];
	s23 =	smov.u32 s8;
	v8 =	vadd.f32 v10, v12  }
.LBB2_3:
0x9f: {  	v9 =	vld [tilespmem:s26+$0x80];
	s25 =	sadd.s32 $0x4, s25;
	v5 =	vadd.f32 v5, v7  }
0xa0: {  	s8 =	sadd.s32 $0x200, s8;
	v7 =	vld [tilespmem:s26+$0xFFFFFF80];
	p1 =	slt.u32 s25, $0x3C;
	[tilespmem:s6+$0xFFFFFFD0] =	vst v8;
	v4 =	vmul.f32 $8.000000000e+00, v4  }
0xa1: {  	v8 =	vld [tilespmem:s8+$0x80];
	[tilespmem:s6+$0x50] =	vst v5;
	v0 =	vadd.f32 v2, v0  }
0xa2: {  	v2 =	vld [tilespmem:s26+$0x0];
	v4 =	vadd.f32 v6, v4  }
0xa3: {  	v5 =	vld [tilespmem:s26+$0xFFFFFF00];
	[tilespmem:s11+$0xFFFFFFF0] =	vst v0;
	v0 =	vadd.f32 v3, v1  }
0xa4: {  	v1 =	vld [tilespmem:s8+$0xFFFFFF00];
	v3 =	vmul.f32 $8.000000000e+00, v9;
	[tilespmem:s6+$0xE0] =	vst v4  }
0xa5: {  	v4 =	vmul.f32 $8.000000000e+00, v7;
	v6 =	vld [tilespmem:s7+$0xF0];
	[tilespmem:s11+$0x70] =	vst v0;
	s11 =	smov.u32 s6  }
0xa6: {  	v0 =	vld [tilespmem:s8+$0xFFFFFF80];
	v3 =	vadd.f32 v8, v3  }
0xa7: {  	s6 =	sadd.s32 $0x200, s6;
	v2 =	vmul.f32 $8.000000000e+00, v2;
	v7 =	vld [tilespmem:s23+$0xF0]  }
0xa8: {  	v5 =	vmul.f32 $8.000000000e+00, v5;
	v8 =	vld [tilespmem:s8+$0x0];
	[tilespmem:s6+$0x80] =	vst v3  }
0xa9: {  	v3 =	vld [tilespmem:s26+$0x90]  }
0xaa: {  	v1 =	vadd.f32 v1, v5;
	v5 =	vld [tilespmem:s7+$0xFFFFFF60];
	v6 =	vmul.f32 $8.000000000e+00, v6  }
0xab: {  	v0 =	vadd.f32 v0, v4;
	v4 =	vld [tilespmem:s8+$0x90]  }
0xac: {  	[tilespmem:s6+$0xFFFFFF00] =	vst v1;
	v1 =	vld [tilespmem:s7+$0xFFFFFFE0];
	v6 =	vadd.f32 v7, v6  }
0xad: {  	v7 =	vld [tilespmem:s26+$0xFFFFFF10];
	[tilespmem:s6+$0xFFFFFF80] =	vst v0;
	v0 =	vadd.f32 v8, v2  }
0xae: {  	v2 =	vld [tilespmem:s26+$0xFFFFFF90];
	v3 =	vmul.f32 $8.000000000e+00, v3;
	[tilespmem:s11+$0xF0] =	vst v6  }
0xaf: {  	v6 =	vld [tilespmem:s8+$0xFFFFFF10];
	[tilespmem:s6+$0x0] =	vst v0;
	v0 =	vmul.f32 $8.000000000e+00, v5  }
0xb0: {  	v5 =	vld [tilespmem:s26+$0x10];
	v3 =	vadd.f32 v4, v3  }
0xb1: {  	v4 =	vld [tilespmem:s8+$0xFFFFFF90];
	v1 =	vmul.f32 $8.000000000e+00, v1  }
0xb2: {  	v7 =	vmul.f32 $8.000000000e+00, v7;
	v8 =	vld [tilespmem:s8+$0x10];
	[tilespmem:s6+$0x90] =	vst v3  }
0xb3: {  	v2 =	vmul.f32 $8.000000000e+00, v2;
	v3 =	vld [tilespmem:s26+$0xA0]  }
0xb4: {  	v6 =	vadd.f32 v6, v7;
	v7 =	vld [tilespmem:s7+$0x60]  }
0xb5: {  	v5 =	vmul.f32 $8.000000000e+00, v5;
	v9 =	vld [tilespmem:s8+$0xA0]  }
0xb6: {  	[tilespmem:s6+$0xFFFFFF10] =	vst v6;
	v2 =	vadd.f32 v4, v2;
	v4 =	vld [tilespmem:s23+$0xFFFFFF60]  }
0xb7: {  	v6 =	vld [tilespmem:s26+$0xFFFFFF20];
	v5 =	vadd.f32 v8, v5  }
0xb8: {  	v8 =	vld [tilespmem:s8+$0xFFFFFF20];
	[tilespmem:s6+$0xFFFFFF90] =	vst v2;
	v2 =	vmul.f32 $8.000000000e+00, v3  }
0xb9: {  	v3 =	vld [tilespmem:s26+$0xFFFFFFA0];
	[tilespmem:s6+$0x10] =	vst v5;
	v5 =	vmul.f32 $8.000000000e+00, v7  }
0xba: {  	v7 =	vld [tilespmem:s26+$0x20];
	v2 =	vadd.f32 v9, v2  }
0xbb: {  	v9 =	vld [tilespmem:s8+$0xFFFFFFA0];
	v0 =	vadd.f32 v4, v0  }
0xbc: {  	v4 =	vmul.f32 $8.000000000e+00, v6;
	v6 =	vld [tilespmem:s8+$0x20];
	[tilespmem:s6+$0xA0] =	vst v2  }
0xbd: {  	v2 =	vld [tilespmem:s26+$0xB0];
	[tilespmem:s11+$0xFFFFFF60] =	vst v0  }
0xbe: {  	v0 =	vadd.f32 v8, v4;
	v3 =	vmul.f32 $8.000000000e+00, v3;
	v4 =	vld [tilespmem:s23+$0xFFFFFFE0]  }
0xbf: {  	v7 =	vmul.f32 $8.000000000e+00, v7;
	v8 =	vld [tilespmem:s8+$0xB0]  }
0xc0: {  	[tilespmem:s6+$0xFFFFFF20] =	vst v0;
	v0 =	vadd.f32 v9, v3;
	v3 =	vld [tilespmem:s23+$0x60]  }
0xc1: {  	v9 =	vld [tilespmem:s26+$0xFFFFFF30];
	v6 =	vadd.f32 v6, v7  }
0xc2: {  	v7 =	vld [tilespmem:s8+$0xFFFFFF30];
	[tilespmem:s6+$0xFFFFFFA0] =	vst v0;
	v0 =	vmul.f32 $8.000000000e+00, v2  }
0xc3: {  	v2 =	vld [tilespmem:s26+$0xFFFFFFB0];
	[tilespmem:s6+$0x20] =	vst v6;
	v1 =	vadd.f32 v4, v1  }
0xc4: {  	v4 =	vld [tilespmem:s26+$0x30];
	v0 =	vadd.f32 v8, v0  }
0xc5: {  	v6 =	vld [tilespmem:s8+$0xFFFFFFB0];
	[tilespmem:s11+$0xFFFFFFE0] =	vst v1;
	v1 =	vadd.f32 v3, v5  }
0xc6: {  	v3 =	vmul.f32 $8.000000000e+00, v9;
	v5 =	vld [tilespmem:s8+$0x30];
	[tilespmem:s6+$0xB0] =	vst v0  }
0xc7: {  	v0 =	vld [tilespmem:s26+$0xC0];
	[tilespmem:s11+$0x60] =	vst v1  }
0xc8: {  	v1 =	vadd.f32 v7, v3;
	v2 =	vmul.f32 $8.000000000e+00, v2;
	v3 =	vld [tilespmem:s7+$0xFFFFFF70]  }
0xc9: {  	v4 =	vmul.f32 $8.000000000e+00, v4;
	v7 =	vld [tilespmem:s8+$0xC0]  }
0xca: {  	[tilespmem:s6+$0xFFFFFF30] =	vst v1;
	v1 =	vadd.f32 v6, v2;
	v2 =	vld [tilespmem:s7+$0xFFFFFFF0]  }
0xcb: {  	v6 =	vld [tilespmem:s26+$0xFFFFFF40];
	v4 =	vadd.f32 v5, v4  }
0xcc: {  	v5 =	vld [tilespmem:s8+$0xFFFFFF40];
	[tilespmem:s6+$0xFFFFFFB0] =	vst v1;
	v0 =	vmul.f32 $8.000000000e+00, v0  }
0xcd: {  	v1 =	vld [tilespmem:s26+$0xFFFFFFC0];
	[tilespmem:s6+$0x30] =	vst v4;
	v3 =	vmul.f32 $8.000000000e+00, v3  }
0xce: {  	v4 =	vld [tilespmem:s26+$0x40];
	v7 =	vadd.f32 v7, v0  }
0xcf: {  	v8 =	vld [tilespmem:s8+$0xFFFFFFC0];
	v0 =	vmul.f32 $8.000000000e+00, v2  }
0xd0: {  	v2 =	vmul.f32 $8.000000000e+00, v6;
	v6 =	vld [tilespmem:s8+$0x40];
	[tilespmem:s6+$0xC0] =	vst v7  }
0xd1: {  	v7 =	vld [tilespmem:s26+$0xD0]  }
0xd2: {  	v2 =	vadd.f32 v5, v2;
	v1 =	vmul.f32 $8.000000000e+00, v1;
	v5 =	vld [tilespmem:s7+$0x70];
	s7 =	smov.u32 s26  }
0xd3: {  	v4 =	vmul.f32 $8.000000000e+00, v4;
	v9 =	vld [tilespmem:s8+$0xD0]  }
0xd4: {  	[tilespmem:s6+$0xFFFFFF40] =	vst v2;
	v1 =	vadd.f32 v8, v1;
	v2 =	vld [tilespmem:s23+$0xFFFFFF70]  }
0xd5: {  	v8 =	vld [tilespmem:s26+$0xFFFFFF50];
	v4 =	vadd.f32 v6, v4  }
0xd6: {  	v6 =	vld [tilespmem:s8+$0xFFFFFF50];
	[tilespmem:s6+$0xFFFFFFC0] =	vst v1;
	v7 =	vmul.f32 $8.000000000e+00, v7  }
0xd7: {  	v10 =	vld [tilespmem:s26+$0xFFFFFFD0];
	[tilespmem:s6+$0x40] =	vst v4;
	v1 =	vmul.f32 $8.000000000e+00, v5  }
0xd8: {  	v11 =	vld [tilespmem:s26+$0x50];
	v4 =	vadd.f32 v9, v7  }
0xd9: {  	v9 =	vld [tilespmem:s8+$0xFFFFFFD0];
	v2 =	vadd.f32 v2, v3  }
.Ltmp0:
0xda: {  	v3 =	vmul.f32 $8.000000000e+00, v8;
	v5 =	vld [tilespmem:s8+$0x50];
	[tilespmem:s6+$0xD0] =	vst v4;
	(pc) =	sbr.rel @p1 .LBB2_3-.Ltmp0, $4  }
0xdb: {  	v4 =	vld [tilespmem:s26+$0xE0];
	[tilespmem:s11+$0xFFFFFF70] =	vst v2  }
0xdc: {  	v3 =	vadd.f32 v6, v3;
	v8 =	vmul.f32 $8.000000000e+00, v10;
	v2 =	vld [tilespmem:s23+$0xFFFFFFF0]  }
0xdd: {  	v7 =	vmul.f32 $8.000000000e+00, v11;
	v6 =	vld [tilespmem:s8+$0xE0]  }
0xde: {  	s26 =	sadd.s32 $0x200, s26;
	[tilespmem:s6+$0xFFFFFF50] =	vst v3;
	v8 =	vadd.f32 v9, v8;
	v3 =	vld [tilespmem:s23+$0x70];
	s23 =	smov.u32 s8  }
0xdf: {  	v5 =	vadd.f32 v5, v7;
	v7 =	vld [tilespmem:s7+$0xFFFFFF60]  }
0xe0: {  	v9 =	vld [tilespmem:s23+$0xFFFFFF60];
	[tilespmem:s6+$0xFFFFFFD0] =	vst v8  }
0xe1: {  	[tilespmem:s6+$0x50] =	vst v5;
	v5 =	vld [tilespmem:s7+$0xFFFFFFE0]  }
0xe2: {  	v4 =	vmul.f32 $8.000000000e+00, v4;
	v8 =	vld [tilespmem:s7+$0x60]  }
0xe3: {  	v10 =	vld [tilespmem:s23+$0xFFFFFFE0]  }
0xe4: {  	v11 =	vld [tilespmem:s23+$0x60];
	v4 =	vadd.f32 v6, v4;
	v6 =	vmul.f32 $8.000000000e+00, v7;
	_ =	sdelay $0x1  }
0xe5: {  	[tilespmem:s6+$0xE0] =	vst v4;
	v5 =	vmul.f32 $8.000000000e+00, v5;
	v6 =	vadd.f32 v9, v6  }
0xe6: {  	v7 =	vld [tilespmem:s7+$0xF0];
	v4 =	vmul.f32 $8.000000000e+00, v8  }
0xe7: {  	v8 =	vld [tilespmem:s23+$0xF0];
	v5 =	vadd.f32 v10, v5;
	[tilespmem:s6+$0xFFFFFF60] =	vst v6  }
0xe8: {  	v4 =	vadd.f32 v11, v4;
	v9 =	vld [tilespmem:s23+$0xFFFFFF70]  }
0xe9: {  	[tilespmem:s6+$0xFFFFFFE0] =	vst v5;
	v5 =	vld [tilespmem:s7+$0xFFFFFF70]  }
0xea: {  	[tilespmem:s6+$0x60] =	vst v4;
	v4 =	vld [tilespmem:s7+$0xFFFFFFF0]  }
0xeb: {  	v6 =	vld [tilespmem:s7+$0x70]  }
0xec: {  	v10 =	vld [tilespmem:s23+$0xFFFFFFF0]  }
0xed: {  	v0 =	vadd.f32 v2, v0;
	v2 =	vmul.f32 $8.000000000e+00, v7;
	v7 =	vld [tilespmem:s23+$0x70]  }
0xee: {  	v1 =	vadd.f32 v3, v1;
	v3 =	vmul.f32 $8.000000000e+00, v5  }
0xef: {  	[tilespmem:s11+$0xFFFFFFF0] =	vst v0;
	v0 =	vadd.f32 v8, v2;
	v2 =	vmul.f32 $8.000000000e+00, v4  }
0xf0: {  	[tilespmem:s11+$0x70] =	vst v1;
	v1 =	vmul.f32 $8.000000000e+00, v6;
	v3 =	vadd.f32 v9, v3  }
0xf1: {  	[tilespmem:s6+$0xF0] =	vst v0;
	v0 =	vadd.f32 v10, v2  }
0xf2: {  	p1 =	seq.s32 s0, $0x31;
	[tilespmem:s6+$0xFFFFFF70] =	vst v3;
	v1 =	vadd.f32 v7, v1  }
0xf3: {  	s25 =	sadd.s32 s4, s10;
	s11 =	sshrl.u32 @!p1 s24, $0x2;
	[tilespmem:s6+$0xFFFFFFF0] =	vst v0  }
0xf4: {  	s8 =	simm.s32 @!p1 $0xC800;
	s7 =	simm.s32 @!p1 $0x80;
	[tilespmem:s6+$0x70] =	vst v1;
	s6 =	sadd.s32 @!p1 $0x200, s11  }
0xf5: {  	[tilespmem:s8], [sflag:$0x1] =	stream.indirect.gather @!p1 [hbm4b:s5+s7], $0x40, s6, s7, $0xb8;
	[tilespmem:$0x1C800] =	vst v63  }
0xf6: {  	s6 =	sshll.u32 s25, $0x3  }
0xf7: {  	s6 =	sadd.s32 s2, s6  }
0xf8: {  	[hbm4b:s6+s3] =	stream.linear.scatter [tilespmem:s16], [sflag:$0x5], $0x2000, $0x38;
	[tilespmem:$0x1C800] =	vst v63  }
0xf9: {  	_ =	swait.ge [sflag:s17], $0x2000  }
0xfa: {  	[sflag:s17] =	ssyncset.done $0x0  }
0xfb: {  	s6 =	simm.s32 @!p0 $0x6;
	[sflag:s17] =	ssyncadd.s32 $0xFFFFE000  }
0xfc: {  	_ =	swait.ge @!p0 [sflag:s6], $0x2000  }
0xfd: {  	[sflag:s6] =	ssyncset.done @!p0 $0x0  }
0xfe: {  	s26 =	simm.s32 $0xE9F0;
	[sflag:s6] =	ssyncadd.s32 @!p0 $0xFFFFE000  }
0xff: {  	v0 =	vld [tilespmem:s26+$0xFFFFFF90];
	_ =	sdelay $0x1  }
0x100: {  	v1 =	vld [tilespmem:s14+$0x80]  }
0x101: {  	v2 =	vld [tilespmem:s26+$0xFFFFFE90]  }
0x102: {  	v3 =	vld [tilespmem:s26+$0xFFFFFE10]  }
0x103: {  	v4 =	vld [tilespmem:s26+$0xFFFFFF10];
	v0 =	vmul.f32 $8.000000000e+00, v0  }
0x104: {  	v5 =	vld [tilespmem:s14+$0xFFFFFF00]  }
0x105: {  	v6 =	vld [tilespmem:s14+$0xFFFFFF80];
	v0 =	vadd.f32 v1, v0  }
0x106: {  	s6 =	simm.s32 $0x169F0  }
0x107: {  	v1 =	vmul.f32 $8.000000000e+00, v3;
	v3 =	vld [tilespmem:s14+$0x0];
	[tilespmem:s6+$0xFFFFFF90] =	vst v0  }
0x108: {  	v0 =	vmul.f32 $8.000000000e+00, v2;
	v2 =	vld [tilespmem:s26+$0xFFFFFFA0]  }
0x109: {  	v1 =	vadd.f32 v5, v1  }
0x10a: {  	v4 =	vmul.f32 $8.000000000e+00, v4;
	v5 =	vld [tilespmem:s14+$0x90];
	v0 =	vadd.f32 v6, v0  }
0x10b: {  	[tilespmem:s6+$0xFFFFFE10] =	vst v1  }
0x10c: {  	v1 =	vld [tilespmem:s26+$0xFFFFFE20];
	[tilespmem:s6+$0xFFFFFE90] =	vst v0;
	v0 =	vadd.f32 v3, v4  }
0x10d: {  	v4 =	vld [tilespmem:s14+$0xFFFFFF10];
	v2 =	vmul.f32 $8.000000000e+00, v2  }
0x10e: {  	v3 =	vld [tilespmem:s26+$0xFFFFFEA0];
	[tilespmem:s6+$0xFFFFFF10] =	vst v0  }
0x10f: {  	v0 =	vld [tilespmem:s26+$0xFFFFFF20];
	v2 =	vadd.f32 v5, v2  }
0x110: {  	v5 =	vld [tilespmem:s14+$0xFFFFFF90]  }
0x111: {  	v6 =	vld [tilespmem:s14+$0x10];
	v1 =	vmul.f32 $8.000000000e+00, v1;
	[tilespmem:s6+$0xFFFFFFA0] =	vst v2  }
0x112: {  	v2 =	vld [tilespmem:s26+$0xFFFFFFB0]  }
0x113: {  	v3 =	vmul.f32 $8.000000000e+00, v3;
	v1 =	vadd.f32 v4, v1  }
0x114: {  	v4 =	vld [tilespmem:s14+$0xA0]  }
0x115: {  	v0 =	vmul.f32 $8.000000000e+00, v0;
	[tilespmem:s6+$0xFFFFFE20] =	vst v1;
	v1 =	vadd.f32 v5, v3;
	_ =	sdelay $0x1  }
0x116: {  	v3 =	vld [tilespmem:s26+$0xFFFFFE30];
	v0 =	vadd.f32 v6, v0;
	[tilespmem:s6+$0xFFFFFEA0] =	vst v1;
	v1 =	vmul.f32 $8.000000000e+00, v2  }
0x117: {  	v5 =	vld [tilespmem:s14+$0xFFFFFF20]  }
0x118: {  	v2 =	vld [tilespmem:s26+$0xFFFFFEB0];
	[tilespmem:s6+$0xFFFFFF20] =	vst v0;
	v1 =	vadd.f32 v4, v1  }
0x119: {  	v0 =	vld [tilespmem:s26+$0xFFFFFF30]  }
0x11a: {  	v6 =	vld [tilespmem:s14+$0x20];
	[tilespmem:s6+$0xFFFFFFB0] =	vst v1  }
0x11b: {  	v3 =	vmul.f32 $8.000000000e+00, v3;
	v1 =	vld [tilespmem:s26+$0xFFFFFFC0]  }
0x11c: {  	v4 =	vld [tilespmem:s14+$0xFFFFFFA0]  }
0x11d: {  	v3 =	vadd.f32 v5, v3;
	v5 =	vld [tilespmem:s14+$0xB0]  }
0x11e: {  	v0 =	vmul.f32 $8.000000000e+00, v0  }
0x11f: {  	[tilespmem:s6+$0xFFFFFE30] =	vst v3  }
0x120: {  	v2 =	vmul.f32 $8.000000000e+00, v2;
	v3 =	vld [tilespmem:s26+$0xFFFFFE40];
	v0 =	vadd.f32 v6, v0;
	v1 =	vmul.f32 $8.000000000e+00, v1;
	_ =	sdelay $0x1  }
0x121: {  	v2 =	vadd.f32 v4, v2;
	v4 =	vld [tilespmem:s14+$0xFFFFFF30];
	[tilespmem:s6+$0xFFFFFF30] =	vst v0;
	v1 =	vadd.f32 v5, v1  }
0x122: {  	v0 =	vld [tilespmem:s26+$0xFFFFFF40]  }
0x123: {  	v6 =	vld [tilespmem:s14+$0x30];
	[tilespmem:s6+$0xFFFFFFC0] =	vst v1  }
0x124: {  	[tilespmem:s6+$0xFFFFFEB0] =	vst v2;
	v1 =	vmul.f32 $8.000000000e+00, v3;
	v3 =	vld [tilespmem:s26+$0xFFFFFFD0]  }
0x125: {  	v2 =	vld [tilespmem:s26+$0xFFFFFEC0]  }
0x126: {  	v1 =	vadd.f32 v4, v1;
	v4 =	vld [tilespmem:s14+$0xC0]  }
0x127: {  	v5 =	vld [tilespmem:s14+$0xFFFFFFB0];
	v0 =	vmul.f32 $8.000000000e+00, v0;
	_ =	sdelay $0x1  }
0x128: {  	v0 =	vadd.f32 v6, v0;
	v3 =	vmul.f32 $8.000000000e+00, v3  }
0x129: {  	s8 =	simm.s32 $0xEBF0;
	v2 =	vmul.f32 $8.000000000e+00, v2;
	[tilespmem:s6+$0xFFFFFE40] =	vst v1  }
0x12a: {  	v8 =	vld [tilespmem:s8+$0xFFFFFF90];
	[tilespmem:s6+$0xFFFFFF40] =	vst v0;
	v0 =	vadd.f32 v4, v3  }
0x12b: {  	v1 =	vadd.f32 v5, v2;
	v2 =	vld [tilespmem:s26+$0xFFFFFE50]  }
0x12c: {  	v5 =	vld [tilespmem:s14+$0xFFFFFF40];
	[tilespmem:s6+$0xFFFFFFD0] =	vst v0  }
0x12d: {  	[tilespmem:s6+$0xFFFFFEC0] =	vst v1;
	v0 =	vld [tilespmem:s26+$0xFFFFFFE0]  }
0x12e: {  	v1 =	vld [tilespmem:s26+$0xFFFFFED0]  }
0x12f: {  	v7 =	vld [tilespmem:s14+$0xD0]  }
0x130: {  	v4 =	vld [tilespmem:s14+$0xFFFFFFC0];
	v2 =	vmul.f32 $8.000000000e+00, v2  }
0x131: {  	v9 =	vld [tilespmem:s8+$0xFFFFFE90]  }
0x132: {  	s23 =	sadd.s32 $0x200, s14;
	v3 =	vld [tilespmem:s26+$0xFFFFFF50];
	v2 =	vadd.f32 v5, v2;
	v0 =	vmul.f32 $8.000000000e+00, v0  }
0x133: {  	v10 =	vld [tilespmem:s23+$0x80];
	v1 =	vmul.f32 $8.000000000e+00, v1  }
0x134: {  	v6 =	vld [tilespmem:s14+$0x40];
	[tilespmem:s6+$0xFFFFFE50] =	vst v2;
	v0 =	vadd.f32 v7, v0  }
0x135: {  	v1 =	vadd.f32 v4, v1;
	v2 =	vld [tilespmem:s26+$0xFFFFFE60]  }
0x136: {  	v4 =	vld [tilespmem:s14+$0xFFFFFF50];
	[tilespmem:s6+$0xFFFFFFE0] =	vst v0  }
0x137: {  	v3 =	vmul.f32 $8.000000000e+00, v3;
	[tilespmem:s6+$0xFFFFFED0] =	vst v1;
	v0 =	vld [tilespmem:s26+$0xFFFFFFF0]  }
0x138: {  	v1 =	vld [tilespmem:s26+$0xFFFFFEE0]  }
0x139: {  	v3 =	vadd.f32 v6, v3;
	v6 =	vld [tilespmem:s14+$0xE0]  }
0x13a: {  	v11 =	vld [tilespmem:s8+$0xFFFFFF10]  }
0x13b: {  	v5 =	vld [tilespmem:s14+$0xFFFFFFD0]  }
0x13c: {  	v12 =	vld [tilespmem:s23+$0xFFFFFF00];
	v2 =	vmul.f32 $8.000000000e+00, v2;
	v0 =	vmul.f32 $8.000000000e+00, v0  }
0x13d: {  	v13 =	vld [tilespmem:s23+$0xFFFFFF80];
	v8 =	vmul.f32 $8.000000000e+00, v8  }
0x13e: {  	[tilespmem:s6+$0xFFFFFF50] =	vst v3;
	v2 =	vadd.f32 v4, v2;
	v4 =	vmul.f32 $8.000000000e+00, v1;
	v0 =	vadd.f32 v6, v0;
	v6 =	vld [tilespmem:s8+$0xFFFFFE10]  }
0x13f: {  	v8 =	vadd.f32 v10, v8;
	v3 =	vld [tilespmem:s26+$0xFFFFFF60]  }
0x140: {  	s7 =	simm.s32 $0x16BF0;
	v10 =	vld [tilespmem:s23+$0x0];
	[tilespmem:s6+$0xFFFFFE60] =	vst v2;
	v2 =	vadd.f32 v5, v4;
	v4 =	vmul.f32 $8.000000000e+00, v9  }
0x141: {  	[tilespmem:s7+$0xFFFFFF90] =	vst v8;
	v7 =	vld [tilespmem:s14+$0x50]  }
0x142: {  	v5 =	vld [tilespmem:s8+$0xFFFFFFA0];
	v4 =	vadd.f32 v13, v4  }
0x143: {  	v9 =	vld [tilespmem:s23+$0x90];
	v6 =	vmul.f32 $8.000000000e+00, v6  }
0x144: {  	v3 =	vmul.f32 $8.000000000e+00, v3;
	v8 =	vld [tilespmem:s26+$0xFFFFFE70];
	[tilespmem:s7+$0xFFFFFE90] =	vst v4  }
0x145: {  	[tilespmem:s6+$0xFFFFFEE0] =	vst v2;
	v4 =	vld [tilespmem:s8+$0xFFFFFEA0];
	v6 =	vadd.f32 v12, v6  }
0x146: {  	v3 =	vadd.f32 v7, v3;
	v2 =	vmul.f32 $8.000000000e+00, v11;
	v7 =	vld [tilespmem:s23+$0xFFFFFF90];
	[tilespmem:s6+$0xFFFFFFF0] =	vst v0  }
0x147: {  	v5 =	vmul.f32 $8.000000000e+00, v5;
	v0 =	vld [tilespmem:s26+$0x0];
	[tilespmem:s7+$0xFFFFFE10] =	vst v6  }
0x148: {  	v2 =	vadd.f32 v10, v2;
	v11 =	vld [tilespmem:s8+$0xFFFFFE20]  }
0x149: {  	v1 =	vld [tilespmem:s14+$0xF0];
	v5 =	vadd.f32 v9, v5  }
0x14a: {  	[tilespmem:s7+$0xFFFFFF10] =	vst v2;
	v4 =	vmul.f32 $8.000000000e+00, v4;
	v10 =	vld [tilespmem:s23+$0xFFFFFF10]  }
0x14b: {  	v2 =	vld [tilespmem:s8+$0xFFFFFF20];
	[tilespmem:s7+$0xFFFFFFA0] =	vst v5  }
0x14c: {  	[tilespmem:s6+$0xFFFFFF60] =	vst v3;
	v3 =	vld [tilespmem:s8+$0xFFFFFFB0];
	v4 =	vadd.f32 v7, v4  }
0x14d: {  	v9 =	vmul.f32 $8.000000000e+00, v11;
	v11 =	vld [tilespmem:s23+$0x10]  }
0x14e: {  	v6 =	vld [tilespmem:s26+$0xFFFFFEF0];
	[tilespmem:s7+$0xFFFFFEA0] =	vst v4  }
0x14f: {  	v4 =	vld [tilespmem:s8+$0xFFFFFEB0];
	v5 =	vadd.f32 v10, v9  }
0x150: {  	v2 =	vmul.f32 $8.000000000e+00, v2;
	v10 =	vld [tilespmem:s23+$0xA0]  }
0x151: {  	v9 =	vld [tilespmem:s26+$0xFFFFFF70];
	[tilespmem:s7+$0xFFFFFE20] =	vst v5  }
0x152: {  	v7 =	vld [tilespmem:s8+$0xFFFFFE30];
	v2 =	vadd.f32 v11, v2  }
0x153: {  	v3 =	vmul.f32 $8.000000000e+00, v3;
	v5 =	vld [tilespmem:s14+$0xFFFFFF60]  }
0x154: {  	v11 =	vld [tilespmem:s23+$0xFFFFFF20];
	[tilespmem:s7+$0xFFFFFF20] =	vst v2  }
0x155: {  	v3 =	vadd.f32 v10, v3;
	v2 =	vld [tilespmem:s8+$0xFFFFFF30]  }
0x156: {  	v10 =	vld [tilespmem:s23+$0xFFFFFFA0]  }
0x157: {  	v60 =	vld [tilespmem:s23+$0x20];
	[tilespmem:s7+$0xFFFFFFB0] =	vst v3;
	v7 =	vmul.f32 $8.000000000e+00, v7  }
0x158: {  	v3 =	vld [tilespmem:s8+$0xFFFFFFC0]  }
0x159: {  	v4 =	vmul.f32 $8.000000000e+00, v4;
	v61 =	vld [tilespmem:s23+$0xB0];
	v7 =	vadd.f32 v11, v7  }
0x15a: {  	v11 =	vld [tilespmem:s14+$0xFFFFFFE0];
	v2 =	vmul.f32 $8.000000000e+00, v2  }
0x15b: {  	v4 =	vadd.f32 v10, v4;
	[tilespmem:s7+$0xFFFFFE30] =	vst v7;
	v7 =	vld [tilespmem:s14+$0x60]  }
0x15c: {  	v2 =	vadd.f32 v60, v2;
	v10 =	vld [tilespmem:s8+$0xFFFFFE40]  }
0x15d: {  	[tilespmem:s7+$0xFFFFFEB0] =	vst v4;
	v4 =	vld [tilespmem:s23+$0xFFFFFF30];
	v3 =	vmul.f32 $8.000000000e+00, v3  }
0x15e: {  	v8 =	vmul.f32 $8.000000000e+00, v8;
	[tilespmem:s7+$0xFFFFFF30] =	vst v2;
	v2 =	vld [tilespmem:s8+$0xFFFFFEC0]  }
0x15f: {  	v3 =	vadd.f32 v61, v3;
	v62 =	vld [tilespmem:s8+$0xFFFFFF40]  }
0x160: {  	v6 =	vmul.f32 $8.000000000e+00, v6;
	v5 =	vadd.f32 v5, v8;
	v8 =	vld [tilespmem:s23+$0xFFFFFFB0]  }
0x161: {  	[tilespmem:s7+$0xFFFFFFC0] =	vst v3;
	v3 =	vld [tilespmem:s23+$0x30];
	v10 =	vmul.f32 $8.000000000e+00, v10  }
0x162: {  	[tilespmem:s6+$0xFFFFFE70] =	vst v5;
	v5 =	vadd.f32 v11, v6;
	v6 =	vld [tilespmem:s8+$0xFFFFFFD0]  }
0x163: {  	v11 =	vld [tilespmem:s23+$0xC0];
	v4 =	vadd.f32 v4, v10;
	v2 =	vmul.f32 $8.000000000e+00, v2  }
0x164: {  	[tilespmem:s6+$0xFFFFFEF0] =	vst v5;
	v10 =	vld [tilespmem:s26+$0xFFFFFE80];
	v5 =	vmul.f32 $8.000000000e+00, v62  }
0x165: {  	[tilespmem:s7+$0xFFFFFE40] =	vst v4;
	v2 =	vadd.f32 v8, v2;
	v8 =	vld [tilespmem:s26+$0xFFFFFF00]  }
0x166: {  	v4 =	vld [tilespmem:s8+$0xFFFFFE50];
	v3 =	vadd.f32 v3, v5  }
0x167: {  	v5 =	vld [tilespmem:s23+$0xFFFFFF40];
	[tilespmem:s7+$0xFFFFFEC0] =	vst v2;
	v2 =	vmul.f32 $8.000000000e+00, v6  }
0x168: {  	v6 =	vmul.f32 $8.000000000e+00, v9;
	v9 =	vld [tilespmem:s8+$0xFFFFFED0];
	[tilespmem:s7+$0xFFFFFF40] =	vst v3  }
0x169: {  	v3 =	vld [tilespmem:s8+$0xFFFFFF50];
	v2 =	vadd.f32 v11, v2  }
0x16a: {  	v6 =	vadd.f32 v7, v6;
	v7 =	vld [tilespmem:s23+$0xFFFFFFC0]  }
0x16b: {  	v11 =	vld [tilespmem:s23+$0x40];
	v4 =	vmul.f32 $8.000000000e+00, v4;
	[tilespmem:s7+$0xFFFFFFD0] =	vst v2  }
0x16c: {  	v2 =	vld [tilespmem:s8+$0xFFFFFFE0]  }
0x16d: {  	[tilespmem:s6+$0xFFFFFF70] =	vst v6;
	v6 =	vld [tilespmem:s23+$0xD0];
	v4 =	vadd.f32 v5, v4;
	v5 =	vmul.f32 $8.000000000e+00, v9  }
0x16e: {  	v9 =	vld [tilespmem:s26+$0xFFFFFF80];
	v3 =	vmul.f32 $8.000000000e+00, v3  }
0x16f: {  	[tilespmem:s7+$0xFFFFFE50] =	vst v4;
	v4 =	vadd.f32 v7, v5;
	v5 =	vld [tilespmem:s14+$0xFFFFFF70]  }
0x170: {  	v7 =	vld [tilespmem:s8+$0xFFFFFE60];
	v3 =	vadd.f32 v11, v3  }
0x171: {  	v11 =	vld [tilespmem:s23+$0xFFFFFF50];
	[tilespmem:s7+$0xFFFFFED0] =	vst v4;
	v2 =	vmul.f32 $8.000000000e+00, v2  }
0x172: {  	v63 =	vld [tilespmem:s8+$0xFFFFFEE0];
	[tilespmem:s7+$0xFFFFFF50] =	vst v3  }
0x173: {  	v0 =	vmul.f32 $8.000000000e+00, v0;
	v3 =	vld [tilespmem:s8+$0xFFFFFF60];
	v2 =	vadd.f32 v6, v2  }
0x174: {  	v4 =	vmul.f32 $8.000000000e+00, v10;
	v10 =	vld [tilespmem:s23+$0xFFFFFFD0]  }
0x175: {  	v0 =	vadd.f32 v1, v0;
	v6 =	vld [tilespmem:s23+$0x50];
	v1 =	vmul.f32 $8.000000000e+00, v7;
	[tilespmem:s7+$0xFFFFFFE0] =	vst v2  }
0x176: {  	v5 =	vadd.f32 v5, v4;
	v4 =	vld [tilespmem:s8+$0xFFFFFFF0]  }
0x177: {  	[tilespmem:s6+$0x0] =	vst v0;
	v2 =	vld [tilespmem:s14+$0xFFFFFFF0];
	v11 =	vadd.f32 v11, v1;
	v12 =	vmul.f32 $8.000000000e+00, v63  }
0x178: {  	s24 =	sor.u32 $0x80, s10;
	[tilespmem:s6+$0xFFFFFE80] =	vst v5;
	v5 =	vld [tilespmem:s23+$0xE0];
	v7 =	vmul.f32 $8.000000000e+00, v3  }
0x179: {  	s25 =	simm.s32 $0x4;
	v0 =	vmul.f32 $8.000000000e+00, v8;
	s26 =	simm.s32 $0xEDF0;
	v1 =	vmul.f32 $8.000000000e+00, v9;
	v3 =	vld [tilespmem:s14+$0x70];
	s14 =	smov.u32 s23;
	[tilespmem:s7+$0xFFFFFE60] =	vst v11;
	v8 =	vadd.f32 v10, v12  }
.LBB2_5:
0x17a: {  	v9 =	vld [tilespmem:s26+$0xFFFFFF90];
	s25 =	sadd.s32 $0x4, s25;
	v6 =	vadd.f32 v6, v7  }
0x17b: {  	s23 =	sadd.s32 $0x200, s23;
	v7 =	vld [tilespmem:s26+$0xFFFFFE90];
	p2 =	slt.u32 s25, $0x3C;
	[tilespmem:s7+$0xFFFFFEE0] =	vst v8;
	v4 =	vmul.f32 $8.000000000e+00, v4  }
0x17c: {  	v8 =	vld [tilespmem:s23+$0x80];
	[tilespmem:s7+$0xFFFFFF60] =	vst v6;
	v0 =	vadd.f32 v2, v0  }
0x17d: {  	v2 =	vld [tilespmem:s26+$0xFFFFFF10];
	v4 =	vadd.f32 v5, v4  }
0x17e: {  	v5 =	vld [tilespmem:s26+$0xFFFFFE10];
	[tilespmem:s6+$0xFFFFFF00] =	vst v0;
	v0 =	vadd.f32 v3, v1  }
0x17f: {  	v1 =	vld [tilespmem:s23+$0xFFFFFF00];
	v3 =	vmul.f32 $8.000000000e+00, v9;
	[tilespmem:s7+$0xFFFFFFF0] =	vst v4  }
0x180: {  	v4 =	vmul.f32 $8.000000000e+00, v7;
	v6 =	vld [tilespmem:s8+$0x0];
	[tilespmem:s6+$0xFFFFFF80] =	vst v0;
	s6 =	smov.u32 s7  }
0x181: {  	v0 =	vld [tilespmem:s23+$0xFFFFFF80];
	v3 =	vadd.f32 v8, v3  }
0x182: {  	s7 =	sadd.s32 $0x200, s7;
	v2 =	vmul.f32 $8.000000000e+00, v2;
	v7 =	vld [tilespmem:s14+$0xF0]  }
0x183: {  	v5 =	vmul.f32 $8.000000000e+00, v5;
	v8 =	vld [tilespmem:s23+$0x0];
	[tilespmem:s7+$0xFFFFFF90] =	vst v3  }
0x184: {  	v3 =	vld [tilespmem:s26+$0xFFFFFFA0]  }
0x185: {  	v1 =	vadd.f32 v1, v5;
	v5 =	vld [tilespmem:s8+$0xFFFFFE70];
	v6 =	vmul.f32 $8.000000000e+00, v6  }
0x186: {  	v0 =	vadd.f32 v0, v4;
	v4 =	vld [tilespmem:s23+$0x90]  }
0x187: {  	[tilespmem:s7+$0xFFFFFE10] =	vst v1;
	v1 =	vld [tilespmem:s8+$0xFFFFFEF0];
	v6 =	vadd.f32 v7, v6  }
0x188: {  	v7 =	vld [tilespmem:s26+$0xFFFFFE20];
	[tilespmem:s7+$0xFFFFFE90] =	vst v0;
	v0 =	vadd.f32 v8, v2  }
0x189: {  	v2 =	vld [tilespmem:s26+$0xFFFFFEA0];
	v3 =	vmul.f32 $8.000000000e+00, v3;
	[tilespmem:s6+$0x0] =	vst v6  }
0x18a: {  	v6 =	vld [tilespmem:s23+$0xFFFFFF10];
	[tilespmem:s7+$0xFFFFFF10] =	vst v0;
	v0 =	vmul.f32 $8.000000000e+00, v5  }
0x18b: {  	v5 =	vld [tilespmem:s26+$0xFFFFFF20];
	v3 =	vadd.f32 v4, v3  }
0x18c: {  	v4 =	vld [tilespmem:s23+$0xFFFFFF90];
	v1 =	vmul.f32 $8.000000000e+00, v1  }
0x18d: {  	v7 =	vmul.f32 $8.000000000e+00, v7;
	v8 =	vld [tilespmem:s23+$0x10];
	[tilespmem:s7+$0xFFFFFFA0] =	vst v3  }
0x18e: {  	v2 =	vmul.f32 $8.000000000e+00, v2;
	v3 =	vld [tilespmem:s26+$0xFFFFFFB0]  }
0x18f: {  	v6 =	vadd.f32 v6, v7;
	v7 =	vld [tilespmem:s8+$0xFFFFFF70]  }
0x190: {  	v5 =	vmul.f32 $8.000000000e+00, v5;
	v9 =	vld [tilespmem:s23+$0xA0]  }
0x191: {  	[tilespmem:s7+$0xFFFFFE20] =	vst v6;
	v2 =	vadd.f32 v4, v2;
	v4 =	vld [tilespmem:s14+$0xFFFFFF60]  }
0x192: {  	v6 =	vld [tilespmem:s26+$0xFFFFFE30];
	v5 =	vadd.f32 v8, v5  }
0x193: {  	v8 =	vld [tilespmem:s23+$0xFFFFFF20];
	[tilespmem:s7+$0xFFFFFEA0] =	vst v2;
	v2 =	vmul.f32 $8.000000000e+00, v3  }
0x194: {  	v3 =	vld [tilespmem:s26+$0xFFFFFEB0];
	[tilespmem:s7+$0xFFFFFF20] =	vst v5;
	v5 =	vmul.f32 $8.000000000e+00, v7  }
0x195: {  	v7 =	vld [tilespmem:s26+$0xFFFFFF30];
	v2 =	vadd.f32 v9, v2  }
0x196: {  	v9 =	vld [tilespmem:s23+$0xFFFFFFA0];
	v0 =	vadd.f32 v4, v0  }
0x197: {  	v4 =	vmul.f32 $8.000000000e+00, v6;
	v6 =	vld [tilespmem:s23+$0x20];
	[tilespmem:s7+$0xFFFFFFB0] =	vst v2  }
0x198: {  	v2 =	vld [tilespmem:s26+$0xFFFFFFC0];
	[tilespmem:s6+$0xFFFFFE70] =	vst v0  }
0x199: {  	v0 =	vadd.f32 v8, v4;
	v3 =	vmul.f32 $8.000000000e+00, v3;
	v4 =	vld [tilespmem:s14+$0xFFFFFFE0]  }
0x19a: {  	v7 =	vmul.f32 $8.000000000e+00, v7;
	v8 =	vld [tilespmem:s23+$0xB0]  }
0x19b: {  	[tilespmem:s7+$0xFFFFFE30] =	vst v0;
	v0 =	vadd.f32 v9, v3;
	v3 =	vld [tilespmem:s14+$0x60]  }
0x19c: {  	v9 =	vld [tilespmem:s26+$0xFFFFFE40];
	v6 =	vadd.f32 v6, v7  }
0x19d: {  	v7 =	vld [tilespmem:s23+$0xFFFFFF30];
	[tilespmem:s7+$0xFFFFFEB0] =	vst v0;
	v0 =	vmul.f32 $8.000000000e+00, v2  }
0x19e: {  	v2 =	vld [tilespmem:s26+$0xFFFFFEC0];
	[tilespmem:s7+$0xFFFFFF30] =	vst v6;
	v1 =	vadd.f32 v4, v1  }
0x19f: {  	v4 =	vld [tilespmem:s26+$0xFFFFFF40];
	v0 =	vadd.f32 v8, v0  }
0x1a0: {  	v6 =	vld [tilespmem:s23+$0xFFFFFFB0];
	[tilespmem:s6+$0xFFFFFEF0] =	vst v1;
	v1 =	vadd.f32 v3, v5  }
0x1a1: {  	v3 =	vmul.f32 $8.000000000e+00, v9;
	v5 =	vld [tilespmem:s23+$0x30];
	[tilespmem:s7+$0xFFFFFFC0] =	vst v0  }
0x1a2: {  	v0 =	vld [tilespmem:s26+$0xFFFFFFD0];
	[tilespmem:s6+$0xFFFFFF70] =	vst v1  }
0x1a3: {  	v1 =	vadd.f32 v7, v3;
	v2 =	vmul.f32 $8.000000000e+00, v2;
	v3 =	vld [tilespmem:s8+$0xFFFFFE80]  }
0x1a4: {  	v4 =	vmul.f32 $8.000000000e+00, v4;
	v7 =	vld [tilespmem:s23+$0xC0]  }
0x1a5: {  	[tilespmem:s7+$0xFFFFFE40] =	vst v1;
	v1 =	vadd.f32 v6, v2;
	v2 =	vld [tilespmem:s8+$0xFFFFFF00]  }
0x1a6: {  	v6 =	vld [tilespmem:s26+$0xFFFFFE50];
	v4 =	vadd.f32 v5, v4  }
0x1a7: {  	v5 =	vld [tilespmem:s23+$0xFFFFFF40];
	[tilespmem:s7+$0xFFFFFEC0] =	vst v1;
	v0 =	vmul.f32 $8.000000000e+00, v0  }
0x1a8: {  	v1 =	vld [tilespmem:s26+$0xFFFFFED0];
	[tilespmem:s7+$0xFFFFFF40] =	vst v4;
	v3 =	vmul.f32 $8.000000000e+00, v3  }
0x1a9: {  	v4 =	vld [tilespmem:s26+$0xFFFFFF50];
	v7 =	vadd.f32 v7, v0  }
0x1aa: {  	v8 =	vld [tilespmem:s23+$0xFFFFFFC0];
	v0 =	vmul.f32 $8.000000000e+00, v2  }
0x1ab: {  	v2 =	vmul.f32 $8.000000000e+00, v6;
	v6 =	vld [tilespmem:s23+$0x40];
	[tilespmem:s7+$0xFFFFFFD0] =	vst v7  }
0x1ac: {  	v7 =	vld [tilespmem:s26+$0xFFFFFFE0]  }
0x1ad: {  	v2 =	vadd.f32 v5, v2;
	v1 =	vmul.f32 $8.000000000e+00, v1;
	v5 =	vld [tilespmem:s8+$0xFFFFFF80];
	s8 =	smov.u32 s26  }
0x1ae: {  	v4 =	vmul.f32 $8.000000000e+00, v4;
	v9 =	vld [tilespmem:s23+$0xD0]  }
0x1af: {  	[tilespmem:s7+$0xFFFFFE50] =	vst v2;
	v1 =	vadd.f32 v8, v1;
	v2 =	vld [tilespmem:s14+$0xFFFFFF70]  }
0x1b0: {  	v8 =	vld [tilespmem:s26+$0xFFFFFE60];
	v4 =	vadd.f32 v6, v4  }
0x1b1: {  	v10 =	vld [tilespmem:s23+$0xFFFFFF50];
	[tilespmem:s7+$0xFFFFFED0] =	vst v1;
	v6 =	vmul.f32 $8.000000000e+00, v7  }
0x1b2: {  	v7 =	vld [tilespmem:s26+$0xFFFFFEE0];
	[tilespmem:s7+$0xFFFFFF50] =	vst v4;
	v1 =	vmul.f32 $8.000000000e+00, v5  }
0x1b3: {  	v5 =	vld [tilespmem:s26+$0xFFFFFF60];
	v4 =	vadd.f32 v9, v6  }
0x1b4: {  	v9 =	vld [tilespmem:s23+$0xFFFFFFD0];
	v2 =	vadd.f32 v2, v3  }
.Ltmp1:
0x1b5: {  	v3 =	vmul.f32 $8.000000000e+00, v8;
	v6 =	vld [tilespmem:s23+$0x50];
	[tilespmem:s7+$0xFFFFFFE0] =	vst v4;
	(pc) =	sbr.rel @p2 .LBB2_5-.Ltmp1, $4  }
0x1b6: {  	v4 =	vld [tilespmem:s26+$0xFFFFFFF0];
	[tilespmem:s6+$0xFFFFFE80] =	vst v2  }
0x1b7: {  	v3 =	vadd.f32 v10, v3;
	v8 =	vmul.f32 $8.000000000e+00, v7;
	v2 =	vld [tilespmem:s14+$0xFFFFFFF0]  }
0x1b8: {  	v7 =	vmul.f32 $8.000000000e+00, v5;
	v5 =	vld [tilespmem:s23+$0xE0]  }
0x1b9: {  	s26 =	sadd.s32 $0x200, s26;
	[tilespmem:s7+$0xFFFFFE60] =	vst v3;
	v8 =	vadd.f32 v9, v8;
	v3 =	vld [tilespmem:s14+$0x70];
	s14 =	smov.u32 s23  }
0x1ba: {  	v6 =	vadd.f32 v6, v7;
	v7 =	vld [tilespmem:s8+$0xFFFFFE70]  }
0x1bb: {  	v9 =	vld [tilespmem:s14+$0xFFFFFF60];
	[tilespmem:s7+$0xFFFFFEE0] =	vst v8  }
0x1bc: {  	[tilespmem:s7+$0xFFFFFF60] =	vst v6;
	v6 =	vld [tilespmem:s8+$0xFFFFFEF0]  }
0x1bd: {  	v4 =	vmul.f32 $8.000000000e+00, v4;
	v8 =	vld [tilespmem:s8+$0xFFFFFF70]  }
0x1be: {  	v10 =	vld [tilespmem:s14+$0xFFFFFFE0]  }
0x1bf: {  	v11 =	vld [tilespmem:s14+$0x60];
	v4 =	vadd.f32 v5, v4;
	v5 =	vmul.f32 $8.000000000e+00, v7;
	_ =	sdelay $0x1  }
0x1c0: {  	[tilespmem:s7+$0xFFFFFFF0] =	vst v4;
	v6 =	vmul.f32 $8.000000000e+00, v6;
	v5 =	vadd.f32 v9, v5  }
0x1c1: {  	v7 =	vld [tilespmem:s8+$0x0];
	v4 =	vmul.f32 $8.000000000e+00, v8  }
0x1c2: {  	v8 =	vld [tilespmem:s14+$0xF0];
	v6 =	vadd.f32 v10, v6;
	[tilespmem:s7+$0xFFFFFE70] =	vst v5  }
0x1c3: {  	v4 =	vadd.f32 v11, v4;
	v5 =	vld [tilespmem:s8+$0xFFFFFE80]  }
0x1c4: {  	v9 =	vld [tilespmem:s14+$0xFFFFFF70];
	[tilespmem:s7+$0xFFFFFEF0] =	vst v6  }
0x1c5: {  	[tilespmem:s7+$0xFFFFFF70] =	vst v4;
	v4 =	vld [tilespmem:s8+$0xFFFFFF00]  }
0x1c6: {  	v6 =	vld [tilespmem:s8+$0xFFFFFF80]  }
0x1c7: {  	v10 =	vld [tilespmem:s14+$0xFFFFFFF0]  }
0x1c8: {  	v0 =	vadd.f32 v2, v0;
	v2 =	vmul.f32 $8.000000000e+00, v7;
	v7 =	vld [tilespmem:s14+$0x70]  }
0x1c9: {  	v1 =	vadd.f32 v3, v1;
	v3 =	vmul.f32 $8.000000000e+00, v5  }
0x1ca: {  	[tilespmem:s6+$0xFFFFFF00] =	vst v0;
	v0 =	vadd.f32 v8, v2;
	v2 =	vmul.f32 $8.000000000e+00, v4  }
0x1cb: {  	[tilespmem:s6+$0xFFFFFF80] =	vst v1;
	v3 =	vadd.f32 v9, v3;
	v1 =	vmul.f32 $8.000000000e+00, v6  }
0x1cc: {  	[tilespmem:s7+$0x0] =	vst v0;
	v0 =	vadd.f32 v10, v2  }
0x1cd: {  	[tilespmem:s7+$0xFFFFFE80] =	vst v3;
	v1 =	vadd.f32 v7, v1  }
0x1ce: {  	s26 =	sadd.s32 s4, s24;
	[tilespmem:s7+$0xFFFFFF00] =	vst v0  }
0x1cf: {  	s6 =	sadd.s32 @!p1 $0x280, s11;
	s8 =	simm.s32 @!p1 $0xE800;
	[tilespmem:s7+$0xFFFFFF80] =	vst v1;
	s7 =	simm.s32 @!p1 $0x80  }
0x1d0: {  	[tilespmem:s8], [sflag:$0x2] =	stream.indirect.gather @!p1 [hbm4b:s5+s7], $0x40, s6, s7, $0xb8;
	[tilespmem:$0x1C800] =	vst v63  }
0x1d1: {  	s6 =	sshll.u32 s26, $0x3  }
0x1d2: {  	s6 =	sand.u32 $0x1FFFF400, s6  }
0x1d3: {  	s6 =	sadd.s32 s2, s6  }
0x1d4: {  	[hbm4b:s6+s3] =	stream.linear.scatter [tilespmem:s18], [sflag:$0x6], $0x2000, $0x38;
	[tilespmem:$0x1C800] =	vst v63  }
0x1d5: {  	_ =	swait.ge [sflag:s19], $0x2000  }
0x1d6: {  	[sflag:s19] =	ssyncset.done $0x0  }
0x1d7: {  	v0 =	vmov s13;
	s6 =	simm.s32 @!p0 $0x7;
	[sflag:s19] =	ssyncadd.s32 $0xFFFFE000  }
0x1d8: {  	_ =	swait.ge @!p0 [sflag:s6], $0x2000  }
0x1d9: {  	[sflag:s6] =	ssyncset.done @!p0 $0x0  }
0x1da: {  	s13 =	simm.s32 $0x0;
	[sflag:s6] =	ssyncadd.s32 @!p0 $0xFFFFE000  }
0x1db: {  	v1 =	vld [tilespmem:s13+$0x10980]  }
0x1dc: {  	v2 =	vld.idx.msk [tilespmem:v0+s13+$0x180 ss:$0x1], $0xffff  }
0x1dd: {  	v4 =	vld [tilespmem:s13+$0x10880]  }
0x1de: {  	v5 =	vld [tilespmem:s13+$0x10900]  }
0x1df: {  	v6 =	vld.idx.msk [tilespmem:v0+s13+$0x0 ss:$0x1], $0xffff  }
0x1e0: {  	v7 =	vld.idx.msk [tilespmem:v0+s13+$0x80 ss:$0x1], $0xffff;
	v1 =	vmul.f32 $8.000000000e+00, v1  }
0x1e1: {  	v8 =	vld.idx.msk [tilespmem:v0+s13+$0x100 ss:$0x1], $0xffff  }
0x1e2: {  	v9 =	vld [tilespmem:s13+$0x10890];
	v1 =	vadd.f32 v2, v1  }
0x1e3: {  	v10 =	vld [tilespmem:s13+$0x108A0]  }
0x1e4: {  	[tilespmem:s13+$0x18980] =	vst v1;
	v1 =	vld [tilespmem:s13+$0x10990]  }
0x1e5: {  	v2 =	vld [tilespmem:s13+$0x10800]  }
0x1e6: {  	v3 =	vld.idx.msk [tilespmem:v0+s13+$0x190 ss:$0x1], $0xffff  }
0x1e7: {  	v11 =	vld [tilespmem:s13+$0x10930]  }
0x1e8: {  	v12 =	vld [tilespmem:s13+$0x10850]  }
0x1e9: {  	s6 =	simm.s32 $0x200;
	v13 =	vld [tilespmem:s13+$0x10950];
	v1 =	vmul.f32 $8.000000000e+00, v1  }
0x1ea: {  	v17 =	vld [tilespmem:s6+$0x10900]  }
0x1eb: {  	v18 =	vld.idx.msk [tilespmem:v0+s6+$0x80 ss:$0x1], $0xffff;
	v2 =	vmul.f32 $8.000000000e+00, v2;
	v1 =	vadd.f32 v3, v1  }
0x1ec: {  	v19 =	vld.idx.msk [tilespmem:v0+s6+$0x100 ss:$0x1], $0xffff  }
0x1ed: {  	v2 =	vadd.f32 v6, v2;
	[tilespmem:s13+$0x18990] =	vst v1;
	v1 =	vmul.f32 $8.000000000e+00, v4;
	v4 =	vld [tilespmem:s13+$0x109A0]  }
0x1ee: {  	v3 =	vld [tilespmem:s13+$0x10810]  }
0x1ef: {  	v5 =	vmul.f32 $8.000000000e+00, v5;
	[tilespmem:s13+$0x18800] =	vst v2;
	v2 =	vld.idx.msk [tilespmem:v0+s13+$0x1A0 ss:$0x1], $0xffff  }
0x1f0: {  	v1 =	vadd.f32 v7, v1;
	v7 =	vld.idx.msk [tilespmem:v0+s13+$0x10 ss:$0x1], $0xffff  }
0x1f1: {  	v20 =	vld [tilespmem:s6+$0x10810];
	v5 =	vadd.f32 v8, v5  }
0x1f2: {  	v6 =	vld [tilespmem:s13+$0x10910];
	[tilespmem:s13+$0x18880] =	vst v1;
	v4 =	vmul.f32 $8.000000000e+00, v4  }
0x1f3: {  	[tilespmem:s13+$0x18900] =	vst v5;
	v3 =	vmul.f32 $8.000000000e+00, v3;
	v1 =	vld.idx.msk [tilespmem:v0+s13+$0x90 ss:$0x1], $0xffff  }
0x1f4: {  	v5 =	vld.idx.msk [tilespmem:v0+s13+$0x110 ss:$0x1], $0xffff;
	v2 =	vadd.f32 v2, v4  }
0x1f5: {  	v21 =	vld [tilespmem:s6+$0x108A0];
	v3 =	vadd.f32 v7, v3  }
0x1f6: {  	v8 =	vld [tilespmem:s13+$0x10820];
	v7 =	vmul.f32 $8.000000000e+00, v9;
	[tilespmem:s13+$0x189A0] =	vst v2  }
0x1f7: {  	v2 =	vmul.f32 $8.000000000e+00, v6;
	[tilespmem:s13+$0x18810] =	vst v3;
	v3 =	vld [tilespmem:s13+$0x109B0]  }
0x1f8: {  	v1 =	vadd.f32 v1, v7;
	v6 =	vld.idx.msk [tilespmem:v0+s13+$0x20 ss:$0x1], $0xffff  }
0x1f9: {  	v2 =	vadd.f32 v5, v2;
	v5 =	vld.idx.msk [tilespmem:v0+s13+$0x1B0 ss:$0x1], $0xffff  }
0x1fa: {  	v22 =	vld [tilespmem:s6+$0x10830];
	[tilespmem:s13+$0x18890] =	vst v1  }
0x1fb: {  	v1 =	vmul.f32 $8.000000000e+00, v8;
	v8 =	vld.idx.msk [tilespmem:v0+s13+$0xA0 ss:$0x1], $0xffff  }
0x1fc: {  	v7 =	vld [tilespmem:s13+$0x10920];
	v3 =	vmul.f32 $8.000000000e+00, v3  }
0x1fd: {  	v55 =	vld [tilespmem:s6+$0x10930];
	v1 =	vadd.f32 v6, v1  }
0x1fe: {  	v4 =	vld [tilespmem:s13+$0x10830];
	[tilespmem:s13+$0x18910] =	vst v2;
	v3 =	vadd.f32 v5, v3;
	v5 =	vmul.f32 $8.000000000e+00, v10  }
0x1ff: {  	v2 =	vld.idx.msk [tilespmem:v0+s13+$0x120 ss:$0x1], $0xffff;
	[tilespmem:s13+$0x18820] =	vst v1  }
0x200: {  	v9 =	vld [tilespmem:s13+$0x108B0];
	[tilespmem:s13+$0x189B0] =	vst v3;
	v3 =	vadd.f32 v8, v5  }
0x201: {  	v1 =	vmul.f32 $8.000000000e+00, v7;
	v7 =	vld.idx.msk [tilespmem:v0+s13+$0x30 ss:$0x1], $0xffff  }
0x202: {  	v5 =	vld [tilespmem:s13+$0x109C0];
	[tilespmem:s13+$0x188A0] =	vst v3  }
0x203: {  	v8 =	vld.idx.msk [tilespmem:v0+s13+$0xB0 ss:$0x1], $0xffff  }
0x204: {  	v56 =	vld [tilespmem:s6+$0x108C0];
	v4 =	vmul.f32 $8.000000000e+00, v4;
	v1 =	vadd.f32 v2, v1  }
0x205: {  	v3 =	vld.idx.msk [tilespmem:v0+s13+$0x1C0 ss:$0x1], $0xffff  }
0x206: {  	v23 =	vld [tilespmem:s6+$0x10850];
	[tilespmem:s13+$0x18920] =	vst v1;
	v4 =	vadd.f32 v7, v4;
	v7 =	vmul.f32 $8.000000000e+00, v9  }
0x207: {  	v1 =	vld.idx.msk [tilespmem:v0+s13+$0x130 ss:$0x1], $0xffff  }
0x208: {  	v6 =	vld [tilespmem:s13+$0x10840];
	v5 =	vmul.f32 $8.000000000e+00, v5;
	v7 =	vadd.f32 v8, v7  }
0x209: {  	v10 =	vld [tilespmem:s13+$0x108C0];
	[tilespmem:s13+$0x18830] =	vst v4  }
0x20a: {  	v4 =	vadd.f32 v3, v5;
	v5 =	vmul.f32 $8.000000000e+00, v11;
	[tilespmem:s13+$0x188B0] =	vst v7;
	v7 =	vld [tilespmem:s13+$0x109D0]  }
0x20b: {  	v11 =	vld.idx.msk [tilespmem:v0+s13+$0xC0 ss:$0x1], $0xffff  }
0x20c: {  	v2 =	vld [tilespmem:s13+$0x10940];
	[tilespmem:s13+$0x189C0] =	vst v4;
	v1 =	vadd.f32 v1, v5  }
0x20d: {  	v14 =	vld.idx.msk [tilespmem:v0+s13+$0x1D0 ss:$0x1], $0xffff  }
0x20e: {  	v58 =	vld [tilespmem:s6+$0x108D0];
	v10 =	vmul.f32 $8.000000000e+00, v10;
	[tilespmem:s13+$0x18930] =	vst v1  }
0x20f: {  	v1 =	vmul.f32 $8.000000000e+00, v6;
	v6 =	vld.idx.msk [tilespmem:v0+s13+$0x140 ss:$0x1], $0xffff  }
0x210: {  	v59 =	vld [tilespmem:s6+$0x108E0];
	v7 =	vmul.f32 $8.000000000e+00, v7;
	v10 =	vadd.f32 v11, v10  }
0x211: {  	v9 =	vld [tilespmem:s13+$0x108D0]  }
0x212: {  	v60 =	vld [tilespmem:s6+$0x10870];
	v15 =	vmul.f32 $8.000000000e+00, v2;
	v7 =	vadd.f32 v14, v7;
	[tilespmem:s13+$0x188C0] =	vst v10  }
0x213: {  	v10 =	vld.idx.msk [tilespmem:v0+s13+$0xD0 ss:$0x1], $0xffff  }
0x214: {  	v6 =	vadd.f32 v6, v15;
	[tilespmem:s13+$0x189D0] =	vst v7;
	v7 =	vld [tilespmem:s13+$0x109E0]  }
0x215: {  	v14 =	vld [tilespmem:s6+$0x10980]  }
0x216: {  	v9 =	vmul.f32 $8.000000000e+00, v9;
	[tilespmem:s13+$0x18940] =	vst v6;
	v6 =	vmul.f32 $8.000000000e+00, v12;
	v12 =	vld.idx.msk [tilespmem:v0+s13+$0x1E0 ss:$0x1], $0xffff  }
0x217: {  	v61 =	vld [tilespmem:s6+$0x10970]  }
0x218: {  	v9 =	vadd.f32 v10, v9;
	v10 =	vld.idx.msk [tilespmem:v0+s6+$0x180 ss:$0x1], $0xffff  }
0x219: {  	v62 =	vld [tilespmem:s6+$0x109E0];
	v7 =	vmul.f32 $8.000000000e+00, v7  }
0x21a: {  	v2 =	vld [tilespmem:s13+$0x108F0]  }
0x21b: {  	v3 =	vld [tilespmem:s13+$0x10860];
	v7 =	vadd.f32 v12, v7;
	v12 =	vmul.f32 $8.000000000e+00, v14  }
0x21c: {  	v8 =	vld.idx.msk [tilespmem:v0+s13+$0x40 ss:$0x1], $0xffff  }
0x21d: {  	v15 =	vld.idx.msk [tilespmem:v0+s6+$0x0 ss:$0x1], $0xffff;
	v10 =	vadd.f32 v10, v12  }
0x21e: {  	v12 =	vld [tilespmem:s6+$0x10800]  }
0x21f: {  	[tilespmem:s6+$0x18980] =	vst v10;
	v10 =	vld [tilespmem:s6+$0x10990]  }
0x220: {  	v14 =	vld [tilespmem:s6+$0x10880]  }
0x221: {  	v16 =	vld.idx.msk [tilespmem:v0+s6+$0x190 ss:$0x1], $0xffff  }
0x222: {  	v5 =	vld [tilespmem:s13+$0x108E0];
	v8 =	vadd.f32 v8, v1  }
0x223: {  	v4 =	vld [tilespmem:s13+$0x10960];
	v12 =	vmul.f32 $8.000000000e+00, v12  }
0x224: {  	v1 =	vld [tilespmem:s13+$0x10870];
	[tilespmem:s13+$0x18840] =	vst v8;
	v10 =	vmul.f32 $8.000000000e+00, v10  }
0x225: {  	v8 =	vld.idx.msk [tilespmem:v0+s13+$0x50 ss:$0x1], $0xffff;
	v12 =	vadd.f32 v15, v12  }
0x226: {  	v14 =	vmul.f32 $8.000000000e+00, v14;
	v15 =	vld [tilespmem:s6+$0x10890];
	v10 =	vadd.f32 v16, v10  }
0x227: {  	v16 =	vld [tilespmem:s6+$0x10910];
	[tilespmem:s6+$0x18800] =	vst v12  }
0x228: {  	v12 =	vmul.f32 $8.000000000e+00, v17;
	[tilespmem:s6+$0x18990] =	vst v10;
	v10 =	vadd.f32 v18, v14;
	v14 =	vld [tilespmem:s6+$0x109A0]  }
0x229: {  	v18 =	vld.idx.msk [tilespmem:v0+s6+$0x10 ss:$0x1], $0xffff  }
0x22a: {  	v12 =	vadd.f32 v19, v12;
	[tilespmem:s6+$0x18880] =	vst v10;
	v10 =	vld.idx.msk [tilespmem:v0+s6+$0x1A0 ss:$0x1], $0xffff  }
0x22b: {  	v19 =	vld.idx.msk [tilespmem:v0+s6+$0x90 ss:$0x1], $0xffff  }
0x22c: {  	v11 =	vld.idx.msk [tilespmem:v0+s13+$0x150 ss:$0x1], $0xffff;
	[tilespmem:s6+$0x18900] =	vst v12;
	v12 =	vmul.f32 $8.000000000e+00, v20  }
0x22d: {  	v53 =	vld.idx.msk [tilespmem:v0+s6+$0x110 ss:$0x1], $0xffff;
	v14 =	vmul.f32 $8.000000000e+00, v14  }
0x22e: {  	v8 =	vadd.f32 v8, v6;
	v6 =	vld [tilespmem:s13+$0x10970];
	v15 =	vmul.f32 $8.000000000e+00, v15;
	v12 =	vadd.f32 v18, v12  }
0x22f: {  	v17 =	vld [tilespmem:s6+$0x10820];
	v10 =	vadd.f32 v10, v14  }
0x230: {  	v18 =	vld [tilespmem:s6+$0x10920];
	v14 =	vmul.f32 $8.000000000e+00, v16;
	[tilespmem:s6+$0x18810] =	vst v12;
	v15 =	vadd.f32 v19, v15  }
0x231: {  	v16 =	vld.idx.msk [tilespmem:v0+s6+$0x20 ss:$0x1], $0xffff;
	[tilespmem:s6+$0x189A0] =	vst v10  }
0x232: {  	v10 =	vadd.f32 v53, v14;
	v14 =	vld [tilespmem:s6+$0x109B0];
	[tilespmem:s6+$0x18890] =	vst v15  }
0x233: {  	v15 =	vld.idx.msk [tilespmem:v0+s6+$0xA0 ss:$0x1], $0xffff  }
0x234: {  	v13 =	vmul.f32 $8.000000000e+00, v13;
	[tilespmem:s6+$0x18910] =	vst v10;
	v10 =	vld.idx.msk [tilespmem:v0+s6+$0x1B0 ss:$0x1], $0xffff  }
0x235: {  	[tilespmem:s13+$0x18850] =	vst v8;
	v17 =	vmul.f32 $8.000000000e+00, v17;
	v19 =	vld.idx.msk [tilespmem:v0+s6+$0x120 ss:$0x1], $0xffff  }
0x236: {  	v54 =	vmul.f32 $8.000000000e+00, v21;
	v8 =	vadd.f32 v11, v13;
	v11 =	vld.idx.msk [tilespmem:v0+s13+$0x60 ss:$0x1], $0xffff;
	[tilespmem:s13+$0x188D0] =	vst v9  }
0x237: {  	v9 =	vld.idx.msk [tilespmem:v0+s13+$0xE0 ss:$0x1], $0xffff;
	v16 =	vadd.f32 v16, v17;
	v14 =	vmul.f32 $8.000000000e+00, v14  }
0x238: {  	[tilespmem:s13+$0x18950] =	vst v8;
	v8 =	vld [tilespmem:s13+$0x109F0];
	v18 =	vmul.f32 $8.000000000e+00, v18;
	v15 =	vadd.f32 v15, v54  }
0x239: {  	v12 =	vld [tilespmem:s6+$0x108B0];
	[tilespmem:s6+$0x18820] =	vst v16;
	v10 =	vadd.f32 v10, v14  }
0x23a: {  	v14 =	vadd.f32 v19, v18;
	v18 =	vld.idx.msk [tilespmem:v0+s6+$0x30 ss:$0x1], $0xffff;
	[tilespmem:s6+$0x188A0] =	vst v15  }
0x23b: {  	[tilespmem:s6+$0x189B0] =	vst v10;
	v10 =	vld [tilespmem:s6+$0x109C0]  }
0x23c: {  	v15 =	vld.idx.msk [tilespmem:v0+s6+$0xB0 ss:$0x1], $0xffff;
	[tilespmem:s6+$0x18920] =	vst v14  }
0x23d: {  	v19 =	vld.idx.msk [tilespmem:v0+s6+$0x130 ss:$0x1], $0xffff  }
0x23e: {  	v13 =	vld.idx.msk [tilespmem:v0+s13+$0x160 ss:$0x1], $0xffff;
	v14 =	vmul.f32 $8.000000000e+00, v22  }
0x23f: {  	[tilespmem:s13+$0x189E0] =	vst v7;
	v12 =	vmul.f32 $8.000000000e+00, v12;
	v57 =	vld.idx.msk [tilespmem:v0+s6+$0x1C0 ss:$0x1], $0xffff  }
0x240: {  	v7 =	vld.idx.msk [tilespmem:v0+s13+$0x1F0 ss:$0x1], $0xffff;
	v14 =	vadd.f32 v18, v14;
	v18 =	vmul.f32 $8.000000000e+00, v55  }
0x241: {  	v3 =	vmul.f32 $8.000000000e+00, v3;
	v17 =	vld [tilespmem:s6+$0x10840];
	v12 =	vadd.f32 v15, v12  }
0x242: {  	v16 =	vld [tilespmem:s6+$0x10940];
	v10 =	vmul.f32 $8.000000000e+00, v10;
	[tilespmem:s6+$0x18830] =	vst v14;
	v18 =	vadd.f32 v19, v18  }
0x243: {  	v3 =	vadd.f32 v11, v3;
	v19 =	vld.idx.msk [tilespmem:v0+s6+$0x40 ss:$0x1], $0xffff;
	[tilespmem:s6+$0x188B0] =	vst v12  }
0x244: {  	v10 =	vadd.f32 v57, v10;
	v12 =	vld.idx.msk [tilespmem:v0+s6+$0xC0 ss:$0x1], $0xffff;
	[tilespmem:s6+$0x18930] =	vst v18  }
0x245: {  	[tilespmem:s13+$0x18860] =	vst v3;
	v18 =	vld.idx.msk [tilespmem:v0+s6+$0x140 ss:$0x1], $0xffff  }
0x246: {  	v17 =	vmul.f32 $8.000000000e+00, v17;
	[tilespmem:s6+$0x189C0] =	vst v10;
	v10 =	vld [tilespmem:s6+$0x109D0]  }
0x247: {  	v11 =	vld.idx.msk [tilespmem:v0+s13+$0x70 ss:$0x1], $0xffff;
	v20 =	vmul.f32 $8.000000000e+00, v56  }
0x248: {  	v16 =	vmul.f32 $8.000000000e+00, v16;
	v24 =	vld.idx.msk [tilespmem:v0+s6+$0x1D0 ss:$0x1], $0xffff;
	v17 =	vadd.f32 v19, v17  }
0x249: {  	v15 =	vld [tilespmem:s6+$0x10950];
	v12 =	vadd.f32 v12, v20  }
0x24a: {  	v5 =	vmul.f32 $8.000000000e+00, v5;
	v14 =	vld [tilespmem:s6+$0x10860];
	[tilespmem:s6+$0x18840] =	vst v17;
	v16 =	vadd.f32 v18, v16  }
0x24b: {  	v10 =	vmul.f32 $8.000000000e+00, v10;
	[tilespmem:s6+$0x188C0] =	vst v12;
	v12 =	vld.idx.msk [tilespmem:v0+s6+$0x50 ss:$0x1], $0xffff  }
0x24c: {  	v4 =	vmul.f32 $8.000000000e+00, v4;
	v5 =	vadd.f32 v9, v5;
	[tilespmem:s6+$0x18940] =	vst v16;
	v16 =	vld.idx.msk [tilespmem:v0+s6+$0xD0 ss:$0x1], $0xffff  }
0x24d: {  	v8 =	vmul.f32 $8.000000000e+00, v8;
	v10 =	vadd.f32 v24, v10;
	v18 =	vld.idx.msk [tilespmem:v0+s6+$0x150 ss:$0x1], $0xffff  }
0x24e: {  	v9 =	vmul.f32 $8.000000000e+00, v23;
	v3 =	vadd.f32 v13, v4;
	[tilespmem:s13+$0x188E0] =	vst v5;
	v19 =	vld [tilespmem:s6+$0x10960]  }
0x24f: {  	v4 =	vmul.f32 $8.000000000e+00, v58;
	v8 =	vadd.f32 v7, v8;
	v17 =	vld [tilespmem:s6+$0x108F0];
	[tilespmem:s6+$0x189D0] =	vst v10  }
0x250: {  	[tilespmem:s13+$0x18960] =	vst v3;
	v5 =	vmul.f32 $8.000000000e+00, v15;
	v63 =	vld.idx.msk [tilespmem:v0+s6+$0x1E0 ss:$0x1], $0xffff;
	v10 =	vadd.f32 v12, v9  }
0x251: {  	v2 =	vmul.f32 $8.000000000e+00, v2;
	v1 =	vmul.f32 $8.000000000e+00, v1;
	[tilespmem:s13+$0x189F0] =	vst v8;
	v9 =	vld.idx.msk [tilespmem:v0+s13+$0xF0 ss:$0x1], $0xffff;
	v12 =	vadd.f32 v16, v4  }
0x252: {  	v7 =	vmul.f32 $8.000000000e+00, v60;
	v4 =	vmul.f32 $8.000000000e+00, v14;
	[tilespmem:s6+$0x18850] =	vst v10;
	v14 =	vadd.f32 v18, v5;
	v10 =	vld.idx.msk [tilespmem:v0+s13+$0x170 ss:$0x1], $0xffff  }
0x253: {  	v3 =	vmul.f32 $8.000000000e+00, v6;
	v16 =	vmul.f32 $8.000000000e+00, v62;
	[tilespmem:s6+$0x188D0] =	vst v12;
	v13 =	vld.idx.msk [tilespmem:v0+s6+$0x60 ss:$0x1], $0xffff  }
0x254: {  	v6 =	vmul.f32 $8.000000000e+00, v19;
	v8 =	vmul.f32 $8.000000000e+00, v17;
	[tilespmem:s6+$0x18950] =	vst v14;
	v15 =	vld.idx.msk [tilespmem:v0+s6+$0xE0 ss:$0x1], $0xffff  }
0x255: {  	s14 =	simm.s32 $0x1000;
	s7 =	sor.u32 $0x100, s10;
	s8 =	simm.s32 $0x4;
	v5 =	vmul.f32 $8.000000000e+00, v59;
	v12 =	vmul.f32 $8.000000000e+00, v61;
	v16 =	vadd.f32 v63, v16;
	v14 =	vld.idx.msk [tilespmem:v0+s6+$0x160 ss:$0x1], $0xffff  }
.LBB2_7:
0x256: {  	s23 =	sshra.s32 s14, $0x2;
	v17 =	vld [tilespmem:s6+$0x109F0];
	v11 =	vadd.f32 v11, v1;
	v1 =	vmov v7  }
0x257: {  	s8 =	sadd.s32 $0x4, s8;
	v9 =	vadd.f32 v9, v2;
	v2 =	vmov v8;
	v7 =	vld [tilespmem:s23+$0x10980];
	[tilespmem:s6+$0x189E0] =	vst v16  }
0x258: {  	p2 =	slt.u32 s8, $0x3C;
	v10 =	vadd.f32 v10, v3;
	v3 =	vmov v12;
	v8 =	vld.idx.msk [tilespmem:v0+s6+$0x1F0 ss:$0x1], $0xffff;
	[tilespmem:s13+$0x18870] =	vst v11  }
0x259: {  	v4 =	vadd.f32 v13, v4;
	v11 =	vld.idx.msk [tilespmem:v0+s23+$0x180 ss:$0x1], $0xffff;
	[tilespmem:s13+$0x188F0] =	vst v9  }
0x25a: {  	v5 =	vadd.f32 v15, v5;
	v9 =	vld [tilespmem:s23+$0x10800];
	[tilespmem:s13+$0x18970] =	vst v10;
	s13 =	smov.u32 s6;
	s6 =	smov.u32 s23  }
0x25b: {  	v10 =	vld [tilespmem:s6+$0x10880];
	[tilespmem:s13+$0x18860] =	vst v4;
	v4 =	vadd.f32 v14, v6  }
0x25c: {  	v6 =	vld [tilespmem:s6+$0x10900];
	[tilespmem:s13+$0x188E0] =	vst v5;
	v5 =	vmul.f32 $8.000000000e+00, v17  }
0x25d: {  	v7 =	vmul.f32 $8.000000000e+00, v7;
	v12 =	vld.idx.msk [tilespmem:v0+s6+$0x0 ss:$0x1], $0xffff;
	[tilespmem:s13+$0x18960] =	vst v4  }
0x25e: {  	v4 =	vld.idx.msk [tilespmem:v0+s6+$0x80 ss:$0x1], $0xffff;
	v5 =	vadd.f32 v8, v5  }
0x25f: {  	v7 =	vadd.f32 v11, v7;
	v8 =	vmul.f32 $8.000000000e+00, v9;
	v9 =	vld.idx.msk [tilespmem:v0+s6+$0x100 ss:$0x1], $0xffff  }
0x260: {  	v11 =	vld [tilespmem:s6+$0x10810];
	v10 =	vmul.f32 $8.000000000e+00, v10;
	[tilespmem:s13+$0x189F0] =	vst v5  }
0x261: {  	v5 =	vmul.f32 $8.000000000e+00, v6;
	[tilespmem:s6+$0x18980] =	vst v7;
	v6 =	vld [tilespmem:s6+$0x10990]  }
0x262: {  	v7 =	vld.idx.msk [tilespmem:v0+s6+$0x190 ss:$0x1], $0xffff  }
0x263: {  	v8 =	vadd.f32 v12, v8;
	v12 =	vld [tilespmem:s6+$0x10890]  }
0x264: {  	v4 =	vadd.f32 v4, v10;
	v10 =	vld [tilespmem:s6+$0x10910]  }
0x265: {  	v5 =	vadd.f32 v9, v5;
	[tilespmem:s6+$0x18800] =	vst v8;
	v8 =	vmul.f32 $8.000000000e+00, v11;
	v11 =	vld [tilespmem:s6+$0x10820]  }
0x266: {  	v9 =	vld.idx.msk [tilespmem:v0+s6+$0x10 ss:$0x1], $0xffff;
	[tilespmem:s6+$0x18880] =	vst v4;
	v4 =	vmul.f32 $8.000000000e+00, v6  }
0x267: {  	v6 =	vld.idx.msk [tilespmem:v0+s6+$0x90 ss:$0x1], $0xffff;
	[tilespmem:s6+$0x18900] =	vst v5  }
0x268: {  	v5 =	vmul.f32 $8.000000000e+00, v12;
	v12 =	vld.idx.msk [tilespmem:v0+s6+$0x110 ss:$0x1], $0xffff;
	v4 =	vadd.f32 v7, v4  }
0x269: {  	v7 =	vld [tilespmem:s6+$0x108A0];
	v10 =	vmul.f32 $8.000000000e+00, v10  }
0x26a: {  	v11 =	vmul.f32 $8.000000000e+00, v11;
	[tilespmem:s6+$0x18990] =	vst v4;
	v4 =	vld [tilespmem:s6+$0x109A0]  }
0x26b: {  	v13 =	vld.idx.msk [tilespmem:v0+s6+$0x1A0 ss:$0x1], $0xffff  }
0x26c: {  	v8 =	vadd.f32 v9, v8;
	v9 =	vld [tilespmem:s6+$0x10920]  }
0x26d: {  	v5 =	vadd.f32 v6, v5;
	v14 =	vld [tilespmem:s6+$0x10830]  }
0x26e: {  	[tilespmem:s6+$0x18810] =	vst v8;
	v6 =	vmul.f32 $8.000000000e+00, v7;
	v7 =	vld [tilespmem:s6+$0x108B0];
	v8 =	vadd.f32 v12, v10  }
0x26f: {  	v10 =	vld.idx.msk [tilespmem:v0+s6+$0x20 ss:$0x1], $0xffff;
	[tilespmem:s6+$0x18890] =	vst v5;
	v4 =	vmul.f32 $8.000000000e+00, v4  }
0x270: {  	v5 =	vld.idx.msk [tilespmem:v0+s6+$0xA0 ss:$0x1], $0xffff;
	[tilespmem:s6+$0x18910] =	vst v8  }
0x271: {  	v8 =	vld.idx.msk [tilespmem:v0+s6+$0x120 ss:$0x1], $0xffff;
	v9 =	vmul.f32 $8.000000000e+00, v9;
	v4 =	vadd.f32 v13, v4  }
0x272: {  	v12 =	vmul.f32 $8.000000000e+00, v14;
	v13 =	vld [tilespmem:s6+$0x10930]  }
0x273: {  	v7 =	vmul.f32 $8.000000000e+00, v7;
	[tilespmem:s6+$0x189A0] =	vst v4;
	v4 =	vld [tilespmem:s6+$0x109B0]  }
0x274: {  	v14 =	vld.idx.msk [tilespmem:v0+s6+$0x1B0 ss:$0x1], $0xffff  }
0x275: {  	v10 =	vadd.f32 v10, v11;
	v11 =	vld [tilespmem:s6+$0x10840]  }
0x276: {  	v5 =	vadd.f32 v5, v6;
	v6 =	vld [tilespmem:s6+$0x108C0]  }
0x277: {  	v8 =	vadd.f32 v8, v9;
	[tilespmem:s6+$0x18820] =	vst v10;
	v9 =	vmul.f32 $8.000000000e+00, v13;
	v10 =	vld [tilespmem:s6+$0x10940]  }
0x278: {  	v13 =	vld.idx.msk [tilespmem:v0+s6+$0x30 ss:$0x1], $0xffff;
	[tilespmem:s6+$0x188A0] =	vst v5;
	v4 =	vmul.f32 $8.000000000e+00, v4  }
0x279: {  	v5 =	vld.idx.msk [tilespmem:v0+s6+$0xB0 ss:$0x1], $0xffff;
	[tilespmem:s6+$0x18920] =	vst v8  }
0x27a: {  	v8 =	vmul.f32 $8.000000000e+00, v11;
	v11 =	vld.idx.msk [tilespmem:v0+s6+$0x130 ss:$0x1], $0xffff;
	v4 =	vadd.f32 v14, v4  }
0x27b: {  	v14 =	vld [tilespmem:s6+$0x10850];
	v6 =	vmul.f32 $8.000000000e+00, v6  }
0x27c: {  	v10 =	vmul.f32 $8.000000000e+00, v10;
	[tilespmem:s6+$0x189B0] =	vst v4;
	v4 =	vld [tilespmem:s6+$0x109C0]  }
0x27d: {  	v15 =	vld.idx.msk [tilespmem:v0+s6+$0x1C0 ss:$0x1], $0xffff  }
0x27e: {  	v12 =	vadd.f32 v13, v12;
	v13 =	vld [tilespmem:s6+$0x108D0]  }
0x27f: {  	v5 =	vadd.f32 v5, v7;
	v7 =	vld [tilespmem:s6+$0x10950]  }
0x280: {  	v9 =	vadd.f32 v11, v9;
	[tilespmem:s6+$0x18830] =	vst v12;
	v12 =	vmul.f32 $8.000000000e+00, v14;
	v14 =	vld [tilespmem:s6+$0x10860]  }
0x281: {  	v11 =	vld.idx.msk [tilespmem:v0+s6+$0x40 ss:$0x1], $0xffff;
	[tilespmem:s6+$0x188B0] =	vst v5;
	v4 =	vmul.f32 $8.000000000e+00, v4  }
0x282: {  	v5 =	vld.idx.msk [tilespmem:v0+s6+$0xC0 ss:$0x1], $0xffff;
	[tilespmem:s6+$0x18930] =	vst v9  }
0x283: {  	v9 =	vmul.f32 $8.000000000e+00, v13;
	v13 =	vld.idx.msk [tilespmem:v0+s6+$0x140 ss:$0x1], $0xffff;
	v15 =	vadd.f32 v15, v4  }
0x284: {  	v16 =	vld [tilespmem:s6+$0x108E0];
	v17 =	vmul.f32 $8.000000000e+00, v7  }
0x285: {  	v4 =	vmul.f32 $8.000000000e+00, v14;
	[tilespmem:s6+$0x189C0] =	vst v15;
	v7 =	vld [tilespmem:s6+$0x109D0]  }
0x286: {  	v14 =	vld.idx.msk [tilespmem:v0+s6+$0x1D0 ss:$0x1], $0xffff  }
0x287: {  	v8 =	vadd.f32 v11, v8;
	v11 =	vld [tilespmem:s6+$0x10960]  }
0x288: {  	v6 =	vadd.f32 v5, v6;
	v15 =	vld [tilespmem:s6+$0x10870]  }
0x289: {  	v10 =	vadd.f32 v13, v10;
	[tilespmem:s6+$0x18840] =	vst v8;
	v5 =	vmul.f32 $8.000000000e+00, v16;
	v8 =	vld [tilespmem:s6+$0x108F0]  }
0x28a: {  	v13 =	vld.idx.msk [tilespmem:v0+s6+$0x50 ss:$0x1], $0xffff;
	[tilespmem:s6+$0x188C0] =	vst v6;
	v7 =	vmul.f32 $8.000000000e+00, v7  }
0x28b: {  	v16 =	vld.idx.msk [tilespmem:v0+s6+$0xD0 ss:$0x1], $0xffff;
	[tilespmem:s6+$0x18940] =	vst v10  }
0x28c: {  	v10 =	vld.idx.msk [tilespmem:v0+s6+$0x150 ss:$0x1], $0xffff;
	v6 =	vmul.f32 $8.000000000e+00, v11;
	v11 =	vadd.f32 v14, v7  }
0x28d: {  	v7 =	vmul.f32 $8.000000000e+00, v15;
	v14 =	vld [tilespmem:s6+$0x10970]  }
0x28e: {  	v8 =	vmul.f32 $8.000000000e+00, v8;
	[tilespmem:s6+$0x189D0] =	vst v11;
	v15 =	vld [tilespmem:s6+$0x109E0]  }
0x28f: {  	v18 =	vld.idx.msk [tilespmem:v0+s6+$0x1E0 ss:$0x1], $0xffff  }
0x290: {  	v12 =	vadd.f32 v13, v12;
	v11 =	vld.idx.msk [tilespmem:v0+s13+$0x70 ss:$0x1], $0xffff  }
.Ltmp2:
0x291: {  	v16 =	vadd.f32 v16, v9;
	v9 =	vld.idx.msk [tilespmem:v0+s13+$0xF0 ss:$0x1], $0xffff;
	(pc) =	sbr.rel @p2 .LBB2_7-.Ltmp2, $4  }
0x292: {  	v17 =	vadd.f32 v10, v17;
	[tilespmem:s6+$0x18850] =	vst v12;
	v12 =	vmul.f32 $8.000000000e+00, v14;
	v10 =	vld.idx.msk [tilespmem:v0+s13+$0x170 ss:$0x1], $0xffff  }
0x293: {  	v13 =	vld.idx.msk [tilespmem:v0+s6+$0x60 ss:$0x1], $0xffff;
	[tilespmem:s6+$0x188D0] =	vst v16;
	v16 =	vmul.f32 $8.000000000e+00, v15  }
0x294: {  	v15 =	vld.idx.msk [tilespmem:v0+s6+$0xE0 ss:$0x1], $0xffff;
	[tilespmem:s6+$0x18950] =	vst v17  }
0x295: {  	s14 =	sadd.s32 $0x800, s14;
	v14 =	vld.idx.msk [tilespmem:v0+s6+$0x160 ss:$0x1], $0xffff;
	v16 =	vadd.f32 v18, v16  }
0x296: {  	_ =	sdelay $0x1  }
0x297: {  	v17 =	vld [tilespmem:s6+$0x109F0];
	v4 =	vadd.f32 v13, v4  }
0x298: {  	[tilespmem:s6+$0x189E0] =	vst v16;
	v5 =	vadd.f32 v15, v5  }
0x299: {  	v13 =	vld.idx.msk [tilespmem:v0+s6+$0x1F0 ss:$0x1], $0xffff;
	[tilespmem:s6+$0x18860] =	vst v4;
	v4 =	vadd.f32 v14, v6  }
0x29a: {  	[tilespmem:s6+$0x188E0] =	vst v5;
	v5 =	vld.idx.msk [tilespmem:v0+s6+$0x70 ss:$0x1], $0xffff  }
0x29b: {  	v1 =	vadd.f32 v11, v1;
	[tilespmem:s6+$0x18960] =	vst v4;
	v4 =	vld.idx.msk [tilespmem:v0+s6+$0xF0 ss:$0x1], $0xffff  }
0x29c: {  	v2 =	vadd.f32 v9, v2;
	v6 =	vmul.f32 $8.000000000e+00, v17;
	v0 =	vld.idx.msk [tilespmem:v0+s6+$0x170 ss:$0x1], $0xffff  }
0x29d: {  	[tilespmem:s13+$0x18870] =	vst v1;
	v1 =	vadd.f32 v10, v3  }
0x29e: {  	[tilespmem:s13+$0x188F0] =	vst v2;
	v2 =	vadd.f32 v13, v6  }
0x29f: {  	[tilespmem:s13+$0x18970] =	vst v1;
	v1 =	vadd.f32 v5, v7  }
0x2a0: {  	[tilespmem:s6+$0x189F0] =	vst v2;
	v2 =	vadd.f32 v4, v8  }
0x2a1: {  	[tilespmem:s6+$0x18870] =	vst v1;
	v0 =	vadd.f32 v0, v12  }
0x2a2: {  	s8 =	simm.s32 @!p1 $0x80;
	[tilespmem:s6+$0x188F0] =	vst v2  }
0x2a3: {  	s26 =	sadd.s32 s4, s7;
	s13 =	simm.s32 @!p1 $0x10800;
	[tilespmem:s6+$0x18970] =	vst v0;
	s6 =	sadd.s32 @!p1 $0x300, s11  }
0x2a4: {  	[tilespmem:s13], [sflag:$0x3] =	stream.indirect.gather @!p1 [hbm4b:s5+s8], $0x40, s6, s8, $0xb8;
	[tilespmem:$0x1C800] =	vst v63  }
0x2a5: {  	s6 =	sshll.u32 s26, $0x3  }
0x2a6: {  	s6 =	sand.u32 $0x1FFFF800, s6  }
0x2a7: {  	s6 =	sadd.s32 s2, s6  }
0x2a8: {  	[hbm4b:s6+s3] =	stream.linear.scatter [tilespmem:s20], [sflag:$0x7], $0x2000, $0x38;
	[tilespmem:$0x1C800] =	vst v63  }
0x2a9: {  	_ =	swait.ge [sflag:s21], $0x2000  }
0x2aa: {  	[sflag:s21] =	ssyncset.done $0x0  }
0x2ab: {  	v0 =	vmov s12;
	s6 =	simm.s32 @!p0 $0x8;
	[sflag:s21] =	ssyncadd.s32 $0xFFFFE000  }
0x2ac: {  	_ =	swait.ge @!p0 [sflag:s6], $0x2000  }
0x2ad: {  	[sflag:s6] =	ssyncset.done @!p0 $0x0  }
0x2ae: {  	s12 =	simm.s32 $0x0;
	[sflag:s6] =	ssyncadd.s32 @!p0 $0xFFFFE000  }
0x2af: {  	v1 =	vld [tilespmem:s12+$0x12980]  }
0x2b0: {  	v2 =	vld.idx.msk [tilespmem:v0+s12+$0x180 ss:$0x1], $0xffff  }
0x2b1: {  	v4 =	vld [tilespmem:s12+$0x12880]  }
0x2b2: {  	v5 =	vld [tilespmem:s12+$0x12900]  }
0x2b3: {  	v6 =	vld.idx.msk [tilespmem:v0+s12+$0x0 ss:$0x1], $0xffff  }
0x2b4: {  	v7 =	vld.idx.msk [tilespmem:v0+s12+$0x80 ss:$0x1], $0xffff;
	v1 =	vmul.f32 $8.000000000e+00, v1  }
0x2b5: {  	v8 =	vld.idx.msk [tilespmem:v0+s12+$0x100 ss:$0x1], $0xffff  }
0x2b6: {  	v9 =	vld [tilespmem:s12+$0x12890];
	v1 =	vadd.f32 v2, v1  }
0x2b7: {  	v10 =	vld [tilespmem:s12+$0x128A0]  }
0x2b8: {  	[tilespmem:s12+$0x1A980] =	vst v1;
	v1 =	vld [tilespmem:s12+$0x12990]  }
0x2b9: {  	v2 =	vld [tilespmem:s12+$0x12800]  }
0x2ba: {  	v3 =	vld.idx.msk [tilespmem:v0+s12+$0x190 ss:$0x1], $0xffff  }
0x2bb: {  	v11 =	vld [tilespmem:s12+$0x12930]  }
0x2bc: {  	v12 =	vld [tilespmem:s12+$0x12850]  }
0x2bd: {  	s6 =	simm.s32 $0x200;
	v13 =	vld [tilespmem:s12+$0x12950];
	v1 =	vmul.f32 $8.000000000e+00, v1  }
0x2be: {  	v17 =	vld [tilespmem:s6+$0x12900]  }
0x2bf: {  	v18 =	vld.idx.msk [tilespmem:v0+s6+$0x80 ss:$0x1], $0xffff;
	v2 =	vmul.f32 $8.000000000e+00, v2;
	v1 =	vadd.f32 v3, v1  }
0x2c0: {  	v19 =	vld.idx.msk [tilespmem:v0+s6+$0x100 ss:$0x1], $0xffff  }
0x2c1: {  	v2 =	vadd.f32 v6, v2;
	[tilespmem:s12+$0x1A990] =	vst v1;
	v1 =	vmul.f32 $8.000000000e+00, v4;
	v4 =	vld [tilespmem:s12+$0x129A0]  }
0x2c2: {  	v3 =	vld [tilespmem:s12+$0x12810]  }
0x2c3: {  	v5 =	vmul.f32 $8.000000000e+00, v5;
	[tilespmem:s12+$0x1A800] =	vst v2;
	v2 =	vld.idx.msk [tilespmem:v0+s12+$0x1A0 ss:$0x1], $0xffff  }
0x2c4: {  	v1 =	vadd.f32 v7, v1;
	v7 =	vld.idx.msk [tilespmem:v0+s12+$0x10 ss:$0x1], $0xffff  }
0x2c5: {  	v20 =	vld [tilespmem:s6+$0x12810];
	v5 =	vadd.f32 v8, v5  }
0x2c6: {  	v6 =	vld [tilespmem:s12+$0x12910];
	[tilespmem:s12+$0x1A880] =	vst v1;
	v4 =	vmul.f32 $8.000000000e+00, v4  }
0x2c7: {  	[tilespmem:s12+$0x1A900] =	vst v5;
	v3 =	vmul.f32 $8.000000000e+00, v3;
	v1 =	vld.idx.msk [tilespmem:v0+s12+$0x90 ss:$0x1], $0xffff  }
0x2c8: {  	v5 =	vld.idx.msk [tilespmem:v0+s12+$0x110 ss:$0x1], $0xffff;
	v2 =	vadd.f32 v2, v4  }
0x2c9: {  	v21 =	vld [tilespmem:s6+$0x128A0];
	v3 =	vadd.f32 v7, v3  }
0x2ca: {  	v8 =	vld [tilespmem:s12+$0x12820];
	v7 =	vmul.f32 $8.000000000e+00, v9;
	[tilespmem:s12+$0x1A9A0] =	vst v2  }
0x2cb: {  	v2 =	vmul.f32 $8.000000000e+00, v6;
	[tilespmem:s12+$0x1A810] =	vst v3;
	v3 =	vld [tilespmem:s12+$0x129B0]  }
0x2cc: {  	v1 =	vadd.f32 v1, v7;
	v6 =	vld.idx.msk [tilespmem:v0+s12+$0x20 ss:$0x1], $0xffff  }
0x2cd: {  	v2 =	vadd.f32 v5, v2;
	v5 =	vld.idx.msk [tilespmem:v0+s12+$0x1B0 ss:$0x1], $0xffff  }
0x2ce: {  	v22 =	vld [tilespmem:s6+$0x12830];
	[tilespmem:s12+$0x1A890] =	vst v1  }
0x2cf: {  	v1 =	vmul.f32 $8.000000000e+00, v8;
	v8 =	vld.idx.msk [tilespmem:v0+s12+$0xA0 ss:$0x1], $0xffff  }
0x2d0: {  	v7 =	vld [tilespmem:s12+$0x12920];
	v3 =	vmul.f32 $8.000000000e+00, v3  }
0x2d1: {  	v55 =	vld [tilespmem:s6+$0x12930];
	v1 =	vadd.f32 v6, v1  }
0x2d2: {  	v4 =	vld [tilespmem:s12+$0x12830];
	[tilespmem:s12+$0x1A910] =	vst v2;
	v3 =	vadd.f32 v5, v3;
	v5 =	vmul.f32 $8.000000000e+00, v10  }
0x2d3: {  	v2 =	vld.idx.msk [tilespmem:v0+s12+$0x120 ss:$0x1], $0xffff;
	[tilespmem:s12+$0x1A820] =	vst v1  }
0x2d4: {  	v9 =	vld [tilespmem:s12+$0x128B0];
	[tilespmem:s12+$0x1A9B0] =	vst v3;
	v3 =	vadd.f32 v8, v5  }
0x2d5: {  	v1 =	vmul.f32 $8.000000000e+00, v7;
	v7 =	vld.idx.msk [tilespmem:v0+s12+$0x30 ss:$0x1], $0xffff  }
0x2d6: {  	v5 =	vld [tilespmem:s12+$0x129C0];
	[tilespmem:s12+$0x1A8A0] =	vst v3  }
0x2d7: {  	v8 =	vld.idx.msk [tilespmem:v0+s12+$0xB0 ss:$0x1], $0xffff  }
0x2d8: {  	v56 =	vld [tilespmem:s6+$0x128C0];
	v4 =	vmul.f32 $8.000000000e+00, v4;
	v1 =	vadd.f32 v2, v1  }
0x2d9: {  	v3 =	vld.idx.msk [tilespmem:v0+s12+$0x1C0 ss:$0x1], $0xffff  }
0x2da: {  	v23 =	vld [tilespmem:s6+$0x12850];
	[tilespmem:s12+$0x1A920] =	vst v1;
	v4 =	vadd.f32 v7, v4;
	v7 =	vmul.f32 $8.000000000e+00, v9  }
0x2db: {  	v1 =	vld.idx.msk [tilespmem:v0+s12+$0x130 ss:$0x1], $0xffff  }
0x2dc: {  	v6 =	vld [tilespmem:s12+$0x12840];
	v5 =	vmul.f32 $8.000000000e+00, v5;
	v7 =	vadd.f32 v8, v7  }
0x2dd: {  	v10 =	vld [tilespmem:s12+$0x128C0];
	[tilespmem:s12+$0x1A830] =	vst v4  }
0x2de: {  	v4 =	vadd.f32 v3, v5;
	v5 =	vmul.f32 $8.000000000e+00, v11;
	[tilespmem:s12+$0x1A8B0] =	vst v7;
	v7 =	vld [tilespmem:s12+$0x129D0]  }
0x2df: {  	v11 =	vld.idx.msk [tilespmem:v0+s12+$0xC0 ss:$0x1], $0xffff  }
0x2e0: {  	v2 =	vld [tilespmem:s12+$0x12940];
	[tilespmem:s12+$0x1A9C0] =	vst v4;
	v1 =	vadd.f32 v1, v5  }
0x2e1: {  	v14 =	vld.idx.msk [tilespmem:v0+s12+$0x1D0 ss:$0x1], $0xffff  }
0x2e2: {  	v58 =	vld [tilespmem:s6+$0x128D0];
	v10 =	vmul.f32 $8.000000000e+00, v10;
	[tilespmem:s12+$0x1A930] =	vst v1  }
0x2e3: {  	v1 =	vmul.f32 $8.000000000e+00, v6;
	v6 =	vld.idx.msk [tilespmem:v0+s12+$0x140 ss:$0x1], $0xffff  }
0x2e4: {  	v59 =	vld [tilespmem:s6+$0x128E0];
	v7 =	vmul.f32 $8.000000000e+00, v7;
	v10 =	vadd.f32 v11, v10  }
0x2e5: {  	v9 =	vld [tilespmem:s12+$0x128D0]  }
0x2e6: {  	v60 =	vld [tilespmem:s6+$0x12870];
	v15 =	vmul.f32 $8.000000000e+00, v2;
	v7 =	vadd.f32 v14, v7;
	[tilespmem:s12+$0x1A8C0] =	vst v10  }
0x2e7: {  	v10 =	vld.idx.msk [tilespmem:v0+s12+$0xD0 ss:$0x1], $0xffff  }
0x2e8: {  	v6 =	vadd.f32 v6, v15;
	[tilespmem:s12+$0x1A9D0] =	vst v7;
	v7 =	vld [tilespmem:s12+$0x129E0]  }
0x2e9: {  	v14 =	vld [tilespmem:s6+$0x12980]  }
0x2ea: {  	v9 =	vmul.f32 $8.000000000e+00, v9;
	[tilespmem:s12+$0x1A940] =	vst v6;
	v6 =	vmul.f32 $8.000000000e+00, v12;
	v12 =	vld.idx.msk [tilespmem:v0+s12+$0x1E0 ss:$0x1], $0xffff  }
0x2eb: {  	v61 =	vld [tilespmem:s6+$0x12970]  }
0x2ec: {  	v9 =	vadd.f32 v10, v9;
	v10 =	vld.idx.msk [tilespmem:v0+s6+$0x180 ss:$0x1], $0xffff  }
0x2ed: {  	v62 =	vld [tilespmem:s6+$0x129E0];
	v7 =	vmul.f32 $8.000000000e+00, v7  }
0x2ee: {  	v2 =	vld [tilespmem:s12+$0x128F0]  }
0x2ef: {  	v3 =	vld [tilespmem:s12+$0x12860];
	v7 =	vadd.f32 v12, v7;
	v12 =	vmul.f32 $8.000000000e+00, v14  }
0x2f0: {  	v8 =	vld.idx.msk [tilespmem:v0+s12+$0x40 ss:$0x1], $0xffff  }
0x2f1: {  	v15 =	vld.idx.msk [tilespmem:v0+s6+$0x0 ss:$0x1], $0xffff;
	v10 =	vadd.f32 v10, v12  }
0x2f2: {  	v12 =	vld [tilespmem:s6+$0x12800]  }
0x2f3: {  	[tilespmem:s6+$0x1A980] =	vst v10;
	v10 =	vld [tilespmem:s6+$0x12990]  }
0x2f4: {  	v14 =	vld [tilespmem:s6+$0x12880]  }
0x2f5: {  	v16 =	vld.idx.msk [tilespmem:v0+s6+$0x190 ss:$0x1], $0xffff  }
0x2f6: {  	v5 =	vld [tilespmem:s12+$0x128E0];
	v8 =	vadd.f32 v8, v1  }
0x2f7: {  	v4 =	vld [tilespmem:s12+$0x12960];
	v12 =	vmul.f32 $8.000000000e+00, v12  }
0x2f8: {  	v1 =	vld [tilespmem:s12+$0x12870];
	[tilespmem:s12+$0x1A840] =	vst v8;
	v10 =	vmul.f32 $8.000000000e+00, v10  }
0x2f9: {  	v8 =	vld.idx.msk [tilespmem:v0+s12+$0x50 ss:$0x1], $0xffff;
	v12 =	vadd.f32 v15, v12  }
0x2fa: {  	v14 =	vmul.f32 $8.000000000e+00, v14;
	v15 =	vld [tilespmem:s6+$0x12890];
	v10 =	vadd.f32 v16, v10  }
0x2fb: {  	v16 =	vld [tilespmem:s6+$0x12910];
	[tilespmem:s6+$0x1A800] =	vst v12  }
0x2fc: {  	v12 =	vmul.f32 $8.000000000e+00, v17;
	[tilespmem:s6+$0x1A990] =	vst v10;
	v10 =	vadd.f32 v18, v14;
	v14 =	vld [tilespmem:s6+$0x129A0]  }
0x2fd: {  	v18 =	vld.idx.msk [tilespmem:v0+s6+$0x10 ss:$0x1], $0xffff  }
0x2fe: {  	v12 =	vadd.f32 v19, v12;
	[tilespmem:s6+$0x1A880] =	vst v10;
	v10 =	vld.idx.msk [tilespmem:v0+s6+$0x1A0 ss:$0x1], $0xffff  }
0x2ff: {  	v19 =	vld.idx.msk [tilespmem:v0+s6+$0x90 ss:$0x1], $0xffff  }
0x300: {  	v11 =	vld.idx.msk [tilespmem:v0+s12+$0x150 ss:$0x1], $0xffff;
	[tilespmem:s6+$0x1A900] =	vst v12;
	v12 =	vmul.f32 $8.000000000e+00, v20  }
0x301: {  	v53 =	vld.idx.msk [tilespmem:v0+s6+$0x110 ss:$0x1], $0xffff;
	v14 =	vmul.f32 $8.000000000e+00, v14  }
0x302: {  	v8 =	vadd.f32 v8, v6;
	v6 =	vld [tilespmem:s12+$0x12970];
	v15 =	vmul.f32 $8.000000000e+00, v15;
	v12 =	vadd.f32 v18, v12  }
0x303: {  	v17 =	vld [tilespmem:s6+$0x12820];
	v10 =	vadd.f32 v10, v14  }
0x304: {  	v18 =	vld [tilespmem:s6+$0x12920];
	v14 =	vmul.f32 $8.000000000e+00, v16;
	[tilespmem:s6+$0x1A810] =	vst v12;
	v15 =	vadd.f32 v19, v15  }
0x305: {  	v16 =	vld.idx.msk [tilespmem:v0+s6+$0x20 ss:$0x1], $0xffff;
	[tilespmem:s6+$0x1A9A0] =	vst v10  }
0x306: {  	v10 =	vadd.f32 v53, v14;
	v14 =	vld [tilespmem:s6+$0x129B0];
	[tilespmem:s6+$0x1A890] =	vst v15  }
0x307: {  	v15 =	vld.idx.msk [tilespmem:v0+s6+$0xA0 ss:$0x1], $0xffff  }
0x308: {  	v13 =	vmul.f32 $8.000000000e+00, v13;
	[tilespmem:s6+$0x1A910] =	vst v10;
	v10 =	vld.idx.msk [tilespmem:v0+s6+$0x1B0 ss:$0x1], $0xffff  }
0x309: {  	[tilespmem:s12+$0x1A850] =	vst v8;
	v17 =	vmul.f32 $8.000000000e+00, v17;
	v19 =	vld.idx.msk [tilespmem:v0+s6+$0x120 ss:$0x1], $0xffff  }
0x30a: {  	v54 =	vmul.f32 $8.000000000e+00, v21;
	v8 =	vadd.f32 v11, v13;
	v11 =	vld.idx.msk [tilespmem:v0+s12+$0x60 ss:$0x1], $0xffff;
	[tilespmem:s12+$0x1A8D0] =	vst v9  }
0x30b: {  	v9 =	vld.idx.msk [tilespmem:v0+s12+$0xE0 ss:$0x1], $0xffff;
	v16 =	vadd.f32 v16, v17;
	v14 =	vmul.f32 $8.000000000e+00, v14  }
0x30c: {  	[tilespmem:s12+$0x1A950] =	vst v8;
	v8 =	vld [tilespmem:s12+$0x129F0];
	v18 =	vmul.f32 $8.000000000e+00, v18;
	v15 =	vadd.f32 v15, v54  }
0x30d: {  	v12 =	vld [tilespmem:s6+$0x128B0];
	[tilespmem:s6+$0x1A820] =	vst v16;
	v10 =	vadd.f32 v10, v14  }
0x30e: {  	v14 =	vadd.f32 v19, v18;
	v18 =	vld.idx.msk [tilespmem:v0+s6+$0x30 ss:$0x1], $0xffff;
	[tilespmem:s6+$0x1A8A0] =	vst v15  }
0x30f: {  	[tilespmem:s6+$0x1A9B0] =	vst v10;
	v10 =	vld [tilespmem:s6+$0x129C0]  }
0x310: {  	v15 =	vld.idx.msk [tilespmem:v0+s6+$0xB0 ss:$0x1], $0xffff;
	[tilespmem:s6+$0x1A920] =	vst v14  }
0x311: {  	v19 =	vld.idx.msk [tilespmem:v0+s6+$0x130 ss:$0x1], $0xffff  }
0x312: {  	v13 =	vld.idx.msk [tilespmem:v0+s12+$0x160 ss:$0x1], $0xffff;
	v14 =	vmul.f32 $8.000000000e+00, v22  }
0x313: {  	[tilespmem:s12+$0x1A9E0] =	vst v7;
	v12 =	vmul.f32 $8.000000000e+00, v12;
	v57 =	vld.idx.msk [tilespmem:v0+s6+$0x1C0 ss:$0x1], $0xffff  }
0x314: {  	v7 =	vld.idx.msk [tilespmem:v0+s12+$0x1F0 ss:$0x1], $0xffff;
	v14 =	vadd.f32 v18, v14;
	v18 =	vmul.f32 $8.000000000e+00, v55  }
0x315: {  	v3 =	vmul.f32 $8.000000000e+00, v3;
	v17 =	vld [tilespmem:s6+$0x12840];
	v12 =	vadd.f32 v15, v12  }
0x316: {  	v16 =	vld [tilespmem:s6+$0x12940];
	v10 =	vmul.f32 $8.000000000e+00, v10;
	[tilespmem:s6+$0x1A830] =	vst v14;
	v18 =	vadd.f32 v19, v18  }
0x317: {  	v3 =	vadd.f32 v11, v3;
	v19 =	vld.idx.msk [tilespmem:v0+s6+$0x40 ss:$0x1], $0xffff;
	[tilespmem:s6+$0x1A8B0] =	vst v12  }
0x318: {  	v10 =	vadd.f32 v57, v10;
	v12 =	vld.idx.msk [tilespmem:v0+s6+$0xC0 ss:$0x1], $0xffff;
	[tilespmem:s6+$0x1A930] =	vst v18  }
0x319: {  	[tilespmem:s12+$0x1A860] =	vst v3;
	v18 =	vld.idx.msk [tilespmem:v0+s6+$0x140 ss:$0x1], $0xffff  }
0x31a: {  	v17 =	vmul.f32 $8.000000000e+00, v17;
	[tilespmem:s6+$0x1A9C0] =	vst v10;
	v10 =	vld [tilespmem:s6+$0x129D0]  }
0x31b: {  	v11 =	vld.idx.msk [tilespmem:v0+s12+$0x70 ss:$0x1], $0xffff;
	v20 =	vmul.f32 $8.000000000e+00, v56  }
0x31c: {  	v16 =	vmul.f32 $8.000000000e+00, v16;
	v24 =	vld.idx.msk [tilespmem:v0+s6+$0x1D0 ss:$0x1], $0xffff;
	v17 =	vadd.f32 v19, v17  }
0x31d: {  	v15 =	vld [tilespmem:s6+$0x12950];
	v12 =	vadd.f32 v12, v20  }
0x31e: {  	v5 =	vmul.f32 $8.000000000e+00, v5;
	v14 =	vld [tilespmem:s6+$0x12860];
	[tilespmem:s6+$0x1A840] =	vst v17;
	v16 =	vadd.f32 v18, v16  }
0x31f: {  	v10 =	vmul.f32 $8.000000000e+00, v10;
	[tilespmem:s6+$0x1A8C0] =	vst v12;
	v12 =	vld.idx.msk [tilespmem:v0+s6+$0x50 ss:$0x1], $0xffff  }
0x320: {  	v4 =	vmul.f32 $8.000000000e+00, v4;
	v5 =	vadd.f32 v9, v5;
	[tilespmem:s6+$0x1A940] =	vst v16;
	v16 =	vld.idx.msk [tilespmem:v0+s6+$0xD0 ss:$0x1], $0xffff  }
0x321: {  	v8 =	vmul.f32 $8.000000000e+00, v8;
	v10 =	vadd.f32 v24, v10;
	v18 =	vld.idx.msk [tilespmem:v0+s6+$0x150 ss:$0x1], $0xffff  }
0x322: {  	v9 =	vmul.f32 $8.000000000e+00, v23;
	v3 =	vadd.f32 v13, v4;
	[tilespmem:s12+$0x1A8E0] =	vst v5;
	v19 =	vld [tilespmem:s6+$0x12960]  }
0x323: {  	v4 =	vmul.f32 $8.000000000e+00, v58;
	v8 =	vadd.f32 v7, v8;
	v17 =	vld [tilespmem:s6+$0x128F0];
	[tilespmem:s6+$0x1A9D0] =	vst v10  }
0x324: {  	[tilespmem:s12+$0x1A960] =	vst v3;
	v5 =	vmul.f32 $8.000000000e+00, v15;
	v63 =	vld.idx.msk [tilespmem:v0+s6+$0x1E0 ss:$0x1], $0xffff;
	v10 =	vadd.f32 v12, v9  }
0x325: {  	v2 =	vmul.f32 $8.000000000e+00, v2;
	v1 =	vmul.f32 $8.000000000e+00, v1;
	[tilespmem:s12+$0x1A9F0] =	vst v8;
	v9 =	vld.idx.msk [tilespmem:v0+s12+$0xF0 ss:$0x1], $0xffff;
	v12 =	vadd.f32 v16, v4  }
0x326: {  	v7 =	vmul.f32 $8.000000000e+00, v60;
	v4 =	vmul.f32 $8.000000000e+00, v14;
	[tilespmem:s6+$0x1A850] =	vst v10;
	v14 =	vadd.f32 v18, v5;
	v10 =	vld.idx.msk [tilespmem:v0+s12+$0x170 ss:$0x1], $0xffff  }
0x327: {  	v3 =	vmul.f32 $8.000000000e+00, v6;
	v16 =	vmul.f32 $8.000000000e+00, v62;
	[tilespmem:s6+$0x1A8D0] =	vst v12;
	v13 =	vld.idx.msk [tilespmem:v0+s6+$0x60 ss:$0x1], $0xffff  }
0x328: {  	v6 =	vmul.f32 $8.000000000e+00, v19;
	v8 =	vmul.f32 $8.000000000e+00, v17;
	[tilespmem:s6+$0x1A950] =	vst v14;
	v15 =	vld.idx.msk [tilespmem:v0+s6+$0xE0 ss:$0x1], $0xffff  }
0x329: {  	s7 =	sor.u32 $0x180, s10;
	s10 =	simm.s32 $0x1000;
	s8 =	simm.s32 $0x4;
	v5 =	vmul.f32 $8.000000000e+00, v59;
	v12 =	vmul.f32 $8.000000000e+00, v61;
	v16 =	vadd.f32 v63, v16;
	v14 =	vld.idx.msk [tilespmem:v0+s6+$0x160 ss:$0x1], $0xffff  }
.LBB2_9:
0x32a: {  	s13 =	sshra.s32 s10, $0x2;
	v17 =	vld [tilespmem:s6+$0x129F0];
	v11 =	vadd.f32 v11, v1;
	v1 =	vmov v7  }
0x32b: {  	s8 =	sadd.s32 $0x4, s8;
	v9 =	vadd.f32 v9, v2;
	v2 =	vmov v8;
	v7 =	vld [tilespmem:s13+$0x12980];
	[tilespmem:s6+$0x1A9E0] =	vst v16  }
0x32c: {  	p0 =	slt.u32 s8, $0x3C;
	v10 =	vadd.f32 v10, v3;
	v3 =	vmov v12;
	v8 =	vld.idx.msk [tilespmem:v0+s6+$0x1F0 ss:$0x1], $0xffff;
	[tilespmem:s12+$0x1A870] =	vst v11  }
0x32d: {  	v4 =	vadd.f32 v13, v4;
	v11 =	vld.idx.msk [tilespmem:v0+s13+$0x180 ss:$0x1], $0xffff;
	[tilespmem:s12+$0x1A8F0] =	vst v9  }
0x32e: {  	v5 =	vadd.f32 v15, v5;
	v9 =	vld [tilespmem:s13+$0x12800];
	[tilespmem:s12+$0x1A970] =	vst v10;
	s12 =	smov.u32 s6;
	s6 =	smov.u32 s13  }
0x32f: {  	v10 =	vld [tilespmem:s6+$0x12880];
	[tilespmem:s12+$0x1A860] =	vst v4;
	v4 =	vadd.f32 v14, v6  }
0x330: {  	v6 =	vld [tilespmem:s6+$0x12900];
	[tilespmem:s12+$0x1A8E0] =	vst v5;
	v5 =	vmul.f32 $8.000000000e+00, v17  }
0x331: {  	v7 =	vmul.f32 $8.000000000e+00, v7;
	v12 =	vld.idx.msk [tilespmem:v0+s6+$0x0 ss:$0x1], $0xffff;
	[tilespmem:s12+$0x1A960] =	vst v4  }
0x332: {  	v4 =	vld.idx.msk [tilespmem:v0+s6+$0x80 ss:$0x1], $0xffff;
	v5 =	vadd.f32 v8, v5  }
0x333: {  	v7 =	vadd.f32 v11, v7;
	v8 =	vmul.f32 $8.000000000e+00, v9;
	v9 =	vld.idx.msk [tilespmem:v0+s6+$0x100 ss:$0x1], $0xffff  }
0x334: {  	v11 =	vld [tilespmem:s6+$0x12810];
	v10 =	vmul.f32 $8.000000000e+00, v10;
	[tilespmem:s12+$0x1A9F0] =	vst v5  }
0x335: {  	v5 =	vmul.f32 $8.000000000e+00, v6;
	[tilespmem:s6+$0x1A980] =	vst v7;
	v6 =	vld [tilespmem:s6+$0x12990]  }
0x336: {  	v7 =	vld.idx.msk [tilespmem:v0+s6+$0x190 ss:$0x1], $0xffff  }
0x337: {  	v8 =	vadd.f32 v12, v8;
	v12 =	vld [tilespmem:s6+$0x12890]  }
0x338: {  	v4 =	vadd.f32 v4, v10;
	v10 =	vld [tilespmem:s6+$0x12910]  }
0x339: {  	v5 =	vadd.f32 v9, v5;
	[tilespmem:s6+$0x1A800] =	vst v8;
	v8 =	vmul.f32 $8.000000000e+00, v11;
	v11 =	vld [tilespmem:s6+$0x12820]  }
0x33a: {  	v9 =	vld.idx.msk [tilespmem:v0+s6+$0x10 ss:$0x1], $0xffff;
	[tilespmem:s6+$0x1A880] =	vst v4;
	v4 =	vmul.f32 $8.000000000e+00, v6  }
0x33b: {  	v6 =	vld.idx.msk [tilespmem:v0+s6+$0x90 ss:$0x1], $0xffff;
	[tilespmem:s6+$0x1A900] =	vst v5  }
0x33c: {  	v5 =	vmul.f32 $8.000000000e+00, v12;
	v12 =	vld.idx.msk [tilespmem:v0+s6+$0x110 ss:$0x1], $0xffff;
	v4 =	vadd.f32 v7, v4  }
0x33d: {  	v7 =	vld [tilespmem:s6+$0x128A0];
	v10 =	vmul.f32 $8.000000000e+00, v10  }
0x33e: {  	v11 =	vmul.f32 $8.000000000e+00, v11;
	[tilespmem:s6+$0x1A990] =	vst v4;
	v4 =	vld [tilespmem:s6+$0x129A0]  }
0x33f: {  	v13 =	vld.idx.msk [tilespmem:v0+s6+$0x1A0 ss:$0x1], $0xffff  }
0x340: {  	v8 =	vadd.f32 v9, v8;
	v9 =	vld [tilespmem:s6+$0x12920]  }
0x341: {  	v5 =	vadd.f32 v6, v5;
	v14 =	vld [tilespmem:s6+$0x12830]  }
0x342: {  	[tilespmem:s6+$0x1A810] =	vst v8;
	v6 =	vmul.f32 $8.000000000e+00, v7;
	v7 =	vld [tilespmem:s6+$0x128B0];
	v8 =	vadd.f32 v12, v10  }
0x343: {  	v10 =	vld.idx.msk [tilespmem:v0+s6+$0x20 ss:$0x1], $0xffff;
	[tilespmem:s6+$0x1A890] =	vst v5;
	v4 =	vmul.f32 $8.000000000e+00, v4  }
0x344: {  	v5 =	vld.idx.msk [tilespmem:v0+s6+$0xA0 ss:$0x1], $0xffff;
	[tilespmem:s6+$0x1A910] =	vst v8  }
0x345: {  	v8 =	vld.idx.msk [tilespmem:v0+s6+$0x120 ss:$0x1], $0xffff;
	v9 =	vmul.f32 $8.000000000e+00, v9;
	v4 =	vadd.f32 v13, v4  }
0x346: {  	v12 =	vmul.f32 $8.000000000e+00, v14;
	v13 =	vld [tilespmem:s6+$0x12930]  }
0x347: {  	v7 =	vmul.f32 $8.000000000e+00, v7;
	[tilespmem:s6+$0x1A9A0] =	vst v4;
	v4 =	vld [tilespmem:s6+$0x129B0]  }
0x348: {  	v14 =	vld.idx.msk [tilespmem:v0+s6+$0x1B0 ss:$0x1], $0xffff  }
0x349: {  	v10 =	vadd.f32 v10, v11;
	v11 =	vld [tilespmem:s6+$0x12840]  }
0x34a: {  	v5 =	vadd.f32 v5, v6;
	v6 =	vld [tilespmem:s6+$0x128C0]  }
0x34b: {  	v8 =	vadd.f32 v8, v9;
	[tilespmem:s6+$0x1A820] =	vst v10;
	v9 =	vmul.f32 $8.000000000e+00, v13;
	v10 =	vld [tilespmem:s6+$0x12940]  }
0x34c: {  	v13 =	vld.idx.msk [tilespmem:v0+s6+$0x30 ss:$0x1], $0xffff;
	[tilespmem:s6+$0x1A8A0] =	vst v5;
	v4 =	vmul.f32 $8.000000000e+00, v4  }
0x34d: {  	v5 =	vld.idx.msk [tilespmem:v0+s6+$0xB0 ss:$0x1], $0xffff;
	[tilespmem:s6+$0x1A920] =	vst v8  }
0x34e: {  	v8 =	vmul.f32 $8.000000000e+00, v11;
	v11 =	vld.idx.msk [tilespmem:v0+s6+$0x130 ss:$0x1], $0xffff;
	v4 =	vadd.f32 v14, v4  }
0x34f: {  	v14 =	vld [tilespmem:s6+$0x12850];
	v6 =	vmul.f32 $8.000000000e+00, v6  }
0x350: {  	v10 =	vmul.f32 $8.000000000e+00, v10;
	[tilespmem:s6+$0x1A9B0] =	vst v4;
	v4 =	vld [tilespmem:s6+$0x129C0]  }
0x351: {  	v15 =	vld.idx.msk [tilespmem:v0+s6+$0x1C0 ss:$0x1], $0xffff  }
0x352: {  	v12 =	vadd.f32 v13, v12;
	v13 =	vld [tilespmem:s6+$0x128D0]  }
0x353: {  	v5 =	vadd.f32 v5, v7;
	v7 =	vld [tilespmem:s6+$0x12950]  }
0x354: {  	v9 =	vadd.f32 v11, v9;
	[tilespmem:s6+$0x1A830] =	vst v12;
	v12 =	vmul.f32 $8.000000000e+00, v14;
	v14 =	vld [tilespmem:s6+$0x12860]  }
0x355: {  	v11 =	vld.idx.msk [tilespmem:v0+s6+$0x40 ss:$0x1], $0xffff;
	[tilespmem:s6+$0x1A8B0] =	vst v5;
	v4 =	vmul.f32 $8.000000000e+00, v4  }
0x356: {  	v5 =	vld.idx.msk [tilespmem:v0+s6+$0xC0 ss:$0x1], $0xffff;
	[tilespmem:s6+$0x1A930] =	vst v9  }
0x357: {  	v9 =	vmul.f32 $8.000000000e+00, v13;
	v13 =	vld.idx.msk [tilespmem:v0+s6+$0x140 ss:$0x1], $0xffff;
	v15 =	vadd.f32 v15, v4  }
0x358: {  	v16 =	vld [tilespmem:s6+$0x128E0];
	v17 =	vmul.f32 $8.000000000e+00, v7  }
0x359: {  	v4 =	vmul.f32 $8.000000000e+00, v14;
	[tilespmem:s6+$0x1A9C0] =	vst v15;
	v7 =	vld [tilespmem:s6+$0x129D0]  }
0x35a: {  	v14 =	vld.idx.msk [tilespmem:v0+s6+$0x1D0 ss:$0x1], $0xffff  }
0x35b: {  	v8 =	vadd.f32 v11, v8;
	v11 =	vld [tilespmem:s6+$0x12960]  }
0x35c: {  	v6 =	vadd.f32 v5, v6;
	v15 =	vld [tilespmem:s6+$0x12870]  }
0x35d: {  	v10 =	vadd.f32 v13, v10;
	[tilespmem:s6+$0x1A840] =	vst v8;
	v5 =	vmul.f32 $8.000000000e+00, v16;
	v8 =	vld [tilespmem:s6+$0x128F0]  }
0x35e: {  	v13 =	vld.idx.msk [tilespmem:v0+s6+$0x50 ss:$0x1], $0xffff;
	[tilespmem:s6+$0x1A8C0] =	vst v6;
	v7 =	vmul.f32 $8.000000000e+00, v7  }
0x35f: {  	v16 =	vld.idx.msk [tilespmem:v0+s6+$0xD0 ss:$0x1], $0xffff;
	[tilespmem:s6+$0x1A940] =	vst v10  }
0x360: {  	v10 =	vld.idx.msk [tilespmem:v0+s6+$0x150 ss:$0x1], $0xffff;
	v6 =	vmul.f32 $8.000000000e+00, v11;
	v11 =	vadd.f32 v14, v7  }
0x361: {  	v7 =	vmul.f32 $8.000000000e+00, v15;
	v14 =	vld [tilespmem:s6+$0x12970]  }
0x362: {  	v8 =	vmul.f32 $8.000000000e+00, v8;
	[tilespmem:s6+$0x1A9D0] =	vst v11;
	v15 =	vld [tilespmem:s6+$0x129E0]  }
0x363: {  	v18 =	vld.idx.msk [tilespmem:v0+s6+$0x1E0 ss:$0x1], $0xffff  }
0x364: {  	v12 =	vadd.f32 v13, v12;
	v11 =	vld.idx.msk [tilespmem:v0+s12+$0x70 ss:$0x1], $0xffff  }
.Ltmp3:
0x365: {  	v16 =	vadd.f32 v16, v9;
	v9 =	vld.idx.msk [tilespmem:v0+s12+$0xF0 ss:$0x1], $0xffff;
	(pc) =	sbr.rel @p0 .LBB2_9-.Ltmp3, $4  }
0x366: {  	v17 =	vadd.f32 v10, v17;
	[tilespmem:s6+$0x1A850] =	vst v12;
	v12 =	vmul.f32 $8.000000000e+00, v14;
	v10 =	vld.idx.msk [tilespmem:v0+s12+$0x170 ss:$0x1], $0xffff  }
0x367: {  	v13 =	vld.idx.msk [tilespmem:v0+s6+$0x60 ss:$0x1], $0xffff;
	[tilespmem:s6+$0x1A8D0] =	vst v16;
	v16 =	vmul.f32 $8.000000000e+00, v15  }
0x368: {  	v15 =	vld.idx.msk [tilespmem:v0+s6+$0xE0 ss:$0x1], $0xffff;
	[tilespmem:s6+$0x1A950] =	vst v17  }
0x369: {  	s10 =	sadd.s32 $0x800, s10;
	v14 =	vld.idx.msk [tilespmem:v0+s6+$0x160 ss:$0x1], $0xffff;
	v16 =	vadd.f32 v18, v16  }
0x36a: {  	_ =	sdelay $0x1  }
0x36b: {  	v17 =	vld [tilespmem:s6+$0x129F0];
	v4 =	vadd.f32 v13, v4  }
0x36c: {  	[tilespmem:s6+$0x1A9E0] =	vst v16;
	v5 =	vadd.f32 v15, v5  }
0x36d: {  	v54 =	vld.idx.msk [tilespmem:v0+s6+$0x1F0 ss:$0x1], $0xffff;
	[tilespmem:s6+$0x1A860] =	vst v4;
	v55 =	vadd.f32 v14, v6  }
0x36e: {  	[tilespmem:s6+$0x1A8E0] =	vst v5;
	v56 =	vld.idx.msk [tilespmem:v0+s6+$0x70 ss:$0x1], $0xffff  }
0x36f: {  	v1 =	vadd.f32 v11, v1;
	[tilespmem:s6+$0x1A960] =	vst v55;
	v57 =	vld.idx.msk [tilespmem:v0+s6+$0xF0 ss:$0x1], $0xffff  }
0x370: {  	v2 =	vadd.f32 v9, v2;
	v58 =	vmul.f32 $8.000000000e+00, v17;
	v59 =	vld.idx.msk [tilespmem:v0+s6+$0x170 ss:$0x1], $0xffff  }
0x371: {  	v60 =	vadd.f32 v10, v3;
	[tilespmem:s12+$0x1A870] =	vst v1  }
0x372: {  	[tilespmem:s12+$0x1A8F0] =	vst v2;
	v61 =	vadd.f32 v54, v58  }
0x373: {  	[tilespmem:s12+$0x1A970] =	vst v60;
	v62 =	vadd.f32 v56, v7  }
0x374: {  	[tilespmem:s6+$0x1A9F0] =	vst v61;
	v63 =	vadd.f32 v57, v8  }
0x375: {  	[tilespmem:s6+$0x1A870] =	vst v62;
	v0 =	vadd.f32 v59, v12  }
0x376: {  	s8 =	simm.s32 @!p1 $0x80;
	s0 =	sadd.s32 $0x1, s0;
	[tilespmem:s6+$0x1A8F0] =	vst v63  }
0x377: {  	s10 =	simm.s32 @!p1 $0x12800;
	p0 =	sne.s32 s0, $0x32;
	[tilespmem:s6+$0x1A970] =	vst v0;
	s6 =	sadd.s32 @!p1 $0x380, s11  }
0x378: {  	[tilespmem:s10], [sflag:$0x4] =	stream.indirect.gather @!p1 [hbm4b:s5+s8], $0x40, s6, s8, $0xb8;
	[tilespmem:$0x1C800] =	vst v63  }
.Ltmp4:
0x379: {  	s26 =	sadd.s32 s4, s7;
	(pc) =	sbr.rel @p0 .LBB2_2-.Ltmp4, $4  }
0x37a: {  	s6 =	sshll.u32 s26, $0x3  }
0x37b: {  	s1 =	sadd.s32 $0x200, s1;
	s29 =	sadd.s32 $0x200, s29;
	s6 =	sand.u32 $0x1FFFFC00, s6  }
0x37c: {  	s30 =	sadd.s32 $0x200, s30;
	s31 =	sadd.s32 $0x200, s31;
	s6 =	sadd.s32 s2, s6  }
0x37d: {  	[hbm4b:s6+s3] =	stream.linear.scatter [tilespmem:s22], [sflag:$0x8], $0x2000, $0x38;
	[tilespmem:$0x1C800] =	vst v63  }
0x37e: {  	s0 =	simm.s32 $0x5  }
0x37f: {  	_ =	swait.ge [sflag:s0], $0x2000  }
0x380: {  	[sflag:s0] =	ssyncset.done $0x0  }
0x381: {  	s29 =	simm.s32 $0x6;
	[sflag:s0] =	ssyncadd.s32 $0xFFFFE000  }
0x382: {  	_ =	swait.ge [sflag:s29], $0x2000  }
0x383: {  	[sflag:s29] =	ssyncset.done $0x0  }
0x384: {  	s30 =	simm.s32 $0x7;
	[sflag:s29] =	ssyncadd.s32 $0xFFFFE000  }
0x385: {  	_ =	swait.ge [sflag:s30], $0x2000  }
0x386: {  	[sflag:s30] =	ssyncset.done $0x0  }
0x387: {  	s1 =	simm.s32 $0x8;
	[sflag:s30] =	ssyncadd.s32 $0xFFFFE000  }
0x388: {  	_ =	swait.ge [sflag:s1], $0x2000  }
0x389: {  	s28 =	sadd.s32 $0x1, s28;
	s31 =	rddreg [dreg:$0x5]  }
0x38a: {  	p0 =	sne.s32 s28, s31  }
.Ltmp5:
0x38b: {  	_ = 	snop;
	(pc) =	sbr.rel @p0 .LBB2_1-.Ltmp5, $3  }
0x38c: {  	_ =	sdelay $0x1  }
0x38d: {  	[sflag:s1] =	ssyncset.done $0x0  }
0x38e: {  	[sflag:s1] =	ssyncadd.s32 $0xFFFFE000  }
0x38f: {  	_ =	sfence.sel $0x180000  }
0x390: {  	[bflag:$0x0] =	sbarrier.arrive $0xFFFF  }
0x391: {  	_ =	strace $0x90000047  }
0x392: {  	s0 =	stileid.u32;
	[bflag:$0x2] =	sbarrier.arrive $0xFFFF  }
0x393: {  	p0 =	sne.s32 s0, $0x0;
	s0 =	rddreg [dreg:$0x2]  }
0x394: {  	s0 =	sadd.s32 @!p0 $0x100000, s0  }
0x395: {  	[sflag:s0] =	ssyncadd.tile.s32 @!p0 $0x1;
	_ =	shalt  }
.Lfunc_end2:
_tile_overlayer_lowered:
.L_overlay_start_2:
0x396: {  	(tag) =	ssettag $0x2  }
0x397: {  	s0 =	rddreg [dreg:$0x0];
	s2 =	stileid.u32  }
0x398: {  	s1 =	rddreg [dreg:$0x1];
	p0 =	sne.s32 s2, $0x0  }
0x399: {  	s3 =	rddreg [dreg:$0x2];
	[bflag:$0x3] =	sbarrier.arrive $0xFFFF;
	s2 =	simm.s32 @!p0 $0x1C09  }
0x39a: {  	[timem:s3], [sflag:s2] =	dma.local @!p0 [hbm:s0], s1  }
0x39b: {  	s0 =	simm.s32 @!p0 $0x9  }
0x39c: {  	_ =	swait.ge @!p0 [sflag:s0], s1  }
0x39d: {  	s1 =	ssub.s32 @!p0 $0x0, s1;
	[sflag:s0] =	ssyncset.done @!p0 $0x0  }
0x39e: {  	[sflag:s0] =	ssyncadd.s32 @!p0 s1  }
0x39f: {  	[bflag:$0x3] =	sbarrier.arrive $0xFFFF  }
0x3a0: {  	_ =	shalt  }

// kernel: sparse-core-data-format-call.cloned.1.call-start
scs
called_computation_lowered:
.L_overlay_start_0:
0x0: {  	s2 =	sld [smem:$0x3FD9]  }
0x1: {  	s3 =	sld [smem:$0x3FFE];
	_ =	sdelay $0x1  }
0x2: {  	s1 =	srdreg.scid  }
0x3: {  	s0 =	sand.u32 $0x1, s1  }
0x4: {  	s18 =	sshll.u32 s0, $0xA;
	s2 =	sadd.s32 s3, s2  }
0x5: {  	s2 =	sadd.s32 s2, s18  }
0x6: {  	[smem:$0x3FC6] =	sst s2  }
0x7: {  	_ = 	snop  }
0x8: {  	s2 =	sld [smem:$0x3FD0];
	(tm) =	ssettm $0x1  }
0x9: {  	s19 =	sld [smem:$0x3FFB];
	_ =	sdelay $0x3  }
0xa: {  	_ =	strace s19  }
0xb: {  	s3 =	sld [smem:$0x3FFC];
	_ =	sdelay $0x3  }
0xc: {  	_ =	strace s3  }
0xd: {  	s3 =	sld [smem:$0x3FFD];
	_ =	sdelay $0x3  }
0xe: {  	_ =	strace s3  }
0xf: {  	_ =	strace $0x8FFFFFFF  }
0x10: {  	s20 =	sld [smem:$0x3FDB];
	_ =	sdelay $0x1  }
0x11: {  	s4 =	simm.s32 $_scs_section_size  }
0x12: {  	s5 =	simm.s32 $_size__tile_overlayer_lowered;
	s6 =	simm.s32 $_tile_overlayer_lowered  }
0x13: {  	s23 =	simm.s32 $0x1BFF;
	s22 =	sshll.u32 s6, $0x1;
	s3 =	sadd.s32 s4, s20  }
0x14: {  	s7 =	simm.s32 $0x0;
	s21 =	sshll.u32 s5, $0x1;
	s5 =	sadd.s32 s22, s3  }
0x15: {  	[timem:s7], [sflag:s23] =	dma.local [hbm:s5], s21  }
0x16: {  	_ =	swait.ge [sflag:s23], s21  }
0x17: {  	s4 =	ssub.s32 $0x0, s21;
	[sflag:s23] =	ssyncset.done $0x0  }
0x18: {  	[sflag:s23] =	ssyncadd.s32 s4;
	_ =	sdelay $0x1  }
0x19: {  	s24 =	simm.s32 $0x1B8B  }
0x1a: {  	_ =	swait.ge [sflag:s24], $0x1  }
0x1b: {  	[sflag:s24] =	ssyncset.done $0x0  }
0x1c: {  	s26 =	simm.s32 $0x1B8E;
	s25 =	sld [smem:$0x3FFE];
	[sflag:s24] =	ssyncadd.s32 $0xFFFFFFFF  }
0x1d: {  	s27 =	simm.s32 $execute0_lowered;
	[smem:$0x3FD2] =	sst s26  }
0x1e: {  	s5 =	sshll.u32 s27, $0x1;
	_ =	strace $0x80000049;
	[dreg:$0x1] =	wrdreg $0xFFFFFFFF  }
0x1f: {  	s28 =	simm.s32 $_size_execute0_lowered;
	s3 =	sadd.s32 s3, s5;
	[dreg:$0x0] =	wrdreg $0x0  }
0x20: {  	s5 =	sshll.u32 s28, $0x1;
	[dreg:$0x2] =	wrdreg s3  }
0x21: {  	[dreg:$0x3] =	wrdreg s5  }
0x22: {  	[dreg:$0x4] =	wrdreg $0xC0  }
0x23: {  	_ =	task [dreg:s7], $0x5FFFF  }
0x24: {  	[dreg:$0x1] =	wrdreg $0xFFFFFFFF  }
0x25: {  	[dreg:$0x0] =	wrdreg $0x60  }
0x26: {  	[dreg:$0x2] =	wrdreg s25  }
0x27: {  	[dreg:$0x3] =	wrdreg s2  }
0x28: {  	[dreg:$0x4] =	wrdreg $0x9  }
0x29: {  	_ =	task.clear_ibuf [dreg:s7], $0x5FFFF;
	_ =	strace $0x90000049  }
0x2a: {  	s29 =	simm.s32 $0x9;
	_ =	strace $0x8000004B  }
0x2b: {  	_ =	swait.ge [sflag:s29], $0x1  }
0x2c: {  	[sflag:s29] =	ssyncadd.s32 $0xFFFFFFFF  }
0x2d: {  	_ =	strace $0x9000004B  }
0x2e: {  	_ =	sfence  }
0x2f: {  	s30 =	sld [smem:$0x0];
	_ =	sdelay $0x2  }
0x30: {  	s31 =	sshll.u32 s1, $0xD;
	s1 =	sshrl.u32 s1, $0x2  }
0x31: {  	s3 =	sand.u32 $0x4000, s31;
	s1 =	sadd.s32 s1, s30  }
0x32: {  	s0 =	sor.u32 s3, s0;
	s1 =	sshll.u32 s1, $0x11  }
0x33: {  	s0 =	sor.u32 s1, s0  }
0x34: {  	s0 =	sadd.s32 $0x8F2B, s0  }
0x35: {  	[sflag:s0] =	ssyncadd.remote.s32 $0x1  }
0x36: {  	_ =	sfence.sel $0xFFFF  }
0x37: {  	[dreg:$0x0] =	wrdreg $0xFFFFFFFF;
	(pc) =	sbr.abs _section_cstart, $3  }
0x38: {  	[dreg:$0x1] =	wrdreg $0xFFFFFFFF  }
0x39: {  	_ =	task.clear_ibuf [dreg:s7], $0x2FFFF;
	_ =	strace $0x9FFFFFFF  }
0x3a: {  	(tm) =	ssettm $0x7FFFFFFF  }
0x3b: {  	_ =	shalt  }
tec
execute0_lowered:
.L_overlay_start_1:
0x0: {  	(tag) =	ssettag $0x1  }
0x1: {  	s0 =	srdreg.scid  }
0x2: {  	s1 =	sshll.u32 s0, $0x4  }
0x3: {  	s0 =	stileid.u32;
	s1 =	sand.u32 $0x10, s1  }
0x4: {  	s1 =	sor.u32 s0, s1  }
0x5: {  	s6 =	rddreg [dreg:$0x0];
	s4 =	simm.s32 $0x1;
	s2 =	sshll.u32 s1, $0x7  }
0x6: {  	s7 =	simm.s32 $0x2;
	s12 =	simm.s32 $0x0;
	s1 =	ssub.s32 $0x1000, s2  }
0x7: {  	s8 =	simm.s32 $0x8000;
	s13 =	simm.s32 $0x0;
	s3 =	sand.u32 $0xF80, s1  }
0x8: {  	s9 =	simm.s32 $0x0;
	s5 =	sshrl.u32 s1, $0xC;
	p0 =	sne.s32 s3, $0x0  }
.Ltmp0:
0x9: {  	s1 =	rddreg [dreg:$0x2];
	s4 =	simm.s32 @!p0 $0x0;
	(pc) =	sbr.rel .LBB1_1-.Ltmp0, $4  }
0xa: {  	s11 =	simm.s32 $0x0;
	s3 =	rddreg [dreg:$0x1];
	s5 =	sadd.s32 s4, s5  }
0xb: {  	_ =	strace $0x8000004A;
	s4 =	simm.s32 $0x1;
	s5 =	smul.u32 $0xC8, s5  }
0xc: {  	s6 =	sadd.s32 $0xC00, s6;
	s10 =	smov.u32 s2;
	[sflag:s4] =	ssyncpa.u1 $0x0  }
0xd: {  	p0 =	por $0x0, $0x0;
	[sflag:s7] =	ssyncpa.u1 $0x0;
	s7 =	sor.u32 $0x1, s5  }
.LBB1_4:
0xe: {  	s16 =	sshll.u32 s13, $0x3;
	s17 =	sand.u32 $0x78, s13  }
0xf: {  	s30 =	sand.u32 $0x7E00, s13;
	s12 =	sshll.u32 s12, $0xF;
	s16 =	sand.u32 $0xC00, s16  }
0x10: {  	[tilespmem:s15+$0x810 ss:$0x81] =	vst.msk $0xffff, v2;
	s31 =	sand.u32 $0x7, s13;
	s16 =	sor.u32 s17, s16;
	s17 =	sadd.s32 s3, s30  }
0x11: {  	[tilespmem:s15+$0x1020 ss:$0x81] =	vst.msk $0xffff, v0;
	s13 =	sshll.u32 s31, $0x12;
	s12 =	sadd.s32 s12, s17;
	s16 =	sshrl.u32 s16, $0x3  }
0x12: {  	[tilespmem:s15+$0x0 ss:$0x81] =	vst.msk $0xffff, v1;
	s13 =	sor.u32 $0x400, s13;
	s12 =	sadd.s32 s16, s12  }
0x13: {  	[hbm4b:s12+s13] =	stream.strided.scatter [tilespmem:s14], [sflag:$0x2], $0x2000, s8, s13, $0x20;
	[tilespmem:$0x8080] =	vst v63  }
.LBB1_5:
0x14: {  	s14 =	sadd.s32 $0x1, s9  }
0x15: {  	s12 =	sadd.s32 $0x1000, s10;
	s16 =	smov.u32 s10;
	p2 =	sgt.s32 s14, $0xC7  }
0x16: {  	s16 =	smov.u32 @p2 s12  }
0x17: {  	s14 =	simm.s32 @p2 $0x0;
	p2 =	sgt.s32 s16, $0xFFF  }
0x18: {  	s16 =	smov.u32 @p2 s2;
	p2 =	sne.s32 s11, s7  }
.Ltmp1:
0x19: {  	p1 =	slt.u32 s11, $0x2;
	(pc) =	sbr.rel @!p2 .LBB1_6-.Ltmp1, $4  }
0x1a: {  	s15 =	simm.s32 @!p1 $0x2  }
0x1b: {  	s13 =	smov.u32 s10;
	p0 =	por !p0, !p0;
	_ =	swait.ge @!p1 [sflag:s15], $0x2000  }
0x1c: {  	s12 =	smov.u32 s9;
	[sflag:s15] =	ssyncset.done @!p1 $0x0;
	s9 =	smov.u32 s14  }
0x1d: {  	s11 =	sadd.s32 $0x1, s11;
	[sflag:s15] =	ssyncadd.s32 @!p1 $0xFFFFE000;
	s10 =	smov.u32 s16  }
.LBB1_1:
0x1e: {  	p1 =	sge.u32 s11, s5  }
0x1f: {  	s14 =	sand.u32 @!p1 $0x1FFFFFF, s9  }
0x20: {  	s15 =	smulhi.u32 @!p1 $0x147AE15, s14;
	_ =	sdelay $0x1  }
0x21: {  	s15 =	smul.u32 @!p1 $0xC8, s15  }
0x22: {  	s16 =	sxor.u32 @!p1 $0xFFFFFFFF, s11;
	s17 =	smul.u32 @!p1 $0xC80, s10  }
0x23: {  	s31 =	sadd.s32 $0xFFFFFFFF, s11;
	s16 =	sshll.u32 @!p1 s16, $0xD;
	s14 =	ssub.s32 @!p1 s14, s15  }
0x24: {  	s15 =	sand.u32 @!p1 $0x2000, s16;
	s16 =	sadd.s32 @!p1 s6, s17;
	s14 =	sshll.u32 @!p1 s14, $0x4  }
0x25: {  	s17 =	simm.s32 @!p1 $0x6400;
	s14 =	sadd.s32 @!p1 s14, s16;
	s16 =	simm.s32 @!p1 $0x40  }
0x26: {  	[tilespmem:s15], [sflag:$0x1] =	stream.strided.gather @!p1 [hbm4b:s14+s16], $0x2000, s17, s16, $0x38;
	[tilespmem:$0x8080] =	vst v63  }
0x27: {  	p1 =	sge.u32 s31, s5  }
.Ltmp2:
0x28: {  	_ = 	snop;
	(pc) =	sbr.rel @p1 .LBB1_5-.Ltmp2, $1  }
0x29: {  	_ =	sdelay $0x3  }
0x2a: {  	s14 =	simm.s32 $0x1  }
0x2b: {  	_ =	swait.ge [sflag:s4], $0x2000;
	s14 =	simm.s32 @!p0 $0x0  }
0x2c: {  	[sflag:s4] =	ssyncset.done $0x0;
	s15 =	sshll.u32 s14, $0xD  }
0x2d: {  	[sflag:s4] =	ssyncadd.s32 $0xFFFFE000;
	s18 =	sor.u32 $0x20, s15  }
0x2e: {  	s14 =	smul.u32 $0x8100, s14;
	v3 =	vld [tilespmem:s18+$0x10]  }
0x2f: {  	s30 =	sand.u32 $0x1, s11;
	v2 =	vld [tilespmem:s18+$0xFFFFFFF0]  }
0x30: {  	s15 =	smul.u32 $0x8100, s30;
	s14 =	sshrl.u32 s14, $0x2;
	v0 =	vld [tilespmem:s18+$0x0]  }
0x31: {  	v1 =	vld [tilespmem:s18+$0xFFFFFFE0];
	s16 =	sor.u32 $0x4000, s14  }
0x32: {  	s31 =	sshrl.u32 s15, $0x2;
	s15 =	sadd.s32 $0x0, s16  }
0x33: {  	s17 =	simm.s32 $0x4;
	s18 =	sadd.s32 $0x40, s18;
	s14 =	sor.u32 $0x4000, s31;
	[tilespmem:s15+$0x1830 ss:$0x81] =	vst.msk $0xffff, v3  }
.LBB1_3:
0x34: {  	v3 =	vld [tilespmem:s18+$0x10];
	p1 =	sne.s32 s17, $0x1FC;
	[tilespmem:s15+$0x810 ss:$0x81] =	vst.msk $0xffff, v2;
	s19 =	smov.u32 s17;
	s17 =	sadd.s32 $0x4, s17  }
.Ltmp3:
0x35: {  	v2 =	vld [tilespmem:s18+$0xFFFFFFF0];
	[tilespmem:s15+$0x1020 ss:$0x81] =	vst.msk $0xffff, v0;
	(pc) =	sbr.rel @p1 .LBB1_3-.Ltmp3, $4  }
0x36: {  	v0 =	vld [tilespmem:s18+$0x0];
	[tilespmem:s15+$0x0 ss:$0x81] =	vst.msk $0xffff, v1  }
0x37: {  	s15 =	sshra.s32 s19, $0x2;
	v1 =	vld [tilespmem:s18+$0xFFFFFFE0]  }
0x38: {  	s15 =	sadd.s32 s15, s16  }
0x39: {  	s18 =	sadd.s32 $0x40, s18;
	[tilespmem:s15+$0x1830 ss:$0x81] =	vst.msk $0xffff, v3  }
.Ltmp4:
0x3a: {  	_ = 	snop;
	(pc) =	sbr.rel .LBB1_4-.Ltmp4, $1  }
0x3b: {  	_ =	sdelay $0x3  }
.LBB1_6:
0x3c: {  	_ =	sfence.sel $0x180000  }
0x3d: {  	s2 =	simm.s32 $0x1;
	[bflag:$0x0] =	sbarrier.arrive $0xFFFF  }
0x3e: {  	s31 =	simm.s32 $0x2;
	[sflag:s2] =	ssyncpa.u1 $0x1  }
0x3f: {  	[sflag:s31] =	ssyncpa.u1 $0x1  }
0x40: {  	p0 =	sne.s32 s0, $0x0;
	_ =	strace $0x9000004A  }
0x41: {  	s0 =	sadd.s32 @!p0 $0x100000, s1;
	[bflag:$0x2] =	sbarrier.arrive $0xFFFF  }
0x42: {  	[sflag:s0] =	ssyncadd.tile.s32 @!p0 $0x1;
	_ =	shalt  }
.Lfunc_end1:
_tile_overlayer_lowered:
.L_overlay_start_2:
0x43: {  	(tag) =	ssettag $0x2  }
0x44: {  	s0 =	rddreg [dreg:$0x0];
	s2 =	stileid.u32  }
0x45: {  	s1 =	rddreg [dreg:$0x1];
	p0 =	sne.s32 s2, $0x0  }
0x46: {  	s3 =	rddreg [dreg:$0x2];
	[bflag:$0x3] =	sbarrier.arrive $0xFFFF;
	s2 =	simm.s32 @!p0 $0x1C01  }
0x47: {  	[timem:s3], [sflag:s2] =	dma.local @!p0 [hbm:s0], s1  }
0x48: {  	s0 =	simm.s32 @!p0 $0x1  }
0x49: {  	_ =	swait.ge @!p0 [sflag:s0], s1  }
0x4a: {  	s1 =	ssub.s32 @!p0 $0x0, s1;
	[sflag:s0] =	ssyncset.done @!p0 $0x0  }
0x4b: {  	[sflag:s0] =	ssyncadd.s32 @!p0 s1  }
0x4c: {  	[bflag:$0x3] =	sbarrier.arrive $0xFFFF  }
0x4d: {  	_ =	shalt  }

</sc_bundles>
